<compile_context>
chip_gen: v7x
topology: tpu7x:2x2x1
jax: 0.10.2.dev20260603
libtpu: 0.0.44.dev20260713+nightly
codegen_flags: <defaults>
</compile_context>

<pallas_src>
import dataclasses
import functools

import jax
import jax.numpy as jnp
from jax import lax
from jax.experimental import pallas as pl
from jax.experimental.pallas import tpu as pltpu
from jax.experimental.pallas import tpu_sc as plsc

NC = 2
NS = 16
NTILES = NC * NS
CHUNK = 128
DEG_W = 16


def _cdiv(a, b):
    return (a + b - 1) // b


def _sc_mesh():
    return plsc.VectorSubcoreMesh(core_axis_name="c", subcore_axis_name="s")


def _make_degree_kernel(n_pad, cpt):

    @functools.partial(
        pl.kernel,
        out_type=jax.ShapeDtypeStruct((NTILES * n_pad,), jnp.float32),
        mesh=_sc_mesh(),
        scratch_types=[
            pltpu.VMEM((cpt, CHUNK), jnp.int32),
            pltpu.VMEM((n_pad,), jnp.float32),
        ],
        compiler_params=dataclasses.replace(pltpu.CompilerParams(),
                                            needs_layout_passes=False),
    )
    def deg_kernel(dst_hbm, zeros_hbm, out_hbm, idx_v, acc_v):
        c = lax.axis_index("c")
        s = lax.axis_index("s")
        wid = s * NC + c
        pltpu.sync_copy(zeros_hbm, acc_v)
        pltpu.sync_copy(dst_hbm.at[pl.ds(wid * cpt, cpt)], idx_v)
        ones16 = jnp.ones((16,), jnp.float32)

        @pl.loop(0, cpt)
        def _(j):
            @pl.loop(0, CHUNK // 16)
            def _(k):
                idx = idx_v[j, pl.ds(k * 16, 16)]
                plsc.addupdate_scatter(acc_v, [idx], ones16)

        pltpu.sync_copy(acc_v, out_hbm.at[pl.ds(wid * n_pad, n_pad)])

    return deg_kernel


def _make_scatter_kernel(n_pad, cpt, h):
    rows_per_sub = n_pad // NS

    @functools.partial(
        pl.kernel,
        out_type=jax.ShapeDtypeStruct((NC, n_pad, h), jnp.float32),
        mesh=_sc_mesh(),
        scratch_types=[
            pltpu.VMEM((cpt // 2, CHUNK), jnp.int32),
            pltpu.VMEM((cpt // 2, CHUNK), jnp.int32),
            pltpu.VMEM((CHUNK, h), jnp.float32),
            pltpu.VMEM((CHUNK, h), jnp.float32),
            pltpu.SemaphoreType.DMA,
            pltpu.SemaphoreType.DMA,
            pltpu.SemaphoreType.DMA,
            pltpu.SemaphoreType.DMA,
            pltpu.VMEM_SHARED((n_pad, h), jnp.float32),
        ],
    )
    def scat_kernel(hp_hbm, src_hbm, dst_hbm, zeros_hbm, out_hbm,
                    sidx_v, didx_v, rows0, rows1, gs0, gs1, ss0, ss1, acc_sh):
        c = lax.axis_index("c")
        s = lax.axis_index("s")
        wid = s * NC + c
        half = cpt // 2
        pltpu.sync_copy(zeros_hbm, acc_sh.at[pl.ds(s * rows_per_sub, rows_per_sub)])
        plsc.subcore_barrier()

        def gather(j, rows, sem):
            pltpu.async_copy(hp_hbm.at[sidx_v.at[j]], rows, sem)

        def gwait(j, rows, sem):
            pltpu.make_async_copy(hp_hbm.at[sidx_v.at[j]], rows, sem).wait()

        def scat(j, rows, sem):
            pltpu.async_copy(rows, acc_sh.at[didx_v.at[j]], sem, add=True)

        def swait(j, rows, sem):
            pltpu.make_async_copy(rows, acc_sh.at[didx_v.at[j]], sem).wait()

        for p in range(2):
            base = wid * cpt + p * half
            pltpu.sync_copy(src_hbm.at[pl.ds(base, half)], sidx_v)
            pltpu.sync_copy(dst_hbm.at[pl.ds(base, half)], didx_v)
            gather(0, rows0, gs0)
            gather(1, rows1, gs1)

            @pl.loop(0, half // 2 - 1)
            def _(jj):
                j0 = 2 * jj
                gwait(j0, rows0, gs0)
                scat(j0, rows0, ss0)
                gwait(j0 + 1, rows1, gs1)
                swait(j0, rows0, ss0)
                gather(j0 + 2, rows0, gs0)
                scat(j0 + 1, rows1, ss1)
                swait(j0 + 1, rows1, ss1)
                gather(j0 + 3, rows1, gs1)

            jl = half - 2
            gwait(jl, rows0, gs0)
            scat(jl, rows0, ss0)
            gwait(jl + 1, rows1, gs1)
            scat(jl + 1, rows1, ss1)
            swait(jl, rows0, ss0)
            swait(jl + 1, rows1, ss1)

        plsc.subcore_barrier()
        pltpu.sync_copy(acc_sh.at[pl.ds(s * rows_per_sub, rows_per_sub)],
                        out_hbm.at[c, pl.ds(s * rows_per_sub, rows_per_sub)])

    return scat_kernel



_BLK = 1000


def _tc_mm_scale(x, w, degs):
    n, d = x.shape
    h = w.shape[1]

    def body(x_ref, w_ref, dg_ref, hp_ref, dinv_ref):
        deg = jnp.sum(dg_ref[...], axis=1, keepdims=True) + 1.0
        dinv = lax.rsqrt(deg)
        dinv_ref[...] = dinv
        hw = jnp.dot(x_ref[...], w_ref[...], preferred_element_type=jnp.float32)
        hp_ref[...] = dinv * hw

    return pl.pallas_call(
        body,
        grid=(n // _BLK,),
        in_specs=[pl.BlockSpec((_BLK, d), lambda i: (i, 0)),
                  pl.BlockSpec((d, h), lambda i: (0, 0)),
                  pl.BlockSpec((_BLK, NTILES), lambda i: (i, 0))],
        out_specs=[pl.BlockSpec((_BLK, h), lambda i: (i, 0)),
                   pl.BlockSpec((_BLK, 1), lambda i: (i, 0))],
        out_shape=[jax.ShapeDtypeStruct((n, h), jnp.float32),
                   jax.ShapeDtypeStruct((n, 1), jnp.float32)],
    )(x, w, degs)


def _tc_post_mm(a0, a1, hp, dinv, b, w, bias2=None):
    n, h = hp.shape
    hout = w.shape[1]
    scale_out = bias2 is None
    if bias2 is None:
        bias2 = jnp.zeros((1, hout), jnp.float32)

    def body(a0_ref, a1_ref, hp_ref, dinv_ref, b_ref, w_ref, b2_ref, o_ref):
        dinv = dinv_ref[...]
        layer = dinv * (a0_ref[...] + a1_ref[...] + hp_ref[...]) + b_ref[...]
        layer = jnp.maximum(layer, 0.0)
        r = jnp.dot(layer, w_ref[...], preferred_element_type=jnp.float32)
        if scale_out:
            o_ref[...] = dinv * r
        else:
            o_ref[...] = r + b2_ref[...]

    return pl.pallas_call(
        body,
        grid=(n // _BLK,),
        in_specs=[pl.BlockSpec((_BLK, h), lambda i: (i, 0)),
                  pl.BlockSpec((_BLK, h), lambda i: (i, 0)),
                  pl.BlockSpec((_BLK, h), lambda i: (i, 0)),
                  pl.BlockSpec((_BLK, 1), lambda i: (i, 0)),
                  pl.BlockSpec((1, h), lambda i: (0, 0)),
                  pl.BlockSpec((h, hout), lambda i: (0, 0)),
                  pl.BlockSpec((1, hout), lambda i: (0, 0))],
        out_specs=pl.BlockSpec((_BLK, hout), lambda i: (i, 0)),
        out_shape=jax.ShapeDtypeStruct((n, hout), jnp.float32),
    )(a0, a1, hp, dinv, b, w, bias2)


def _sigmoid_t(x):
    return 0.5 * jnp.tanh(0.5 * x) + 0.5


_LC = 125
_LL = 80
_LW = 80
_CP = 128


def _tc_relayout(g):
    n, g4 = g.shape
    steps = _LW + _LL

    def body(g_ref, o_ref):
        gid = pl.program_id(0)
        for k in range(8):
            i = gid * 8 + k

            @pl.when(i == 0)
            def _():
                o_ref[0:_LW, k, :] = jnp.zeros((_LW, g4), jnp.float32)
                o_ref[_LW:steps, k, :] = g_ref[0:_LL, :]

            @pl.when(jnp.logical_and(i > 0, i < _LC))
            def _():
                o_ref[:, k, :] = g_ref[pl.ds(i * _LL - _LW, steps), :]

            @pl.when(i >= _LC)
            def _():
                o_ref[:, k, :] = jnp.zeros((steps, g4), jnp.float32)

    return pl.pallas_call(
        body,
        grid=(_CP // 8,),
        in_specs=[pl.BlockSpec((n, g4), lambda i: (0, 0))],
        out_specs=pl.BlockSpec((steps, 8, g4), lambda i: (0, i, 0)),
        out_shape=jax.ShapeDtypeStruct((steps, _CP, g4), jnp.float32),
    )(g)


def _tc_chunk_lstm(gs, w_hh_t):
    steps, cp, g4 = gs.shape
    h = g4 // 4

    def body(gs_ref, whh_ref, o_ref, h_ref, c_ref):
        t = pl.program_id(0)

        @pl.when(t == 0)
        def _():
            h_ref[...] = jnp.zeros((cp, h), jnp.float32)
            c_ref[...] = jnp.zeros((cp, h), jnp.float32)

        @pl.when(t == _LW)
        def _():
            h_ref[0:1, :] = jnp.zeros((1, h), jnp.float32)
            c_ref[0:1, :] = jnp.zeros((1, h), jnp.float32)

        gates = gs_ref[0] + jnp.dot(h_ref[...].astype(jnp.bfloat16),
                                    whh_ref[...],
                                    preferred_element_type=jnp.float32)
        ig = _sigmoid_t(gates[:, 0:h])
        fg = _sigmoid_t(gates[:, h:2 * h])
        gg = jnp.tanh(gates[:, 2 * h:3 * h])
        og = _sigmoid_t(gates[:, 3 * h:4 * h])
        cv = fg * c_ref[...] + ig * gg
        hv = og * jnp.tanh(cv)
        c_ref[...] = cv
        h_ref[...] = hv
        o_ref[0] = hv

    return pl.pallas_call(
        body,
        grid=(steps,),
        in_specs=[pl.BlockSpec((1, cp, g4), lambda t: (t, 0, 0)),
                  pl.BlockSpec((h, g4), lambda t: (0, 0))],
        out_specs=pl.BlockSpec((1, cp, h), lambda t: (t, 0, 0)),
        out_shape=jax.ShapeDtypeStruct((steps, cp, h), jnp.float32),
        scratch_shapes=[pltpu.VMEM((cp, h), jnp.float32),
                        pltpu.VMEM((cp, h), jnp.float32)],
    )(gs, w_hh_t)


def _tc_matmul_bias(x, w, b):
    n, d = x.shape
    hout = w.shape[1]

    def body(x_ref, w_ref, b_ref, o_ref):
        o_ref[...] = jnp.dot(x_ref[...], w_ref[...],
                             preferred_element_type=jnp.float32) + b_ref[...]

    return pl.pallas_call(
        body,
        grid=(n // _BLK,),
        in_specs=[pl.BlockSpec((_BLK, d), lambda i: (i, 0)),
                  pl.BlockSpec((d, hout), lambda i: (0, 0)),
                  pl.BlockSpec((1, hout), lambda i: (0, 0))],
        out_specs=pl.BlockSpec((_BLK, hout), lambda i: (i, 0)),
        out_shape=jax.ShapeDtypeStruct((n, hout), jnp.float32),
    )(x, w, b)


def kernel(x, edge_index, W1, b1, W2, b2, W_ih, W_hh, b_ih, b_hh, W_lin, b_lin):
    n, d = x.shape
    h = W1.shape[1]
    e = edge_index.shape[1]

    cpt = _cdiv(_cdiv(e, NTILES * CHUNK), 8) * 8
    e_pad = NTILES * cpt * CHUNK
    n_pad = _cdiv(n + 1, NS * 8) * NS * 8
    rows_per_sub = n_pad // NS

    src = edge_index[0]
    dst = edge_index[1]
    pad = e_pad - e
    src2 = jnp.concatenate([src, jnp.zeros((pad,), jnp.int32)]
                           ).reshape(NTILES * cpt, CHUNK)
    dst2 = jnp.concatenate([dst, jnp.full((pad,), n, jnp.int32)]
                           ).reshape(NTILES * cpt, CHUNK)

    zeros_deg = jnp.zeros((n_pad,), jnp.float32)
    zeros_h = jnp.zeros((rows_per_sub, h), jnp.float32)

    deg_k = _make_degree_kernel(n_pad, cpt)
    scat_k = _make_scatter_kernel(n_pad, cpt, h)

    degp = deg_k(dst2, zeros_deg)
    degs = degp.reshape(NTILES, n_pad).T[:n]
    h1p, dinv = _tc_mm_scale(x, W1, degs)

    acc1 = scat_k(h1p, src2, dst2, zeros_h)
    b1r = b1.reshape(1, h)
    h2p = _tc_post_mm(acc1[0, :n], acc1[1, :n], h1p, dinv, b1r, W2)

    acc2 = scat_k(h2p, src2, dst2, zeros_h)
    b2r = b2.reshape(1, h)
    gate_bias = (b_ih + b_hh).reshape(1, 4 * h)
    gmat = _tc_post_mm(acc2[0, :n], acc2[1, :n], h2p, dinv, b2r,
                       W_ih.T, bias2=gate_bias)

    gs = _tc_relayout(gmat)
    hs3 = _tc_chunk_lstm(gs, W_hh.T.astype(jnp.bfloat16))
    hs2 = hs3[_LW:, :_LC, :].transpose(1, 0, 2).reshape(n, h)
    out = _tc_matmul_bias(hs2, W_lin.T, b_lin.reshape(1, -1))
    return out

# --- scband reference (transcript-rebuilt; emitter-appended) ---
"""Pipeline reference for scband-temporal-gnn-83322365542776 (READ-ONLY COPY).

The authoritative reference and input builder live on the scoring server;
editing this copy changes nothing except your own understanding.
"""

import jax, jax.numpy as jnp
import numpy as np

N = 10000
E = 320000
D = 128
H = 128
OUT = 128


def setup_inputs(seed: int = 0) -> dict:
    key = jax.random.key(seed)
    ks = jax.random.split(key, 12)
    x = jax.random.normal(ks[0], (N, D), dtype=jnp.float32)
    edge_index = jax.random.randint(ks[1], (2, E), 0, N, dtype=jnp.int32)
    W1 = jax.random.normal(ks[2], (D, H), dtype=jnp.float32) * 0.05
    b1 = jax.random.normal(ks[3], (H,), dtype=jnp.float32) * 0.05
    W2 = jax.random.normal(ks[4], (H, H), dtype=jnp.float32) * 0.05
    b2 = jax.random.normal(ks[5], (H,), dtype=jnp.float32) * 0.05
    W_ih = jax.random.normal(ks[6], (4 * H, H), dtype=jnp.float32) * 0.05
    W_hh = jax.random.normal(ks[7], (4 * H, H), dtype=jnp.float32) * 0.05
    b_ih = jax.random.normal(ks[8], (4 * H,), dtype=jnp.float32) * 0.05
    b_hh = jax.random.normal(ks[9], (4 * H,), dtype=jnp.float32) * 0.05
    W_lin = jax.random.normal(ks[10], (OUT, H), dtype=jnp.float32) * 0.05
    b_lin = jax.random.normal(ks[11], (OUT,), dtype=jnp.float32) * 0.05
    return {"x": x, "edge_index": edge_index, "W1": W1, "b1": b1, "W2": W2, "b2": b2,
            "W_ih": W_ih, "W_hh": W_hh, "b_ih": b_ih, "b_hh": b_hh, "W_lin": W_lin, "b_lin": b_lin}


def _gcn_conv(x, edge_index, W, b):
    # PyG GCNConv: add self-loops, symmetric normalization, linear transform, scatter-add, bias
    src = edge_index[0]
    dst = edge_index[1]
    loop = jnp.arange(N, dtype=src.dtype)
    src = jnp.concatenate([src, loop])
    dst = jnp.concatenate([dst, loop])
    deg = jnp.zeros((N,), jnp.float32).at[dst].add(1.0)
    deg_inv_sqrt = jnp.where(deg > 0, 1.0 / jnp.sqrt(deg), 0.0)
    norm = deg_inv_sqrt[src] * deg_inv_sqrt[dst]
    h = x @ W
    msg = h[src] * norm[:, None]
    out = jnp.zeros((N, W.shape[1]), jnp.float32).at[dst].add(msg)
    return out + b


def reference(x, edge_index, W1, b1, W2, b2, W_ih, W_hh, b_ih, b_hh, W_lin, b_lin):
    h = jax.nn.relu(_gcn_conv(x, edge_index, W1, b1))
    # dropout p=0.2 is identity in eval mode
    h = jax.nn.relu(_gcn_conv(h, edge_index, W2, b2))
    # LSTM over the node dimension as a length-N sequence (batch=1, batch_first)
    def lstm_step(carry, x_t):
        hprev, cprev = carry
        gates = x_t @ W_ih.T + hprev @ W_hh.T + b_ih + b_hh
        i, f, g, o = jnp.split(gates, 4)
        i = jax.nn.sigmoid(i)
        f = jax.nn.sigmoid(f)
        g = jnp.tanh(g)
        o = jax.nn.sigmoid(o)
        c = f * cprev + i * g
        hnew = o * jnp.tanh(c)
        return (hnew, c), hnew

    init = (jnp.zeros((H,), jnp.float32), jnp.zeros((H,), jnp.float32))
    _, hs = jax.lax.scan(lstm_step, init, h)
    out = hs @ W_lin.T + b_lin
    return out

if __name__ == "__main__":
    import jax
    _d = setup_inputs()
    print(jax.jit(kernel)(*tuple(_d.values())))

</pallas_src>

<mosaic_0001>
#map = affine_map<(d0, d1) -> (0, 0)>
#map1 = affine_map<(d0, d1) -> (0)>
module attributes {stable_mosaic.version = 14 : i64} {
  func.func @deg_kernel(%arg0: i32, %arg1: i32, %arg2: memref<2560x128xi32, #tpu.memory_space<hbm>>, %arg3: memref<10112xf32, #tpu.memory_space<hbm>>, %arg4: memref<323584xf32, #tpu.memory_space<hbm>>, %arg5: memref<80x128xi32, #tpu.memory_space<vmem>>, %arg6: memref<10112xf32, #tpu.memory_space<vmem>>) attributes {dimension_semantics = [#tpu.dimension_semantics<core_parallel>, #tpu.dimension_semantics<subcore_parallel>], iteration_bounds = array<i64: 2, 16>, scalar_prefetch = 0 : i64, scratch_operands = 2 : i64, tpu.core_type = #tpu.core_type<sc_vector_subcore>, window_params = [{transform_indices = #map}, {transform_indices = #map1}, {transform_indices = #map1}]} {
    %mul3A = arith.constant 2 : i32
    %mul3A_0 = arith.muli %arg1, %mul3A : i32
    %add3A = arith.addi %mul3A_0, %arg0 : i32
    "tpu.region"() ({
      %run_scoped3A = tpu.sem_alloc : memref<!tpu.dma_semaphore, #tpu.memory_space<semaphore_mem>>
      tpu.enqueue_dma source(%arg3 : memref<10112xf32, #tpu.memory_space<hbm>>) target(%arg6 : memref<10112xf32, #tpu.memory_space<vmem>>) target_semaphore(%run_scoped3A : memref<!tpu.dma_semaphore, #tpu.memory_space<semaphore_mem>>)
      tpu.wait_dma2 semaphore(%run_scoped3A : memref<!tpu.dma_semaphore, #tpu.memory_space<semaphore_mem>>) src(%arg3 : memref<10112xf32, #tpu.memory_space<hbm>>) dst(%arg6 : memref<10112xf32, #tpu.memory_space<vmem>>)
      tpu.yield
    }) : () -> ()
    %mul3A_1 = arith.constant 80 : i32
    %mul3A_2 = arith.muli %add3A, %mul3A_1 : i32
    "tpu.region"() ({
      %run_scoped3A = tpu.sem_alloc : memref<!tpu.dma_semaphore, #tpu.memory_space<semaphore_mem>>
      %dma_start3A = arith.constant 0 : i32
      %dma_start3A_10 = tpu.memref_slice %arg2[%mul3A_2, %dma_start3A] : memref<2560x128xi32, #tpu.memory_space<hbm>> -> memref<80x128xi32, #tpu.memory_space<hbm>>
      %dma_start3A_11 = arith.constant 0 : i32
      %dma_start3A_12 = tpu.memref_slice %arg2[%mul3A_2, %dma_start3A_11] : memref<2560x128xi32, #tpu.memory_space<hbm>> -> memref<80x128xi32, #tpu.memory_space<hbm>>
      tpu.enqueue_dma source(%dma_start3A_12 : memref<80x128xi32, #tpu.memory_space<hbm>>) target(%arg5 : memref<80x128xi32, #tpu.memory_space<vmem>>) target_semaphore(%run_scoped3A : memref<!tpu.dma_semaphore, #tpu.memory_space<semaphore_mem>>)
      %dma_wait3A = arith.constant 0 : i32
      %dma_wait3A_13 = tpu.memref_slice %arg2[%mul3A_2, %dma_wait3A] : memref<2560x128xi32, #tpu.memory_space<hbm>> -> memref<80x128xi32, #tpu.memory_space<hbm>>
      %dma_wait3A_14 = arith.constant 0 : i32
      %dma_wait3A_15 = tpu.memref_slice %arg2[%mul3A_2, %dma_wait3A_14] : memref<2560x128xi32, #tpu.memory_space<hbm>> -> memref<80x128xi32, #tpu.memory_space<hbm>>
      tpu.wait_dma2 semaphore(%run_scoped3A : memref<!tpu.dma_semaphore, #tpu.memory_space<semaphore_mem>>) src(%dma_wait3A_15 : memref<80x128xi32, #tpu.memory_space<hbm>>) dst(%arg5 : memref<80x128xi32, #tpu.memory_space<vmem>>)
      tpu.yield
    }) : () -> ()
    %broadcast_in_dim3A = arith.constant 1.000000e+00 : f32
    %broadcast_in_dim3A_3 = vector.broadcast %broadcast_in_dim3A : f32 to vector<16xf32>
    %scan3A = arith.constant 0 : i32
    %scan3A_4 = arith.constant 80 : i32
    %scan3A_5 = arith.addi %scan3A, %scan3A_4 : i32
    %scan3A_6 = arith.constant 1 : i32
    scf.for %scan3A_10 = %scan3A to %scan3A_5 step %scan3A_6  : i32 {
      %mul3A_11 = arith.constant 1 : i32
      %mul3A_12 = arith.muli %scan3A_10, %mul3A_11 : i32
      %add3A_13 = arith.constant 0 : i32
      %add3A_14 = arith.addi %add3A_13, %mul3A_12 : i32
      %scan3A_15 = arith.constant 0 : i32
      %scan3A_16 = arith.constant 8 : i32
      %scan3A_17 = arith.addi %scan3A_15, %scan3A_16 : i32
      %scan3A_18 = arith.constant 1 : i32
      scf.for %scan3A_20 = %scan3A_15 to %scan3A_17 step %scan3A_18  : i32 {
        %mul3A_21 = arith.constant 1 : i32
        %mul3A_22 = arith.muli %scan3A_20, %mul3A_21 : i32
        %add3A_23 = arith.constant 0 : i32
        %add3A_24 = arith.addi %add3A_23, %mul3A_22 : i32
        %mul3A_25 = arith.constant 16 : i32
        %mul3A_26 = arith.muli %add3A_24, %mul3A_25 : i32
        %get3A = arith.index_cast %add3A_14 : i32 to index
        %get3A_27 = arith.index_cast %mul3A_26 : i32 to index
        %get3A_28 = tpu.vector_load %arg5[%get3A, %get3A_27] {strides = array<i32>} : memref<80x128xi32, #tpu.memory_space<vmem>>, vector<16xi32>,
        tpu.vector_store_idx %arg6[%get3A_28], %broadcast_in_dim3A_3 {add = true} : memref<10112xf32, #tpu.memory_space<vmem>>[vector<16xi32>], vector<16xf32>,
      }
      %scan3A_19 = arith.constant 8 : i32
    }
    %scan3A_7 = arith.constant 80 : i32
    %mul3A_8 = arith.constant 10112 : i32
    %mul3A_9 = arith.muli %add3A, %mul3A_8 : i32
    "tpu.region"() ({
      %run_scoped3A = tpu.sem_alloc : memref<!tpu.dma_semaphore, #tpu.memory_space<semaphore_mem>>
      %dma_start3A = tpu.memref_slice %arg4[%mul3A_9] : memref<323584xf32, #tpu.memory_space<hbm>> -> memref<10112xf32, #tpu.memory_space<hbm>>
      %dma_start3A_10 = tpu.memref_slice %arg4[%mul3A_9] : memref<323584xf32, #tpu.memory_space<hbm>> -> memref<10112xf32, #tpu.memory_space<hbm>>
      tpu.enqueue_dma source(%arg6 : memref<10112xf32, #tpu.memory_space<vmem>>) target(%dma_start3A_10 : memref<10112xf32, #tpu.memory_space<hbm>>) target_semaphore(%run_scoped3A : memref<!tpu.dma_semaphore, #tpu.memory_space<semaphore_mem>>)
      %dma_wait3A = tpu.memref_slice %arg4[%mul3A_9] : memref<323584xf32, #tpu.memory_space<hbm>> -> memref<10112xf32, #tpu.memory_space<hbm>>
      %dma_wait3A_11 = tpu.memref_slice %arg4[%mul3A_9] : memref<323584xf32, #tpu.memory_space<hbm>> -> memref<10112xf32, #tpu.memory_space<hbm>>
      tpu.wait_dma2 semaphore(%run_scoped3A : memref<!tpu.dma_semaphore, #tpu.memory_space<semaphore_mem>>) src(%arg6 : memref<10112xf32, #tpu.memory_space<vmem>>) dst(%dma_wait3A_11 : memref<10112xf32, #tpu.memory_space<hbm>>)
      tpu.yield
    }) : () -> ()
    return
  }
}

#map = affine_map<(d0, d1) -> (0, 0)>
#map1 = affine_map<(d0, d1) -> (0, 0, 0)>
module attributes {stable_mosaic.version = 14 : i64} {
  func.func @scat_kernel(%arg0: i32, %arg1: i32, %arg2: memref<10000x128xf32, #tpu.memory_space<hbm>>, %arg3: memref<2560x128xi32, #tpu.memory_space<hbm>>, %arg4: memref<2560x128xi32, #tpu.memory_space<hbm>>, %arg5: memref<632x128xf32, #tpu.memory_space<hbm>>, %arg6: memref<2x10112x128xf32, #tpu.memory_space<hbm>>, %arg7: memref<40x128xi32, #tpu.memory_space<vmem>>, %arg8: memref<40x128xi32, #tpu.memory_space<vmem>>, %arg9: memref<128x128xf32, #tpu.memory_space<vmem>>, %arg10: memref<128x128xf32, #tpu.memory_space<vmem>>, %arg11: memref<!tpu.dma_semaphore, #tpu.memory_space<semaphore_mem>>, %arg12: memref<!tpu.dma_semaphore, #tpu.memory_space<semaphore_mem>>, %arg13: memref<!tpu.dma_semaphore, #tpu.memory_space<semaphore_mem>>, %arg14: memref<!tpu.dma_semaphore, #tpu.memory_space<semaphore_mem>>, %arg15: memref<10112x128xf32, #tpu.memory_space<vmem_shared>>) attributes {dimension_semantics = [#tpu.dimension_semantics<core_parallel>, #tpu.dimension_semantics<subcore_parallel>], iteration_bounds = array<i64: 2, 16>, scalar_prefetch = 0 : i64, scratch_operands = 9 : i64, tpu.core_type = #tpu.core_type<sc_vector_subcore>, window_params = [{transform_indices = #map}, {transform_indices = #map}, {transform_indices = #map}, {transform_indices = #map}, {transform_indices = #map1}]} {
    %mul3A = arith.constant 2 : i32
    %mul3A_0 = arith.muli %arg1, %mul3A : i32
    %add3A = arith.addi %mul3A_0, %arg0 : i32
    %mul3A_1 = arith.constant 632 : i32
    %mul3A_2 = arith.muli %arg1, %mul3A_1 : i32
    "tpu.region"() ({
      %run_scoped3A = tpu.sem_alloc : memref<!tpu.dma_semaphore, #tpu.memory_space<semaphore_mem>>
      %dma_start3A_135 = arith.constant 0 : i32
      %dma_start3A_136 = tpu.memref_slice %arg15[%mul3A_2, %dma_start3A_135] : memref<10112x128xf32, #tpu.memory_space<vmem_shared>> -> memref<632x128xf32, #tpu.memory_space<vmem_shared>>
      tpu.enqueue_dma source(%arg5 : memref<632x128xf32, #tpu.memory_space<hbm>>) target(%dma_start3A_136 : memref<632x128xf32, #tpu.memory_space<vmem_shared>>) target_semaphore(%run_scoped3A : memref<!tpu.dma_semaphore, #tpu.memory_space<semaphore_mem>>)
      %dma_wait3A_137 = arith.constant 0 : i32
      %dma_wait3A_138 = tpu.memref_slice %arg15[%mul3A_2, %dma_wait3A_137] : memref<10112x128xf32, #tpu.memory_space<vmem_shared>> -> memref<632x128xf32, #tpu.memory_space<vmem_shared>>
      tpu.wait_dma2 semaphore(%run_scoped3A : memref<!tpu.dma_semaphore, #tpu.memory_space<semaphore_mem>>) src(%arg5 : memref<632x128xf32, #tpu.memory_space<hbm>>) dst(%dma_wait3A_138 : memref<632x128xf32, #tpu.memory_space<vmem_shared>>)
      tpu.yield
    }) : () -> ()
    %barrier3A = arith.constant 0 : index
    tpu.barrier barrier_id(%barrier3A)
    %mul3A_3 = arith.constant 80 : i32
    %mul3A_4 = arith.muli %add3A, %mul3A_3 : i32
    %add3A_5 = arith.constant 0 : i32
    %add3A_6 = arith.addi %mul3A_4, %add3A_5 : i32
    "tpu.region"() ({
      %run_scoped3A = tpu.sem_alloc : memref<!tpu.dma_semaphore, #tpu.memory_space<semaphore_mem>>
      %dma_start3A_135 = arith.constant 0 : i32
      %dma_start3A_136 = tpu.memref_slice %arg3[%add3A_6, %dma_start3A_135] : memref<2560x128xi32, #tpu.memory_space<hbm>> -> memref<40x128xi32, #tpu.memory_space<hbm>>
      %dma_start3A_137 = arith.constant 0 : i32
      %dma_start3A_138 = tpu.memref_slice %arg3[%add3A_6, %dma_start3A_137] : memref<2560x128xi32, #tpu.memory_space<hbm>> -> memref<40x128xi32, #tpu.memory_space<hbm>>
      tpu.enqueue_dma source(%dma_start3A_138 : memref<40x128xi32, #tpu.memory_space<hbm>>) target(%arg7 : memref<40x128xi32, #tpu.memory_space<vmem>>) target_semaphore(%run_scoped3A : memref<!tpu.dma_semaphore, #tpu.memory_space<semaphore_mem>>)
      %dma_wait3A_139 = arith.constant 0 : i32
      %dma_wait3A_140 = tpu.memref_slice %arg3[%add3A_6, %dma_wait3A_139] : memref<2560x128xi32, #tpu.memory_space<hbm>> -> memref<40x128xi32, #tpu.memory_space<hbm>>
      %dma_wait3A_141 = arith.constant 0 : i32
      %dma_wait3A_142 = tpu.memref_slice %arg3[%add3A_6, %dma_wait3A_141] : memref<2560x128xi32, #tpu.memory_space<hbm>> -> memref<40x128xi32, #tpu.memory_space<hbm>>
      tpu.wait_dma2 semaphore(%run_scoped3A : memref<!tpu.dma_semaphore, #tpu.memory_space<semaphore_mem>>) src(%dma_wait3A_142 : memref<40x128xi32, #tpu.memory_space<hbm>>) dst(%arg7 : memref<40x128xi32, #tpu.memory_space<vmem>>)
      tpu.yield
    }) : () -> ()
    "tpu.region"() ({
      %run_scoped3A = tpu.sem_alloc : memref<!tpu.dma_semaphore, #tpu.memory_space<semaphore_mem>>
      %dma_start3A_135 = arith.constant 0 : i32
      %dma_start3A_136 = tpu.memref_slice %arg4[%add3A_6, %dma_start3A_135] : memref<2560x128xi32, #tpu.memory_space<hbm>> -> memref<40x128xi32, #tpu.memory_space<hbm>>
      %dma_start3A_137 = arith.constant 0 : i32
      %dma_start3A_138 = tpu.memref_slice %arg4[%add3A_6, %dma_start3A_137] : memref<2560x128xi32, #tpu.memory_space<hbm>> -> memref<40x128xi32, #tpu.memory_space<hbm>>
      tpu.enqueue_dma source(%dma_start3A_138 : memref<40x128xi32, #tpu.memory_space<hbm>>) target(%arg8 : memref<40x128xi32, #tpu.memory_space<vmem>>) target_semaphore(%run_scoped3A : memref<!tpu.dma_semaphore, #tpu.memory_space<semaphore_mem>>)
      %dma_wait3A_139 = arith.constant 0 : i32
      %dma_wait3A_140 = tpu.memref_slice %arg4[%add3A_6, %dma_wait3A_139] : memref<2560x128xi32, #tpu.memory_space<hbm>> -> memref<40x128xi32, #tpu.memory_space<hbm>>
      %dma_wait3A_141 = arith.constant 0 : i32
      %dma_wait3A_142 = tpu.memref_slice %arg4[%add3A_6, %dma_wait3A_141] : memref<2560x128xi32, #tpu.memory_space<hbm>> -> memref<40x128xi32, #tpu.memory_space<hbm>>
      tpu.wait_dma2 semaphore(%run_scoped3A : memref<!tpu.dma_semaphore, #tpu.memory_space<semaphore_mem>>) src(%dma_wait3A_142 : memref<40x128xi32, #tpu.memory_space<hbm>>) dst(%arg8 : memref<40x128xi32, #tpu.memory_space<vmem>>)
      tpu.yield
    }) : () -> ()
    %dma_start3A = arith.constant 0 : i32
    %dma_start3A_7 = arith.constant 0 : i32
    %dma_start3A_8 = tpu.memref_slice %arg7[%dma_start3A, %dma_start3A_7] : memref<40x128xi32, #tpu.memory_space<vmem>> -> memref<1x128xi32, #tpu.memory_space<vmem>>
    %dma_start3A_9 = tpu.memref_squeeze %dma_start3A_8 : memref<1x128xi32, #tpu.memory_space<vmem>> -> memref<128xi32, #tpu.memory_space<vmem>>
    %dma_start3A_10 = arith.constant 0 : i32
    %dma_start3A_11 = arith.constant 0 : i32
    %dma_start3A_12 = tpu.memref_slice %arg2[%dma_start3A_10, %dma_start3A_11] : memref<10000x128xf32, #tpu.memory_space<hbm>> -> memref<10000x128xf32, #tpu.memory_space<hbm>>
    tpu.enqueue_indirect_dma source(%dma_start3A_12 : memref<10000x128xf32, #tpu.memory_space<hbm>>) target(%arg9 : memref<128x128xf32, #tpu.memory_space<vmem>>) offsets(%dma_start3A_9 : memref<128xi32, #tpu.memory_space<vmem>>) semaphore(%arg11 : memref<!tpu.dma_semaphore, #tpu.memory_space<semaphore_mem>>)
    %dma_start3A_13 = arith.constant 1 : i32
    %dma_start3A_14 = arith.constant 0 : i32
    %dma_start3A_15 = tpu.memref_slice %arg7[%dma_start3A_13, %dma_start3A_14] : memref<40x128xi32, #tpu.memory_space<vmem>> -> memref<1x128xi32, #tpu.memory_space<vmem>>
    %dma_start3A_16 = tpu.memref_squeeze %dma_start3A_15 : memref<1x128xi32, #tpu.memory_space<vmem>> -> memref<128xi32, #tpu.memory_space<vmem>>
    %dma_start3A_17 = arith.constant 0 : i32
    %dma_start3A_18 = arith.constant 0 : i32
    %dma_start3A_19 = tpu.memref_slice %arg2[%dma_start3A_17, %dma_start3A_18] : memref<10000x128xf32, #tpu.memory_space<hbm>> -> memref<10000x128xf32, #tpu.memory_space<hbm>>
    tpu.enqueue_indirect_dma source(%dma_start3A_19 : memref<10000x128xf32, #tpu.memory_space<hbm>>) target(%arg10 : memref<128x128xf32, #tpu.memory_space<vmem>>) offsets(%dma_start3A_16 : memref<128xi32, #tpu.memory_space<vmem>>) semaphore(%arg12 : memref<!tpu.dma_semaphore, #tpu.memory_space<semaphore_mem>>)
    %scan3A = arith.constant 0 : i32
    %scan3A_20 = arith.constant 19 : i32
    %scan3A_21 = arith.addi %scan3A, %scan3A_20 : i32
    %scan3A_22 = arith.constant 1 : i32
    scf.for %scan3A_135 = %scan3A to %scan3A_21 step %scan3A_22  : i32 {
      %mul3A_136 = arith.constant 1 : i32
      %mul3A_137 = arith.muli %scan3A_135, %mul3A_136 : i32
      %add3A_138 = arith.constant 0 : i32
      %add3A_139 = arith.addi %add3A_138, %mul3A_137 : i32
      %mul3A_140 = arith.constant 2 : i32
      %mul3A_141 = arith.muli %mul3A_140, %add3A_139 : i32
      %dma_wait3A_142 = arith.constant 0 : i32
      %dma_wait3A_143 = tpu.memref_slice %arg7[%mul3A_141, %dma_wait3A_142] : memref<40x128xi32, #tpu.memory_space<vmem>> -> memref<1x128xi32, #tpu.memory_space<vmem>>
      %dma_wait3A_144 = tpu.memref_squeeze %dma_wait3A_143 : memref<1x128xi32, #tpu.memory_space<vmem>> -> memref<128xi32, #tpu.memory_space<vmem>>
      %dma_wait3A_145 = arith.constant 0 : i32
      %dma_wait3A_146 = arith.constant 0 : i32
      %dma_wait3A_147 = tpu.memref_slice %arg2[%dma_wait3A_145, %dma_wait3A_146] : memref<10000x128xf32, #tpu.memory_space<hbm>> -> memref<10000x128xf32, #tpu.memory_space<hbm>>
      tpu.wait_indirect_dma semaphore(%arg11 : memref<!tpu.dma_semaphore, #tpu.memory_space<semaphore_mem>>) src(%dma_wait3A_147 : memref<10000x128xf32, #tpu.memory_space<hbm>>) dst(%arg9 : memref<128x128xf32, #tpu.memory_space<vmem>>)
      %dma_start3A_148 = arith.constant 0 : i32
      %dma_start3A_149 = tpu.memref_slice %arg8[%mul3A_141, %dma_start3A_148] : memref<40x128xi32, #tpu.memory_space<vmem>> -> memref<1x128xi32, #tpu.memory_space<vmem>>
      %dma_start3A_150 = tpu.memref_squeeze %dma_start3A_149 : memref<1x128xi32, #tpu.memory_space<vmem>> -> memref<128xi32, #tpu.memory_space<vmem>>
      %dma_start3A_151 = arith.constant 0 : i32
      %dma_start3A_152 = arith.constant 0 : i32
      %dma_start3A_153 = tpu.memref_slice %arg15[%dma_start3A_151, %dma_start3A_152] : memref<10112x128xf32, #tpu.memory_space<vmem_shared>> -> memref<10112x128xf32, #tpu.memory_space<vmem_shared>>
      tpu.enqueue_indirect_dma source(%arg9 : memref<128x128xf32, #tpu.memory_space<vmem>>) target(%dma_start3A_153 : memref<10112x128xf32, #tpu.memory_space<vmem_shared>>) offsets(%dma_start3A_150 : memref<128xi32, #tpu.memory_space<vmem>>) semaphore(%arg13 : memref<!tpu.dma_semaphore, #tpu.memory_space<semaphore_mem>>) {add = true}
      %add3A_154 = arith.constant 1 : i32
      %add3A_155 = arith.addi %mul3A_141, %add3A_154 : i32
      %dma_wait3A_156 = arith.constant 0 : i32
      %dma_wait3A_157 = tpu.memref_slice %arg7[%add3A_155, %dma_wait3A_156] : memref<40x128xi32, #tpu.memory_space<vmem>> -> memref<1x128xi32, #tpu.memory_space<vmem>>
      %dma_wait3A_158 = tpu.memref_squeeze %dma_wait3A_157 : memref<1x128xi32, #tpu.memory_space<vmem>> -> memref<128xi32, #tpu.memory_space<vmem>>
      %dma_wait3A_159 = arith.constant 0 : i32
      %dma_wait3A_160 = arith.constant 0 : i32
      %dma_wait3A_161 = tpu.memref_slice %arg2[%dma_wait3A_159, %dma_wait3A_160] : memref<10000x128xf32, #tpu.memory_space<hbm>> -> memref<10000x128xf32, #tpu.memory_space<hbm>>
      tpu.wait_indirect_dma semaphore(%arg12 : memref<!tpu.dma_semaphore, #tpu.memory_space<semaphore_mem>>) src(%dma_wait3A_161 : memref<10000x128xf32, #tpu.memory_space<hbm>>) dst(%arg10 : memref<128x128xf32, #tpu.memory_space<vmem>>)
      %dma_wait3A_162 = arith.constant 0 : i32
      %dma_wait3A_163 = tpu.memref_slice %arg8[%mul3A_141, %dma_wait3A_162] : memref<40x128xi32, #tpu.memory_space<vmem>> -> memref<1x128xi32, #tpu.memory_space<vmem>>
      %dma_wait3A_164 = tpu.memref_squeeze %dma_wait3A_163 : memref<1x128xi32, #tpu.memory_space<vmem>> -> memref<128xi32, #tpu.memory_space<vmem>>
      %dma_wait3A_165 = arith.constant 0 : i32
      %dma_wait3A_166 = arith.constant 0 : i32
      %dma_wait3A_167 = tpu.memref_slice %arg15[%dma_wait3A_165, %dma_wait3A_166] : memref<10112x128xf32, #tpu.memory_space<vmem_shared>> -> memref<10112x128xf32, #tpu.memory_space<vmem_shared>>
      tpu.wait_indirect_dma semaphore(%arg13 : memref<!tpu.dma_semaphore, #tpu.memory_space<semaphore_mem>>) src(%arg9 : memref<128x128xf32, #tpu.memory_space<vmem>>) dst(%dma_wait3A_167 : memref<10112x128xf32, #tpu.memory_space<vmem_shared>>)
      %add3A_168 = arith.constant 2 : i32
      %add3A_169 = arith.addi %mul3A_141, %add3A_168 : i32
      %dma_start3A_170 = arith.constant 0 : i32
      %dma_start3A_171 = tpu.memref_slice %arg7[%add3A_169, %dma_start3A_170] : memref<40x128xi32, #tpu.memory_space<vmem>> -> memref<1x128xi32, #tpu.memory_space<vmem>>
      %dma_start3A_172 = tpu.memref_squeeze %dma_start3A_171 : memref<1x128xi32, #tpu.memory_space<vmem>> -> memref<128xi32, #tpu.memory_space<vmem>>
      %dma_start3A_173 = arith.constant 0 : i32
      %dma_start3A_174 = arith.constant 0 : i32
      %dma_start3A_175 = tpu.memref_slice %arg2[%dma_start3A_173, %dma_start3A_174] : memref<10000x128xf32, #tpu.memory_space<hbm>> -> memref<10000x128xf32, #tpu.memory_space<hbm>>
      tpu.enqueue_indirect_dma source(%dma_start3A_175 : memref<10000x128xf32, #tpu.memory_space<hbm>>) target(%arg9 : memref<128x128xf32, #tpu.memory_space<vmem>>) offsets(%dma_start3A_172 : memref<128xi32, #tpu.memory_space<vmem>>) semaphore(%arg11 : memref<!tpu.dma_semaphore, #tpu.memory_space<semaphore_mem>>)
      %add3A_176 = arith.constant 1 : i32
      %add3A_177 = arith.addi %mul3A_141, %add3A_176 : i32
      %dma_start3A_178 = arith.constant 0 : i32
      %dma_start3A_179 = tpu.memref_slice %arg8[%add3A_177, %dma_start3A_178] : memref<40x128xi32, #tpu.memory_space<vmem>> -> memref<1x128xi32, #tpu.memory_space<vmem>>
      %dma_start3A_180 = tpu.memref_squeeze %dma_start3A_179 : memref<1x128xi32, #tpu.memory_space<vmem>> -> memref<128xi32, #tpu.memory_space<vmem>>
      %dma_start3A_181 = arith.constant 0 : i32
      %dma_start3A_182 = arith.constant 0 : i32
      %dma_start3A_183 = tpu.memref_slice %arg15[%dma_start3A_181, %dma_start3A_182] : memref<10112x128xf32, #tpu.memory_space<vmem_shared>> -> memref<10112x128xf32, #tpu.memory_space<vmem_shared>>
      tpu.enqueue_indirect_dma source(%arg10 : memref<128x128xf32, #tpu.memory_space<vmem>>) target(%dma_start3A_183 : memref<10112x128xf32, #tpu.memory_space<vmem_shared>>) offsets(%dma_start3A_180 : memref<128xi32, #tpu.memory_space<vmem>>) semaphore(%arg14 : memref<!tpu.dma_semaphore, #tpu.memory_space<semaphore_mem>>) {add = true}
      %add3A_184 = arith.constant 1 : i32
      %add3A_185 = arith.addi %mul3A_141, %add3A_184 : i32
      %dma_wait3A_186 = arith.constant 0 : i32
      %dma_wait3A_187 = tpu.memref_slice %arg8[%add3A_185, %dma_wait3A_186] : memref<40x128xi32, #tpu.memory_space<vmem>> -> memref<1x128xi32, #tpu.memory_space<vmem>>
      %dma_wait3A_188 = tpu.memref_squeeze %dma_wait3A_187 : memref<1x128xi32, #tpu.memory_space<vmem>> -> memref<128xi32, #tpu.memory_space<vmem>>
      %dma_wait3A_189 = arith.constant 0 : i32
      %dma_wait3A_190 = arith.constant 0 : i32
      %dma_wait3A_191 = tpu.memref_slice %arg15[%dma_wait3A_189, %dma_wait3A_190] : memref<10112x128xf32, #tpu.memory_space<vmem_shared>> -> memref<10112x128xf32, #tpu.memory_space<vmem_shared>>
      tpu.wait_indirect_dma semaphore(%arg14 : memref<!tpu.dma_semaphore, #tpu.memory_space<semaphore_mem>>) src(%arg10 : memref<128x128xf32, #tpu.memory_space<vmem>>) dst(%dma_wait3A_191 : memref<10112x128xf32, #tpu.memory_space<vmem_shared>>)
      %add3A_192 = arith.constant 3 : i32
      %add3A_193 = arith.addi %mul3A_141, %add3A_192 : i32
      %dma_start3A_194 = arith.constant 0 : i32
      %dma_start3A_195 = tpu.memref_slice %arg7[%add3A_193, %dma_start3A_194] : memref<40x128xi32, #tpu.memory_space<vmem>> -> memref<1x128xi32, #tpu.memory_space<vmem>>
      %dma_start3A_196 = tpu.memref_squeeze %dma_start3A_195 : memref<1x128xi32, #tpu.memory_space<vmem>> -> memref<128xi32, #tpu.memory_space<vmem>>
      %dma_start3A_197 = arith.constant 0 : i32
      %dma_start3A_198 = arith.constant 0 : i32
      %dma_start3A_199 = tpu.memref_slice %arg2[%dma_start3A_197, %dma_start3A_198] : memref<10000x128xf32, #tpu.memory_space<hbm>> -> memref<10000x128xf32, #tpu.memory_space<hbm>>
      tpu.enqueue_indirect_dma source(%dma_start3A_199 : memref<10000x128xf32, #tpu.memory_space<hbm>>) target(%arg10 : memref<128x128xf32, #tpu.memory_space<vmem>>) offsets(%dma_start3A_196 : memref<128xi32, #tpu.memory_space<vmem>>) semaphore(%arg12 : memref<!tpu.dma_semaphore, #tpu.memory_space<semaphore_mem>>)
    }
    %scan3A_23 = arith.constant 19 : i32
    %dma_wait3A = arith.constant 38 : i32
    %dma_wait3A_24 = arith.constant 0 : i32
    %dma_wait3A_25 = tpu.memref_slice %arg7[%dma_wait3A, %dma_wait3A_24] : memref<40x128xi32, #tpu.memory_space<vmem>> -> memref<1x128xi32, #tpu.memory_space<vmem>>
    %dma_wait3A_26 = tpu.memref_squeeze %dma_wait3A_25 : memref<1x128xi32, #tpu.memory_space<vmem>> -> memref<128xi32, #tpu.memory_space<vmem>>
    %dma_wait3A_27 = arith.constant 0 : i32
    %dma_wait3A_28 = arith.constant 0 : i32
    %dma_wait3A_29 = tpu.memref_slice %arg2[%dma_wait3A_27, %dma_wait3A_28] : memref<10000x128xf32, #tpu.memory_space<hbm>> -> memref<10000x128xf32, #tpu.memory_space<hbm>>
    tpu.wait_indirect_dma semaphore(%arg11 : memref<!tpu.dma_semaphore, #tpu.memory_space<semaphore_mem>>) src(%dma_wait3A_29 : memref<10000x128xf32, #tpu.memory_space<hbm>>) dst(%arg9 : memref<128x128xf32, #tpu.memory_space<vmem>>)
    %dma_start3A_30 = arith.constant 38 : i32
    %dma_start3A_31 = arith.constant 0 : i32
    %dma_start3A_32 = tpu.memref_slice %arg8[%dma_start3A_30, %dma_start3A_31] : memref<40x128xi32, #tpu.memory_space<vmem>> -> memref<1x128xi32, #tpu.memory_space<vmem>>
    %dma_start3A_33 = tpu.memref_squeeze %dma_start3A_32 : memref<1x128xi32, #tpu.memory_space<vmem>> -> memref<128xi32, #tpu.memory_space<vmem>>
    %dma_start3A_34 = arith.constant 0 : i32
    %dma_start3A_35 = arith.constant 0 : i32
    %dma_start3A_36 = tpu.memref_slice %arg15[%dma_start3A_34, %dma_start3A_35] : memref<10112x128xf32, #tpu.memory_space<vmem_shared>> -> memref<10112x128xf32, #tpu.memory_space<vmem_shared>>
    tpu.enqueue_indirect_dma source(%arg9 : memref<128x128xf32, #tpu.memory_space<vmem>>) target(%dma_start3A_36 : memref<10112x128xf32, #tpu.memory_space<vmem_shared>>) offsets(%dma_start3A_33 : memref<128xi32, #tpu.memory_space<vmem>>) semaphore(%arg13 : memref<!tpu.dma_semaphore, #tpu.memory_space<semaphore_mem>>) {add = true}
    %dma_wait3A_37 = arith.constant 39 : i32
    %dma_wait3A_38 = arith.constant 0 : i32
    %dma_wait3A_39 = tpu.memref_slice %arg7[%dma_wait3A_37, %dma_wait3A_38] : memref<40x128xi32, #tpu.memory_space<vmem>> -> memref<1x128xi32, #tpu.memory_space<vmem>>
    %dma_wait3A_40 = tpu.memref_squeeze %dma_wait3A_39 : memref<1x128xi32, #tpu.memory_space<vmem>> -> memref<128xi32, #tpu.memory_space<vmem>>
    %dma_wait3A_41 = arith.constant 0 : i32
    %dma_wait3A_42 = arith.constant 0 : i32
    %dma_wait3A_43 = tpu.memref_slice %arg2[%dma_wait3A_41, %dma_wait3A_42] : memref<10000x128xf32, #tpu.memory_space<hbm>> -> memref<10000x128xf32, #tpu.memory_space<hbm>>
    tpu.wait_indirect_dma semaphore(%arg12 : memref<!tpu.dma_semaphore, #tpu.memory_space<semaphore_mem>>) src(%dma_wait3A_43 : memref<10000x128xf32, #tpu.memory_space<hbm>>) dst(%arg10 : memref<128x128xf32, #tpu.memory_space<vmem>>)
    %dma_start3A_44 = arith.constant 39 : i32
    %dma_start3A_45 = arith.constant 0 : i32
    %dma_start3A_46 = tpu.memref_slice %arg8[%dma_start3A_44, %dma_start3A_45] : memref<40x128xi32, #tpu.memory_space<vmem>> -> memref<1x128xi32, #tpu.memory_space<vmem>>
    %dma_start3A_47 = tpu.memref_squeeze %dma_start3A_46 : memref<1x128xi32, #tpu.memory_space<vmem>> -> memref<128xi32, #tpu.memory_space<vmem>>
    %dma_start3A_48 = arith.constant 0 : i32
    %dma_start3A_49 = arith.constant 0 : i32
    %dma_start3A_50 = tpu.memref_slice %arg15[%dma_start3A_48, %dma_start3A_49] : memref<10112x128xf32, #tpu.memory_space<vmem_shared>> -> memref<10112x128xf32, #tpu.memory_space<vmem_shared>>
    tpu.enqueue_indirect_dma source(%arg10 : memref<128x128xf32, #tpu.memory_space<vmem>>) target(%dma_start3A_50 : memref<10112x128xf32, #tpu.memory_space<vmem_shared>>) offsets(%dma_start3A_47 : memref<128xi32, #tpu.memory_space<vmem>>) semaphore(%arg14 : memref<!tpu.dma_semaphore, #tpu.memory_space<semaphore_mem>>) {add = true}
    %dma_wait3A_51 = arith.constant 38 : i32
    %dma_wait3A_52 = arith.constant 0 : i32
    %dma_wait3A_53 = tpu.memref_slice %arg8[%dma_wait3A_51, %dma_wait3A_52] : memref<40x128xi32, #tpu.memory_space<vmem>> -> memref<1x128xi32, #tpu.memory_space<vmem>>
    %dma_wait3A_54 = tpu.memref_squeeze %dma_wait3A_53 : memref<1x128xi32, #tpu.memory_space<vmem>> -> memref<128xi32, #tpu.memory_space<vmem>>
    %dma_wait3A_55 = arith.constant 0 : i32
    %dma_wait3A_56 = arith.constant 0 : i32
    %dma_wait3A_57 = tpu.memref_slice %arg15[%dma_wait3A_55, %dma_wait3A_56] : memref<10112x128xf32, #tpu.memory_space<vmem_shared>> -> memref<10112x128xf32, #tpu.memory_space<vmem_shared>>
    tpu.wait_indirect_dma semaphore(%arg13 : memref<!tpu.dma_semaphore, #tpu.memory_space<semaphore_mem>>) src(%arg9 : memref<128x128xf32, #tpu.memory_space<vmem>>) dst(%dma_wait3A_57 : memref<10112x128xf32, #tpu.memory_space<vmem_shared>>)
    %dma_wait3A_58 = arith.constant 39 : i32
    %dma_wait3A_59 = arith.constant 0 : i32
    %dma_wait3A_60 = tpu.memref_slice %arg8[%dma_wait3A_58, %dma_wait3A_59] : memref<40x128xi32, #tpu.memory_space<vmem>> -> memref<1x128xi32, #tpu.memory_space<vmem>>
    %dma_wait3A_61 = tpu.memref_squeeze %dma_wait3A_60 : memref<1x128xi32, #tpu.memory_space<vmem>> -> memref<128xi32, #tpu.memory_space<vmem>>
    %dma_wait3A_62 = arith.constant 0 : i32
    %dma_wait3A_63 = arith.constant 0 : i32
    %dma_wait3A_64 = tpu.memref_slice %arg15[%dma_wait3A_62, %dma_wait3A_63] : memref<10112x128xf32, #tpu.memory_space<vmem_shared>> -> memref<10112x128xf32, #tpu.memory_space<vmem_shared>>
    tpu.wait_indirect_dma semaphore(%arg14 : memref<!tpu.dma_semaphore, #tpu.memory_space<semaphore_mem>>) src(%arg10 : memref<128x128xf32, #tpu.memory_space<vmem>>) dst(%dma_wait3A_64 : memref<10112x128xf32, #tpu.memory_space<vmem_shared>>)
    %mul3A_65 = arith.constant 80 : i32
    %mul3A_66 = arith.muli %add3A, %mul3A_65 : i32
    %add3A_67 = arith.constant 40 : i32
    %add3A_68 = arith.addi %mul3A_66, %add3A_67 : i32
    "tpu.region"() ({
      %run_scoped3A = tpu.sem_alloc : memref<!tpu.dma_semaphore, #tpu.memory_space<semaphore_mem>>
      %dma_start3A_135 = arith.constant 0 : i32
      %dma_start3A_136 = tpu.memref_slice %arg3[%add3A_68, %dma_start3A_135] : memref<2560x128xi32, #tpu.memory_space<hbm>> -> memref<40x128xi32, #tpu.memory_space<hbm>>
      %dma_start3A_137 = arith.constant 0 : i32
      %dma_start3A_138 = tpu.memref_slice %arg3[%add3A_68, %dma_start3A_137] : memref<2560x128xi32, #tpu.memory_space<hbm>> -> memref<40x128xi32, #tpu.memory_space<hbm>>
      tpu.enqueue_dma source(%dma_start3A_138 : memref<40x128xi32, #tpu.memory_space<hbm>>) target(%arg7 : memref<40x128xi32, #tpu.memory_space<vmem>>) target_semaphore(%run_scoped3A : memref<!tpu.dma_semaphore, #tpu.memory_space<semaphore_mem>>)
      %dma_wait3A_139 = arith.constant 0 : i32
      %dma_wait3A_140 = tpu.memref_slice %arg3[%add3A_68, %dma_wait3A_139] : memref<2560x128xi32, #tpu.memory_space<hbm>> -> memref<40x128xi32, #tpu.memory_space<hbm>>
      %dma_wait3A_141 = arith.constant 0 : i32
      %dma_wait3A_142 = tpu.memref_slice %arg3[%add3A_68, %dma_wait3A_141] : memref<2560x128xi32, #tpu.memory_space<hbm>> -> memref<40x128xi32, #tpu.memory_space<hbm>>
      tpu.wait_dma2 semaphore(%run_scoped3A : memref<!tpu.dma_semaphore, #tpu.memory_space<semaphore_mem>>) src(%dma_wait3A_142 : memref<40x128xi32, #tpu.memory_space<hbm>>) dst(%arg7 : memref<40x128xi32, #tpu.memory_space<vmem>>)
      tpu.yield
    }) : () -> ()
    "tpu.region"() ({
      %run_scoped3A = tpu.sem_alloc : memref<!tpu.dma_semaphore, #tpu.memory_space<semaphore_mem>>
      %dma_start3A_135 = arith.constant 0 : i32
      %dma_start3A_136 = tpu.memref_slice %arg4[%add3A_68, %dma_start3A_135] : memref<2560x128xi32, #tpu.memory_space<hbm>> -> memref<40x128xi32, #tpu.memory_space<hbm>>
      %dma_start3A_137 = arith.constant 0 : i32
      %dma_start3A_138 = tpu.memref_slice %arg4[%add3A_68, %dma_start3A_137] : memref<2560x128xi32, #tpu.memory_space<hbm>> -> memref<40x128xi32, #tpu.memory_space<hbm>>
      tpu.enqueue_dma source(%dma_start3A_138 : memref<40x128xi32, #tpu.memory_space<hbm>>) target(%arg8 : memref<40x128xi32, #tpu.memory_space<vmem>>) target_semaphore(%run_scoped3A : memref<!tpu.dma_semaphore, #tpu.memory_space<semaphore_mem>>)
      %dma_wait3A_139 = arith.constant 0 : i32
      %dma_wait3A_140 = tpu.memref_slice %arg4[%add3A_68, %dma_wait3A_139] : memref<2560x128xi32, #tpu.memory_space<hbm>> -> memref<40x128xi32, #tpu.memory_space<hbm>>
      %dma_wait3A_141 = arith.constant 0 : i32
      %dma_wait3A_142 = tpu.memref_slice %arg4[%add3A_68, %dma_wait3A_141] : memref<2560x128xi32, #tpu.memory_space<hbm>> -> memref<40x128xi32, #tpu.memory_space<hbm>>
      tpu.wait_dma2 semaphore(%run_scoped3A : memref<!tpu.dma_semaphore, #tpu.memory_space<semaphore_mem>>) src(%dma_wait3A_142 : memref<40x128xi32, #tpu.memory_space<hbm>>) dst(%arg8 : memref<40x128xi32, #tpu.memory_space<vmem>>)
      tpu.yield
    }) : () -> ()
    %dma_start3A_69 = arith.constant 0 : i32
    %dma_start3A_70 = arith.constant 0 : i32
    %dma_start3A_71 = tpu.memref_slice %arg7[%dma_start3A_69, %dma_start3A_70] : memref<40x128xi32, #tpu.memory_space<vmem>> -> memref<1x128xi32, #tpu.memory_space<vmem>>
    %dma_start3A_72 = tpu.memref_squeeze %dma_start3A_71 : memref<1x128xi32, #tpu.memory_space<vmem>> -> memref<128xi32, #tpu.memory_space<vmem>>
    %dma_start3A_73 = arith.constant 0 : i32
    %dma_start3A_74 = arith.constant 0 : i32
    %dma_start3A_75 = tpu.memref_slice %arg2[%dma_start3A_73, %dma_start3A_74] : memref<10000x128xf32, #tpu.memory_space<hbm>> -> memref<10000x128xf32, #tpu.memory_space<hbm>>
    tpu.enqueue_indirect_dma source(%dma_start3A_75 : memref<10000x128xf32, #tpu.memory_space<hbm>>) target(%arg9 : memref<128x128xf32, #tpu.memory_space<vmem>>) offsets(%dma_start3A_72 : memref<128xi32, #tpu.memory_space<vmem>>) semaphore(%arg11 : memref<!tpu.dma_semaphore, #tpu.memory_space<semaphore_mem>>)
    %dma_start3A_76 = arith.constant 1 : i32
    %dma_start3A_77 = arith.constant 0 : i32
    %dma_start3A_78 = tpu.memref_slice %arg7[%dma_start3A_76, %dma_start3A_77] : memref<40x128xi32, #tpu.memory_space<vmem>> -> memref<1x128xi32, #tpu.memory_space<vmem>>
    %dma_start3A_79 = tpu.memref_squeeze %dma_start3A_78 : memref<1x128xi32, #tpu.memory_space<vmem>> -> memref<128xi32, #tpu.memory_space<vmem>>
    %dma_start3A_80 = arith.constant 0 : i32
    %dma_start3A_81 = arith.constant 0 : i32
    %dma_start3A_82 = tpu.memref_slice %arg2[%dma_start3A_80, %dma_start3A_81] : memref<10000x128xf32, #tpu.memory_space<hbm>> -> memref<10000x128xf32, #tpu.memory_space<hbm>>
    tpu.enqueue_indirect_dma source(%dma_start3A_82 : memref<10000x128xf32, #tpu.memory_space<hbm>>) target(%arg10 : memref<128x128xf32, #tpu.memory_space<vmem>>) offsets(%dma_start3A_79 : memref<128xi32, #tpu.memory_space<vmem>>) semaphore(%arg12 : memref<!tpu.dma_semaphore, #tpu.memory_space<semaphore_mem>>)
    %scan3A_83 = arith.constant 0 : i32
    %scan3A_84 = arith.constant 19 : i32
    %scan3A_85 = arith.addi %scan3A_83, %scan3A_84 : i32
    %scan3A_86 = arith.constant 1 : i32
    scf.for %scan3A_135 = %scan3A_83 to %scan3A_85 step %scan3A_86  : i32 {
      %mul3A_136 = arith.constant 1 : i32
      %mul3A_137 = arith.muli %scan3A_135, %mul3A_136 : i32
      %add3A_138 = arith.constant 0 : i32
      %add3A_139 = arith.addi %add3A_138, %mul3A_137 : i32
      %mul3A_140 = arith.constant 2 : i32
      %mul3A_141 = arith.muli %mul3A_140, %add3A_139 : i32
      %dma_wait3A_142 = arith.constant 0 : i32
      %dma_wait3A_143 = tpu.memref_slice %arg7[%mul3A_141, %dma_wait3A_142] : memref<40x128xi32, #tpu.memory_space<vmem>> -> memref<1x128xi32, #tpu.memory_space<vmem>>
      %dma_wait3A_144 = tpu.memref_squeeze %dma_wait3A_143 : memref<1x128xi32, #tpu.memory_space<vmem>> -> memref<128xi32, #tpu.memory_space<vmem>>
      %dma_wait3A_145 = arith.constant 0 : i32
      %dma_wait3A_146 = arith.constant 0 : i32
      %dma_wait3A_147 = tpu.memref_slice %arg2[%dma_wait3A_145, %dma_wait3A_146] : memref<10000x128xf32, #tpu.memory_space<hbm>> -> memref<10000x128xf32, #tpu.memory_space<hbm>>
      tpu.wait_indirect_dma semaphore(%arg11 : memref<!tpu.dma_semaphore, #tpu.memory_space<semaphore_mem>>) src(%dma_wait3A_147 : memref<10000x128xf32, #tpu.memory_space<hbm>>) dst(%arg9 : memref<128x128xf32, #tpu.memory_space<vmem>>)
      %dma_start3A_148 = arith.constant 0 : i32
      %dma_start3A_149 = tpu.memref_slice %arg8[%mul3A_141, %dma_start3A_148] : memref<40x128xi32, #tpu.memory_space<vmem>> -> memref<1x128xi32, #tpu.memory_space<vmem>>
      %dma_start3A_150 = tpu.memref_squeeze %dma_start3A_149 : memref<1x128xi32, #tpu.memory_space<vmem>> -> memref<128xi32, #tpu.memory_space<vmem>>
      %dma_start3A_151 = arith.constant 0 : i32
      %dma_start3A_152 = arith.constant 0 : i32
      %dma_start3A_153 = tpu.memref_slice %arg15[%dma_start3A_151, %dma_start3A_152] : memref<10112x128xf32, #tpu.memory_space<vmem_shared>> -> memref<10112x128xf32, #tpu.memory_space<vmem_shared>>
      tpu.enqueue_indirect_dma source(%arg9 : memref<128x128xf32, #tpu.memory_space<vmem>>) target(%dma_start3A_153 : memref<10112x128xf32, #tpu.memory_space<vmem_shared>>) offsets(%dma_start3A_150 : memref<128xi32, #tpu.memory_space<vmem>>) semaphore(%arg13 : memref<!tpu.dma_semaphore, #tpu.memory_space<semaphore_mem>>) {add = true}
      %add3A_154 = arith.constant 1 : i32
      %add3A_155 = arith.addi %mul3A_141, %add3A_154 : i32
      %dma_wait3A_156 = arith.constant 0 : i32
      %dma_wait3A_157 = tpu.memref_slice %arg7[%add3A_155, %dma_wait3A_156] : memref<40x128xi32, #tpu.memory_space<vmem>> -> memref<1x128xi32, #tpu.memory_space<vmem>>
      %dma_wait3A_158 = tpu.memref_squeeze %dma_wait3A_157 : memref<1x128xi32, #tpu.memory_space<vmem>> -> memref<128xi32, #tpu.memory_space<vmem>>
      %dma_wait3A_159 = arith.constant 0 : i32
      %dma_wait3A_160 = arith.constant 0 : i32
      %dma_wait3A_161 = tpu.memref_slice %arg2[%dma_wait3A_159, %dma_wait3A_160] : memref<10000x128xf32, #tpu.memory_space<hbm>> -> memref<10000x128xf32, #tpu.memory_space<hbm>>
      tpu.wait_indirect_dma semaphore(%arg12 : memref<!tpu.dma_semaphore, #tpu.memory_space<semaphore_mem>>) src(%dma_wait3A_161 : memref<10000x128xf32, #tpu.memory_space<hbm>>) dst(%arg10 : memref<128x128xf32, #tpu.memory_space<vmem>>)
      %dma_wait3A_162 = arith.constant 0 : i32
      %dma_wait3A_163 = tpu.memref_slice %arg8[%mul3A_141, %dma_wait3A_162] : memref<40x128xi32, #tpu.memory_space<vmem>> -> memref<1x128xi32, #tpu.memory_space<vmem>>
      %dma_wait3A_164 = tpu.memref_squeeze %dma_wait3A_163 : memref<1x128xi32, #tpu.memory_space<vmem>> -> memref<128xi32, #tpu.memory_space<vmem>>
      %dma_wait3A_165 = arith.constant 0 : i32
      %dma_wait3A_166 = arith.constant 0 : i32
      %dma_wait3A_167 = tpu.memref_slice %arg15[%dma_wait3A_165, %dma_wait3A_166] : memref<10112x128xf32, #tpu.memory_space<vmem_shared>> -> memref<10112x128xf32, #tpu.memory_space<vmem_shared>>
      tpu.wait_indirect_dma semaphore(%arg13 : memref<!tpu.dma_semaphore, #tpu.memory_space<semaphore_mem>>) src(%arg9 : memref<128x128xf32, #tpu.memory_space<vmem>>) dst(%dma_wait3A_167 : memref<10112x128xf32, #tpu.memory_space<vmem_shared>>)
      %add3A_168 = arith.constant 2 : i32
      %add3A_169 = arith.addi %mul3A_141, %add3A_168 : i32
      %dma_start3A_170 = arith.constant 0 : i32
      %dma_start3A_171 = tpu.memref_slice %arg7[%add3A_169, %dma_start3A_170] : memref<40x128xi32, #tpu.memory_space<vmem>> -> memref<1x128xi32, #tpu.memory_space<vmem>>
      %dma_start3A_172 = tpu.memref_squeeze %dma_start3A_171 : memref<1x128xi32, #tpu.memory_space<vmem>> -> memref<128xi32, #tpu.memory_space<vmem>>
      %dma_start3A_173 = arith.constant 0 : i32
      %dma_start3A_174 = arith.constant 0 : i32
      %dma_start3A_175 = tpu.memref_slice %arg2[%dma_start3A_173, %dma_start3A_174] : memref<10000x128xf32, #tpu.memory_space<hbm>> -> memref<10000x128xf32, #tpu.memory_space<hbm>>
      tpu.enqueue_indirect_dma source(%dma_start3A_175 : memref<10000x128xf32, #tpu.memory_space<hbm>>) target(%arg9 : memref<128x128xf32, #tpu.memory_space<vmem>>) offsets(%dma_start3A_172 : memref<128xi32, #tpu.memory_space<vmem>>) semaphore(%arg11 : memref<!tpu.dma_semaphore, #tpu.memory_space<semaphore_mem>>)
      %add3A_176 = arith.constant 1 : i32
      %add3A_177 = arith.addi %mul3A_141, %add3A_176 : i32
      %dma_start3A_178 = arith.constant 0 : i32
      %dma_start3A_179 = tpu.memref_slice %arg8[%add3A_177, %dma_start3A_178] : memref<40x128xi32, #tpu.memory_space<vmem>> -> memref<1x128xi32, #tpu.memory_space<vmem>>
      %dma_start3A_180 = tpu.memref_squeeze %dma_start3A_179 : memref<1x128xi32, #tpu.memory_space<vmem>> -> memref<128xi32, #tpu.memory_space<vmem>>
      %dma_start3A_181 = arith.constant 0 : i32
      %dma_start3A_182 = arith.constant 0 : i32
      %dma_start3A_183 = tpu.memref_slice %arg15[%dma_start3A_181, %dma_start3A_182] : memref<10112x128xf32, #tpu.memory_space<vmem_shared>> -> memref<10112x128xf32, #tpu.memory_space<vmem_shared>>
      tpu.enqueue_indirect_dma source(%arg10 : memref<128x128xf32, #tpu.memory_space<vmem>>) target(%dma_start3A_183 : memref<10112x128xf32, #tpu.memory_space<vmem_shared>>) offsets(%dma_start3A_180 : memref<128xi32, #tpu.memory_space<vmem>>) semaphore(%arg14 : memref<!tpu.dma_semaphore, #tpu.memory_space<semaphore_mem>>) {add = true}
      %add3A_184 = arith.constant 1 : i32
      %add3A_185 = arith.addi %mul3A_141, %add3A_184 : i32
      %dma_wait3A_186 = arith.constant 0 : i32
      %dma_wait3A_187 = tpu.memref_slice %arg8[%add3A_185, %dma_wait3A_186] : memref<40x128xi32, #tpu.memory_space<vmem>> -> memref<1x128xi32, #tpu.memory_space<vmem>>
      %dma_wait3A_188 = tpu.memref_squeeze %dma_wait3A_187 : memref<1x128xi32, #tpu.memory_space<vmem>> -> memref<128xi32, #tpu.memory_space<vmem>>
      %dma_wait3A_189 = arith.constant 0 : i32
      %dma_wait3A_190 = arith.constant 0 : i32
      %dma_wait3A_191 = tpu.memref_slice %arg15[%dma_wait3A_189, %dma_wait3A_190] : memref<10112x128xf32, #tpu.memory_space<vmem_shared>> -> memref<10112x128xf32, #tpu.memory_space<vmem_shared>>
      tpu.wait_indirect_dma semaphore(%arg14 : memref<!tpu.dma_semaphore, #tpu.memory_space<semaphore_mem>>) src(%arg10 : memref<128x128xf32, #tpu.memory_space<vmem>>) dst(%dma_wait3A_191 : memref<10112x128xf32, #tpu.memory_space<vmem_shared>>)
      %add3A_192 = arith.constant 3 : i32
      %add3A_193 = arith.addi %mul3A_141, %add3A_192 : i32
      %dma_start3A_194 = arith.constant 0 : i32
      %dma_start3A_195 = tpu.memref_slice %arg7[%add3A_193, %dma_start3A_194] : memref<40x128xi32, #tpu.memory_space<vmem>> -> memref<1x128xi32, #tpu.memory_space<vmem>>
      %dma_start3A_196 = tpu.memref_squeeze %dma_start3A_195 : memref<1x128xi32, #tpu.memory_space<vmem>> -> memref<128xi32, #tpu.memory_space<vmem>>
      %dma_start3A_197 = arith.constant 0 : i32
      %dma_start3A_198 = arith.constant 0 : i32
      %dma_start3A_199 = tpu.memref_slice %arg2[%dma_start3A_197, %dma_start3A_198] : memref<10000x128xf32, #tpu.memory_space<hbm>> -> memref<10000x128xf32, #tpu.memory_space<hbm>>
      tpu.enqueue_indirect_dma source(%dma_start3A_199 : memref<10000x128xf32, #tpu.memory_space<hbm>>) target(%arg10 : memref<128x128xf32, #tpu.memory_space<vmem>>) offsets(%dma_start3A_196 : memref<128xi32, #tpu.memory_space<vmem>>) semaphore(%arg12 : memref<!tpu.dma_semaphore, #tpu.memory_space<semaphore_mem>>)
    }
    %scan3A_87 = arith.constant 19 : i32
    %dma_wait3A_88 = arith.constant 38 : i32
    %dma_wait3A_89 = arith.constant 0 : i32
    %dma_wait3A_90 = tpu.memref_slice %arg7[%dma_wait3A_88, %dma_wait3A_89] : memref<40x128xi32, #tpu.memory_space<vmem>> -> memref<1x128xi32, #tpu.memory_space<vmem>>
    %dma_wait3A_91 = tpu.memref_squeeze %dma_wait3A_90 : memref<1x128xi32, #tpu.memory_space<vmem>> -> memref<128xi32, #tpu.memory_space<vmem>>
    %dma_wait3A_92 = arith.constant 0 : i32
    %dma_wait3A_93 = arith.constant 0 : i32
    %dma_wait3A_94 = tpu.memref_slice %arg2[%dma_wait3A_92, %dma_wait3A_93] : memref<10000x128xf32, #tpu.memory_space<hbm>> -> memref<10000x128xf32, #tpu.memory_space<hbm>>
    tpu.wait_indirect_dma semaphore(%arg11 : memref<!tpu.dma_semaphore, #tpu.memory_space<semaphore_mem>>) src(%dma_wait3A_94 : memref<10000x128xf32, #tpu.memory_space<hbm>>) dst(%arg9 : memref<128x128xf32, #tpu.memory_space<vmem>>)
    %dma_start3A_95 = arith.constant 38 : i32
    %dma_start3A_96 = arith.constant 0 : i32
    %dma_start3A_97 = tpu.memref_slice %arg8[%dma_start3A_95, %dma_start3A_96] : memref<40x128xi32, #tpu.memory_space<vmem>> -> memref<1x128xi32, #tpu.memory_space<vmem>>
    %dma_start3A_98 = tpu.memref_squeeze %dma_start3A_97 : memref<1x128xi32, #tpu.memory_space<vmem>> -> memref<128xi32, #tpu.memory_space<vmem>>
    %dma_start3A_99 = arith.constant 0 : i32
    %dma_start3A_100 = arith.constant 0 : i32
    %dma_start3A_101 = tpu.memref_slice %arg15[%dma_start3A_99, %dma_start3A_100] : memref<10112x128xf32, #tpu.memory_space<vmem_shared>> -> memref<10112x128xf32, #tpu.memory_space<vmem_shared>>
    tpu.enqueue_indirect_dma source(%arg9 : memref<128x128xf32, #tpu.memory_space<vmem>>) target(%dma_start3A_101 : memref<10112x128xf32, #tpu.memory_space<vmem_shared>>) offsets(%dma_start3A_98 : memref<128xi32, #tpu.memory_space<vmem>>) semaphore(%arg13 : memref<!tpu.dma_semaphore, #tpu.memory_space<semaphore_mem>>) {add = true}
    %dma_wait3A_102 = arith.constant 39 : i32
    %dma_wait3A_103 = arith.constant 0 : i32
    %dma_wait3A_104 = tpu.memref_slice %arg7[%dma_wait3A_102, %dma_wait3A_103] : memref<40x128xi32, #tpu.memory_space<vmem>> -> memref<1x128xi32, #tpu.memory_space<vmem>>
    %dma_wait3A_105 = tpu.memref_squeeze %dma_wait3A_104 : memref<1x128xi32, #tpu.memory_space<vmem>> -> memref<128xi32, #tpu.memory_space<vmem>>
    %dma_wait3A_106 = arith.constant 0 : i32
    %dma_wait3A_107 = arith.constant 0 : i32
    %dma_wait3A_108 = tpu.memref_slice %arg2[%dma_wait3A_106, %dma_wait3A_107] : memref<10000x128xf32, #tpu.memory_space<hbm>> -> memref<10000x128xf32, #tpu.memory_space<hbm>>
    tpu.wait_indirect_dma semaphore(%arg12 : memref<!tpu.dma_semaphore, #tpu.memory_space<semaphore_mem>>) src(%dma_wait3A_108 : memref<10000x128xf32, #tpu.memory_space<hbm>>) dst(%arg10 : memref<128x128xf32, #tpu.memory_space<vmem>>)
    %dma_start3A_109 = arith.constant 39 : i32
    %dma_start3A_110 = arith.constant 0 : i32
    %dma_start3A_111 = tpu.memref_slice %arg8[%dma_start3A_109, %dma_start3A_110] : memref<40x128xi32, #tpu.memory_space<vmem>> -> memref<1x128xi32, #tpu.memory_space<vmem>>
    %dma_start3A_112 = tpu.memref_squeeze %dma_start3A_111 : memref<1x128xi32, #tpu.memory_space<vmem>> -> memref<128xi32, #tpu.memory_space<vmem>>
    %dma_start3A_113 = arith.constant 0 : i32
    %dma_start3A_114 = arith.constant 0 : i32
    %dma_start3A_115 = tpu.memref_slice %arg15[%dma_start3A_113, %dma_start3A_114] : memref<10112x128xf32, #tpu.memory_space<vmem_shared>> -> memref<10112x128xf32, #tpu.memory_space<vmem_shared>>
    tpu.enqueue_indirect_dma source(%arg10 : memref<128x128xf32, #tpu.memory_space<vmem>>) target(%dma_start3A_115 : memref<10112x128xf32, #tpu.memory_space<vmem_shared>>) offsets(%dma_start3A_112 : memref<128xi32, #tpu.memory_space<vmem>>) semaphore(%arg14 : memref<!tpu.dma_semaphore, #tpu.memory_space<semaphore_mem>>) {add = true}
    %dma_wait3A_116 = arith.constant 38 : i32
    %dma_wait3A_117 = arith.constant 0 : i32
    %dma_wait3A_118 = tpu.memref_slice %arg8[%dma_wait3A_116, %dma_wait3A_117] : memref<40x128xi32, #tpu.memory_space<vmem>> -> memref<1x128xi32, #tpu.memory_space<vmem>>
    %dma_wait3A_119 = tpu.memref_squeeze %dma_wait3A_118 : memref<1x128xi32, #tpu.memory_space<vmem>> -> memref<128xi32, #tpu.memory_space<vmem>>
    %dma_wait3A_120 = arith.constant 0 : i32
    %dma_wait3A_121 = arith.constant 0 : i32
    %dma_wait3A_122 = tpu.memref_slice %arg15[%dma_wait3A_120, %dma_wait3A_121] : memref<10112x128xf32, #tpu.memory_space<vmem_shared>> -> memref<10112x128xf32, #tpu.memory_space<vmem_shared>>
    tpu.wait_indirect_dma semaphore(%arg13 : memref<!tpu.dma_semaphore, #tpu.memory_space<semaphore_mem>>) src(%arg9 : memref<128x128xf32, #tpu.memory_space<vmem>>) dst(%dma_wait3A_122 : memref<10112x128xf32, #tpu.memory_space<vmem_shared>>)
    %dma_wait3A_123 = arith.constant 39 : i32
    %dma_wait3A_124 = arith.constant 0 : i32
    %dma_wait3A_125 = tpu.memref_slice %arg8[%dma_wait3A_123, %dma_wait3A_124] : memref<40x128xi32, #tpu.memory_space<vmem>> -> memref<1x128xi32, #tpu.memory_space<vmem>>
    %dma_wait3A_126 = tpu.memref_squeeze %dma_wait3A_125 : memref<1x128xi32, #tpu.memory_space<vmem>> -> memref<128xi32, #tpu.memory_space<vmem>>
    %dma_wait3A_127 = arith.constant 0 : i32
    %dma_wait3A_128 = arith.constant 0 : i32
    %dma_wait3A_129 = tpu.memref_slice %arg15[%dma_wait3A_127, %dma_wait3A_128] : memref<10112x128xf32, #tpu.memory_space<vmem_shared>> -> memref<10112x128xf32, #tpu.memory_space<vmem_shared>>
    tpu.wait_indirect_dma semaphore(%arg14 : memref<!tpu.dma_semaphore, #tpu.memory_space<semaphore_mem>>) src(%arg10 : memref<128x128xf32, #tpu.memory_space<vmem>>) dst(%dma_wait3A_129 : memref<10112x128xf32, #tpu.memory_space<vmem_shared>>)
    %barrier3A_130 = arith.constant 0 : index
    tpu.barrier barrier_id(%barrier3A_130)
    %mul3A_131 = arith.constant 632 : i32
    %mul3A_132 = arith.muli %arg1, %mul3A_131 : i32
    %mul3A_133 = arith.constant 632 : i32
    %mul3A_134 = arith.muli %arg1, %mul3A_133 : i32
    "tpu.region"() ({
      %run_scoped3A = tpu.sem_alloc : memref<!tpu.dma_semaphore, #tpu.memory_space<semaphore_mem>>
      %dma_start3A_135 = arith.constant 0 : i32
      %dma_start3A_136 = tpu.memref_slice %arg6[%arg0, %mul3A_134, %dma_start3A_135] : memref<2x10112x128xf32, #tpu.memory_space<hbm>> -> memref<1x632x128xf32, #tpu.memory_space<hbm>>
      %dma_start3A_137 = tpu.memref_squeeze %dma_start3A_136 : memref<1x632x128xf32, #tpu.memory_space<hbm>> -> memref<632x128xf32, #tpu.memory_space<hbm>>
      %dma_start3A_138 = arith.constant 0 : i32
      %dma_start3A_139 = tpu.memref_slice %arg15[%mul3A_132, %dma_start3A_138] : memref<10112x128xf32, #tpu.memory_space<vmem_shared>> -> memref<632x128xf32, #tpu.memory_space<vmem_shared>>
      tpu.enqueue_dma source(%dma_start3A_139 : memref<632x128xf32, #tpu.memory_space<vmem_shared>>) target(%dma_start3A_137 : memref<632x128xf32, #tpu.memory_space<hbm>>) target_semaphore(%run_scoped3A : memref<!tpu.dma_semaphore, #tpu.memory_space<semaphore_mem>>)
      %dma_wait3A_140 = arith.constant 0 : i32
      %dma_wait3A_141 = tpu.memref_slice %arg6[%arg0, %mul3A_134, %dma_wait3A_140] : memref<2x10112x128xf32, #tpu.memory_space<hbm>> -> memref<1x632x128xf32, #tpu.memory_space<hbm>>
      %dma_wait3A_142 = tpu.memref_squeeze %dma_wait3A_141 : memref<1x632x128xf32, #tpu.memory_space<hbm>> -> memref<632x128xf32, #tpu.memory_space<hbm>>
      %dma_wait3A_143 = arith.constant 0 : i32
      %dma_wait3A_144 = tpu.memref_slice %arg15[%mul3A_132, %dma_wait3A_143] : memref<10112x128xf32, #tpu.memory_space<vmem_shared>> -> memref<632x128xf32, #tpu.memory_space<vmem_shared>>
      tpu.wait_dma2 semaphore(%run_scoped3A : memref<!tpu.dma_semaphore, #tpu.memory_space<semaphore_mem>>) src(%dma_wait3A_144 : memref<632x128xf32, #tpu.memory_space<vmem_shared>>) dst(%dma_wait3A_142 : memref<632x128xf32, #tpu.memory_space<hbm>>)
      tpu.yield
    }) : () -> ()
    return
  }
}

#map = affine_map<(d0, d1) -> (0, 0)>
#map1 = affine_map<(d0, d1) -> (0, 0, 0)>
module attributes {stable_mosaic.version = 14 : i64} {
  func.func @scat_kernel(%arg0: i32, %arg1: i32, %arg2: memref<10000x128xf32, #tpu.memory_space<hbm>>, %arg3: memref<2560x128xi32, #tpu.memory_space<hbm>>, %arg4: memref<2560x128xi32, #tpu.memory_space<hbm>>, %arg5: memref<632x128xf32, #tpu.memory_space<hbm>>, %arg6: memref<2x10112x128xf32, #tpu.memory_space<hbm>>, %arg7: memref<40x128xi32, #tpu.memory_space<vmem>>, %arg8: memref<40x128xi32, #tpu.memory_space<vmem>>, %arg9: memref<128x128xf32, #tpu.memory_space<vmem>>, %arg10: memref<128x128xf32, #tpu.memory_space<vmem>>, %arg11: memref<!tpu.dma_semaphore, #tpu.memory_space<semaphore_mem>>, %arg12: memref<!tpu.dma_semaphore, #tpu.memory_space<semaphore_mem>>, %arg13: memref<!tpu.dma_semaphore, #tpu.memory_space<semaphore_mem>>, %arg14: memref<!tpu.dma_semaphore, #tpu.memory_space<semaphore_mem>>, %arg15: memref<10112x128xf32, #tpu.memory_space<vmem_shared>>) attributes {dimension_semantics = [#tpu.dimension_semantics<core_parallel>, #tpu.dimension_semantics<subcore_parallel>], iteration_bounds = array<i64: 2, 16>, scalar_prefetch = 0 : i64, scratch_operands = 9 : i64, tpu.core_type = #tpu.core_type<sc_vector_subcore>, window_params = [{transform_indices = #map}, {transform_indices = #map}, {transform_indices = #map}, {transform_indices = #map}, {transform_indices = #map1}]} {
    %mul3A = arith.constant 2 : i32
    %mul3A_0 = arith.muli %arg1, %mul3A : i32
    %add3A = arith.addi %mul3A_0, %arg0 : i32
    %mul3A_1 = arith.constant 632 : i32
    %mul3A_2 = arith.muli %arg1, %mul3A_1 : i32
    "tpu.region"() ({
      %run_scoped3A = tpu.sem_alloc : memref<!tpu.dma_semaphore, #tpu.memory_space<semaphore_mem>>
      %dma_start3A_135 = arith.constant 0 : i32
      %dma_start3A_136 = tpu.memref_slice %arg15[%mul3A_2, %dma_start3A_135] : memref<10112x128xf32, #tpu.memory_space<vmem_shared>> -> memref<632x128xf32, #tpu.memory_space<vmem_shared>>
      tpu.enqueue_dma source(%arg5 : memref<632x128xf32, #tpu.memory_space<hbm>>) target(%dma_start3A_136 : memref<632x128xf32, #tpu.memory_space<vmem_shared>>) target_semaphore(%run_scoped3A : memref<!tpu.dma_semaphore, #tpu.memory_space<semaphore_mem>>)
      %dma_wait3A_137 = arith.constant 0 : i32
      %dma_wait3A_138 = tpu.memref_slice %arg15[%mul3A_2, %dma_wait3A_137] : memref<10112x128xf32, #tpu.memory_space<vmem_shared>> -> memref<632x128xf32, #tpu.memory_space<vmem_shared>>
      tpu.wait_dma2 semaphore(%run_scoped3A : memref<!tpu.dma_semaphore, #tpu.memory_space<semaphore_mem>>) src(%arg5 : memref<632x128xf32, #tpu.memory_space<hbm>>) dst(%dma_wait3A_138 : memref<632x128xf32, #tpu.memory_space<vmem_shared>>)
      tpu.yield
    }) : () -> ()
    %barrier3A = arith.constant 0 : index
    tpu.barrier barrier_id(%barrier3A)
    %mul3A_3 = arith.constant 80 : i32
    %mul3A_4 = arith.muli %add3A, %mul3A_3 : i32
    %add3A_5 = arith.constant 0 : i32
    %add3A_6 = arith.addi %mul3A_4, %add3A_5 : i32
    "tpu.region"() ({
      %run_scoped3A = tpu.sem_alloc : memref<!tpu.dma_semaphore, #tpu.memory_space<semaphore_mem>>
      %dma_start3A_135 = arith.constant 0 : i32
      %dma_start3A_136 = tpu.memref_slice %arg3[%add3A_6, %dma_start3A_135] : memref<2560x128xi32, #tpu.memory_space<hbm>> -> memref<40x128xi32, #tpu.memory_space<hbm>>
      %dma_start3A_137 = arith.constant 0 : i32
      %dma_start3A_138 = tpu.memref_slice %arg3[%add3A_6, %dma_start3A_137] : memref<2560x128xi32, #tpu.memory_space<hbm>> -> memref<40x128xi32, #tpu.memory_space<hbm>>
      tpu.enqueue_dma source(%dma_start3A_138 : memref<40x128xi32, #tpu.memory_space<hbm>>) target(%arg7 : memref<40x128xi32, #tpu.memory_space<vmem>>) target_semaphore(%run_scoped3A : memref<!tpu.dma_semaphore, #tpu.memory_space<semaphore_mem>>)
      %dma_wait3A_139 = arith.constant 0 : i32
      %dma_wait3A_140 = tpu.memref_slice %arg3[%add3A_6, %dma_wait3A_139] : memref<2560x128xi32, #tpu.memory_space<hbm>> -> memref<40x128xi32, #tpu.memory_space<hbm>>
      %dma_wait3A_141 = arith.constant 0 : i32
      %dma_wait3A_142 = tpu.memref_slice %arg3[%add3A_6, %dma_wait3A_141] : memref<2560x128xi32, #tpu.memory_space<hbm>> -> memref<40x128xi32, #tpu.memory_space<hbm>>
      tpu.wait_dma2 semaphore(%run_scoped3A : memref<!tpu.dma_semaphore, #tpu.memory_space<semaphore_mem>>) src(%dma_wait3A_142 : memref<40x128xi32, #tpu.memory_space<hbm>>) dst(%arg7 : memref<40x128xi32, #tpu.memory_space<vmem>>)
      tpu.yield
    }) : () -> ()
    "tpu.region"() ({
      %run_scoped3A = tpu.sem_alloc : memref<!tpu.dma_semaphore, #tpu.memory_space<semaphore_mem>>
      %dma_start3A_135 = arith.constant 0 : i32
      %dma_start3A_136 = tpu.memref_slice %arg4[%add3A_6, %dma_start3A_135] : memref<2560x128xi32, #tpu.memory_space<hbm>> -> memref<40x128xi32, #tpu.memory_space<hbm>>
      %dma_start3A_137 = arith.constant 0 : i32
      %dma_start3A_138 = tpu.memref_slice %arg4[%add3A_6, %dma_start3A_137] : memref<2560x128xi32, #tpu.memory_space<hbm>> -> memref<40x128xi32, #tpu.memory_space<hbm>>
      tpu.enqueue_dma source(%dma_start3A_138 : memref<40x128xi32, #tpu.memory_space<hbm>>) target(%arg8 : memref<40x128xi32, #tpu.memory_space<vmem>>) target_semaphore(%run_scoped3A : memref<!tpu.dma_semaphore, #tpu.memory_space<semaphore_mem>>)
      %dma_wait3A_139 = arith.constant 0 : i32
      %dma_wait3A_140 = tpu.memref_slice %arg4[%add3A_6, %dma_wait3A_139] : memref<2560x128xi32, #tpu.memory_space<hbm>> -> memref<40x128xi32, #tpu.memory_space<hbm>>
      %dma_wait3A_141 = arith.constant 0 : i32
      %dma_wait3A_142 = tpu.memref_slice %arg4[%add3A_6, %dma_wait3A_141] : memref<2560x128xi32, #tpu.memory_space<hbm>> -> memref<40x128xi32, #tpu.memory_space<hbm>>
      tpu.wait_dma2 semaphore(%run_scoped3A : memref<!tpu.dma_semaphore, #tpu.memory_space<semaphore_mem>>) src(%dma_wait3A_142 : memref<40x128xi32, #tpu.memory_space<hbm>>) dst(%arg8 : memref<40x128xi32, #tpu.memory_space<vmem>>)
      tpu.yield
    }) : () -> ()
    %dma_start3A = arith.constant 0 : i32
    %dma_start3A_7 = arith.constant 0 : i32
    %dma_start3A_8 = tpu.memref_slice %arg7[%dma_start3A, %dma_start3A_7] : memref<40x128xi32, #tpu.memory_space<vmem>> -> memref<1x128xi32, #tpu.memory_space<vmem>>
    %dma_start3A_9 = tpu.memref_squeeze %dma_start3A_8 : memref<1x128xi32, #tpu.memory_space<vmem>> -> memref<128xi32, #tpu.memory_space<vmem>>
    %dma_start3A_10 = arith.constant 0 : i32
    %dma_start3A_11 = arith.constant 0 : i32
    %dma_start3A_12 = tpu.memref_slice %arg2[%dma_start3A_10, %dma_start3A_11] : memref<10000x128xf32, #tpu.memory_space<hbm>> -> memref<10000x128xf32, #tpu.memory_space<hbm>>
    tpu.enqueue_indirect_dma source(%dma_start3A_12 : memref<10000x128xf32, #tpu.memory_space<hbm>>) target(%arg9 : memref<128x128xf32, #tpu.memory_space<vmem>>) offsets(%dma_start3A_9 : memref<128xi32, #tpu.memory_space<vmem>>) semaphore(%arg11 : memref<!tpu.dma_semaphore, #tpu.memory_space<semaphore_mem>>)
    %dma_start3A_13 = arith.constant 1 : i32
    %dma_start3A_14 = arith.constant 0 : i32
    %dma_start3A_15 = tpu.memref_slice %arg7[%dma_start3A_13, %dma_start3A_14] : memref<40x128xi32, #tpu.memory_space<vmem>> -> memref<1x128xi32, #tpu.memory_space<vmem>>
    %dma_start3A_16 = tpu.memref_squeeze %dma_start3A_15 : memref<1x128xi32, #tpu.memory_space<vmem>> -> memref<128xi32, #tpu.memory_space<vmem>>
    %dma_start3A_17 = arith.constant 0 : i32
    %dma_start3A_18 = arith.constant 0 : i32
    %dma_start3A_19 = tpu.memref_slice %arg2[%dma_start3A_17, %dma_start3A_18] : memref<10000x128xf32, #tpu.memory_space<hbm>> -> memref<10000x128xf32, #tpu.memory_space<hbm>>
    tpu.enqueue_indirect_dma source(%dma_start3A_19 : memref<10000x128xf32, #tpu.memory_space<hbm>>) target(%arg10 : memref<128x128xf32, #tpu.memory_space<vmem>>) offsets(%dma_start3A_16 : memref<128xi32, #tpu.memory_space<vmem>>) semaphore(%arg12 : memref<!tpu.dma_semaphore, #tpu.memory_space<semaphore_mem>>)
    %scan3A = arith.constant 0 : i32
    %scan3A_20 = arith.constant 19 : i32
    %scan3A_21 = arith.addi %scan3A, %scan3A_20 : i32
    %scan3A_22 = arith.constant 1 : i32
    scf.for %scan3A_135 = %scan3A to %scan3A_21 step %scan3A_22  : i32 {
      %mul3A_136 = arith.constant 1 : i32
      %mul3A_137 = arith.muli %scan3A_135, %mul3A_136 : i32
      %add3A_138 = arith.constant 0 : i32
      %add3A_139 = arith.addi %add3A_138, %mul3A_137 : i32
      %mul3A_140 = arith.constant 2 : i32
      %mul3A_141 = arith.muli %mul3A_140, %add3A_139 : i32
      %dma_wait3A_142 = arith.constant 0 : i32
      %dma_wait3A_143 = tpu.memref_slice %arg7[%mul3A_141, %dma_wait3A_142] : memref<40x128xi32, #tpu.memory_space<vmem>> -> memref<1x128xi32, #tpu.memory_space<vmem>>
      %dma_wait3A_144 = tpu.memref_squeeze %dma_wait3A_143 : memref<1x128xi32, #tpu.memory_space<vmem>> -> memref<128xi32, #tpu.memory_space<vmem>>
      %dma_wait3A_145 = arith.constant 0 : i32
      %dma_wait3A_146 = arith.constant 0 : i32
      %dma_wait3A_147 = tpu.memref_slice %arg2[%dma_wait3A_145, %dma_wait3A_146] : memref<10000x128xf32, #tpu.memory_space<hbm>> -> memref<10000x128xf32, #tpu.memory_space<hbm>>
      tpu.wait_indirect_dma semaphore(%arg11 : memref<!tpu.dma_semaphore, #tpu.memory_space<semaphore_mem>>) src(%dma_wait3A_147 : memref<10000x128xf32, #tpu.memory_space<hbm>>) dst(%arg9 : memref<128x128xf32, #tpu.memory_space<vmem>>)
      %dma_start3A_148 = arith.constant 0 : i32
      %dma_start3A_149 = tpu.memref_slice %arg8[%mul3A_141, %dma_start3A_148] : memref<40x128xi32, #tpu.memory_space<vmem>> -> memref<1x128xi32, #tpu.memory_space<vmem>>
      %dma_start3A_150 = tpu.memref_squeeze %dma_start3A_149 : memref<1x128xi32, #tpu.memory_space<vmem>> -> memref<128xi32, #tpu.memory_space<vmem>>
      %dma_start3A_151 = arith.constant 0 : i32
      %dma_start3A_152 = arith.constant 0 : i32
      %dma_start3A_153 = tpu.memref_slice %arg15[%dma_start3A_151, %dma_start3A_152] : memref<10112x128xf32, #tpu.memory_space<vmem_shared>> -> memref<10112x128xf32, #tpu.memory_space<vmem_shared>>
      tpu.enqueue_indirect_dma source(%arg9 : memref<128x128xf32, #tpu.memory_space<vmem>>) target(%dma_start3A_153 : memref<10112x128xf32, #tpu.memory_space<vmem_shared>>) offsets(%dma_start3A_150 : memref<128xi32, #tpu.memory_space<vmem>>) semaphore(%arg13 : memref<!tpu.dma_semaphore, #tpu.memory_space<semaphore_mem>>) {add = true}
      %add3A_154 = arith.constant 1 : i32
      %add3A_155 = arith.addi %mul3A_141, %add3A_154 : i32
      %dma_wait3A_156 = arith.constant 0 : i32
      %dma_wait3A_157 = tpu.memref_slice %arg7[%add3A_155, %dma_wait3A_156] : memref<40x128xi32, #tpu.memory_space<vmem>> -> memref<1x128xi32, #tpu.memory_space<vmem>>
      %dma_wait3A_158 = tpu.memref_squeeze %dma_wait3A_157 : memref<1x128xi32, #tpu.memory_space<vmem>> -> memref<128xi32, #tpu.memory_space<vmem>>
      %dma_wait3A_159 = arith.constant 0 : i32
      %dma_wait3A_160 = arith.constant 0 : i32
      %dma_wait3A_161 = tpu.memref_slice %arg2[%dma_wait3A_159, %dma_wait3A_160] : memref<10000x128xf32, #tpu.memory_space<hbm>> -> memref<10000x128xf32, #tpu.memory_space<hbm>>
      tpu.wait_indirect_dma semaphore(%arg12 : memref<!tpu.dma_semaphore, #tpu.memory_space<semaphore_mem>>) src(%dma_wait3A_161 : memref<10000x128xf32, #tpu.memory_space<hbm>>) dst(%arg10 : memref<128x128xf32, #tpu.memory_space<vmem>>)
      %dma_wait3A_162 = arith.constant 0 : i32
      %dma_wait3A_163 = tpu.memref_slice %arg8[%mul3A_141, %dma_wait3A_162] : memref<40x128xi32, #tpu.memory_space<vmem>> -> memref<1x128xi32, #tpu.memory_space<vmem>>
      %dma_wait3A_164 = tpu.memref_squeeze %dma_wait3A_163 : memref<1x128xi32, #tpu.memory_space<vmem>> -> memref<128xi32, #tpu.memory_space<vmem>>
      %dma_wait3A_165 = arith.constant 0 : i32
      %dma_wait3A_166 = arith.constant 0 : i32
      %dma_wait3A_167 = tpu.memref_slice %arg15[%dma_wait3A_165, %dma_wait3A_166] : memref<10112x128xf32, #tpu.memory_space<vmem_shared>> -> memref<10112x128xf32, #tpu.memory_space<vmem_shared>>
      tpu.wait_indirect_dma semaphore(%arg13 : memref<!tpu.dma_semaphore, #tpu.memory_space<semaphore_mem>>) src(%arg9 : memref<128x128xf32, #tpu.memory_space<vmem>>) dst(%dma_wait3A_167 : memref<10112x128xf32, #tpu.memory_space<vmem_shared>>)
      %add3A_168 = arith.constant 2 : i32
      %add3A_169 = arith.addi %mul3A_141, %add3A_168 : i32
      %dma_start3A_170 = arith.constant 0 : i32
      %dma_start3A_171 = tpu.memref_slice %arg7[%add3A_169, %dma_start3A_170] : memref<40x128xi32, #tpu.memory_space<vmem>> -> memref<1x128xi32, #tpu.memory_space<vmem>>
      %dma_start3A_172 = tpu.memref_squeeze %dma_start3A_171 : memref<1x128xi32, #tpu.memory_space<vmem>> -> memref<128xi32, #tpu.memory_space<vmem>>
      %dma_start3A_173 = arith.constant 0 : i32
      %dma_start3A_174 = arith.constant 0 : i32
      %dma_start3A_175 = tpu.memref_slice %arg2[%dma_start3A_173, %dma_start3A_174] : memref<10000x128xf32, #tpu.memory_space<hbm>> -> memref<10000x128xf32, #tpu.memory_space<hbm>>
      tpu.enqueue_indirect_dma source(%dma_start3A_175 : memref<10000x128xf32, #tpu.memory_space<hbm>>) target(%arg9 : memref<128x128xf32, #tpu.memory_space<vmem>>) offsets(%dma_start3A_172 : memref<128xi32, #tpu.memory_space<vmem>>) semaphore(%arg11 : memref<!tpu.dma_semaphore, #tpu.memory_space<semaphore_mem>>)
      %add3A_176 = arith.constant 1 : i32
      %add3A_177 = arith.addi %mul3A_141, %add3A_176 : i32
      %dma_start3A_178 = arith.constant 0 : i32
      %dma_start3A_179 = tpu.memref_slice %arg8[%add3A_177, %dma_start3A_178] : memref<40x128xi32, #tpu.memory_space<vmem>> -> memref<1x128xi32, #tpu.memory_space<vmem>>
      %dma_start3A_180 = tpu.memref_squeeze %dma_start3A_179 : memref<1x128xi32, #tpu.memory_space<vmem>> -> memref<128xi32, #tpu.memory_space<vmem>>
      %dma_start3A_181 = arith.constant 0 : i32
      %dma_start3A_182 = arith.constant 0 : i32
      %dma_start3A_183 = tpu.memref_slice %arg15[%dma_start3A_181, %dma_start3A_182] : memref<10112x128xf32, #tpu.memory_space<vmem_shared>> -> memref<10112x128xf32, #tpu.memory_space<vmem_shared>>
      tpu.enqueue_indirect_dma source(%arg10 : memref<128x128xf32, #tpu.memory_space<vmem>>) target(%dma_start3A_183 : memref<10112x128xf32, #tpu.memory_space<vmem_shared>>) offsets(%dma_start3A_180 : memref<128xi32, #tpu.memory_space<vmem>>) semaphore(%arg14 : memref<!tpu.dma_semaphore, #tpu.memory_space<semaphore_mem>>) {add = true}
      %add3A_184 = arith.constant 1 : i32
      %add3A_185 = arith.addi %mul3A_141, %add3A_184 : i32
      %dma_wait3A_186 = arith.constant 0 : i32
      %dma_wait3A_187 = tpu.memref_slice %arg8[%add3A_185, %dma_wait3A_186] : memref<40x128xi32, #tpu.memory_space<vmem>> -> memref<1x128xi32, #tpu.memory_space<vmem>>
      %dma_wait3A_188 = tpu.memref_squeeze %dma_wait3A_187 : memref<1x128xi32, #tpu.memory_space<vmem>> -> memref<128xi32, #tpu.memory_space<vmem>>
      %dma_wait3A_189 = arith.constant 0 : i32
      %dma_wait3A_190 = arith.constant 0 : i32
      %dma_wait3A_191 = tpu.memref_slice %arg15[%dma_wait3A_189, %dma_wait3A_190] : memref<10112x128xf32, #tpu.memory_space<vmem_shared>> -> memref<10112x128xf32, #tpu.memory_space<vmem_shared>>
      tpu.wait_indirect_dma semaphore(%arg14 : memref<!tpu.dma_semaphore, #tpu.memory_space<semaphore_mem>>) src(%arg10 : memref<128x128xf32, #tpu.memory_space<vmem>>) dst(%dma_wait3A_191 : memref<10112x128xf32, #tpu.memory_space<vmem_shared>>)
      %add3A_192 = arith.constant 3 : i32
      %add3A_193 = arith.addi %mul3A_141, %add3A_192 : i32
      %dma_start3A_194 = arith.constant 0 : i32
      %dma_start3A_195 = tpu.memref_slice %arg7[%add3A_193, %dma_start3A_194] : memref<40x128xi32, #tpu.memory_space<vmem>> -> memref<1x128xi32, #tpu.memory_space<vmem>>
      %dma_start3A_196 = tpu.memref_squeeze %dma_start3A_195 : memref<1x128xi32, #tpu.memory_space<vmem>> -> memref<128xi32, #tpu.memory_space<vmem>>
      %dma_start3A_197 = arith.constant 0 : i32
      %dma_start3A_198 = arith.constant 0 : i32
      %dma_start3A_199 = tpu.memref_slice %arg2[%dma_start3A_197, %dma_start3A_198] : memref<10000x128xf32, #tpu.memory_space<hbm>> -> memref<10000x128xf32, #tpu.memory_space<hbm>>
      tpu.enqueue_indirect_dma source(%dma_start3A_199 : memref<10000x128xf32, #tpu.memory_space<hbm>>) target(%arg10 : memref<128x128xf32, #tpu.memory_space<vmem>>) offsets(%dma_start3A_196 : memref<128xi32, #tpu.memory_space<vmem>>) semaphore(%arg12 : memref<!tpu.dma_semaphore, #tpu.memory_space<semaphore_mem>>)
    }
    %scan3A_23 = arith.constant 19 : i32
    %dma_wait3A = arith.constant 38 : i32
    %dma_wait3A_24 = arith.constant 0 : i32
    %dma_wait3A_25 = tpu.memref_slice %arg7[%dma_wait3A, %dma_wait3A_24] : memref<40x128xi32, #tpu.memory_space<vmem>> -> memref<1x128xi32, #tpu.memory_space<vmem>>
    %dma_wait3A_26 = tpu.memref_squeeze %dma_wait3A_25 : memref<1x128xi32, #tpu.memory_space<vmem>> -> memref<128xi32, #tpu.memory_space<vmem>>
    %dma_wait3A_27 = arith.constant 0 : i32
    %dma_wait3A_28 = arith.constant 0 : i32
    %dma_wait3A_29 = tpu.memref_slice %arg2[%dma_wait3A_27, %dma_wait3A_28] : memref<10000x128xf32, #tpu.memory_space<hbm>> -> memref<10000x128xf32, #tpu.memory_space<hbm>>
    tpu.wait_indirect_dma semaphore(%arg11 : memref<!tpu.dma_semaphore, #tpu.memory_space<semaphore_mem>>) src(%dma_wait3A_29 : memref<10000x128xf32, #tpu.memory_space<hbm>>) dst(%arg9 : memref<128x128xf32, #tpu.memory_space<vmem>>)
    %dma_start3A_30 = arith.constant 38 : i32
    %dma_start3A_31 = arith.constant 0 : i32
    %dma_start3A_32 = tpu.memref_slice %arg8[%dma_start3A_30, %dma_start3A_31] : memref<40x128xi32, #tpu.memory_space<vmem>> -> memref<1x128xi32, #tpu.memory_space<vmem>>
    %dma_start3A_33 = tpu.memref_squeeze %dma_start3A_32 : memref<1x128xi32, #tpu.memory_space<vmem>> -> memref<128xi32, #tpu.memory_space<vmem>>
    %dma_start3A_34 = arith.constant 0 : i32
    %dma_start3A_35 = arith.constant 0 : i32
    %dma_start3A_36 = tpu.memref_slice %arg15[%dma_start3A_34, %dma_start3A_35] : memref<10112x128xf32, #tpu.memory_space<vmem_shared>> -> memref<10112x128xf32, #tpu.memory_space<vmem_shared>>
    tpu.enqueue_indirect_dma source(%arg9 : memref<128x128xf32, #tpu.memory_space<vmem>>) target(%dma_start3A_36 : memref<10112x128xf32, #tpu.memory_space<vmem_shared>>) offsets(%dma_start3A_33 : memref<128xi32, #tpu.memory_space<vmem>>) semaphore(%arg13 : memref<!tpu.dma_semaphore, #tpu.memory_space<semaphore_mem>>) {add = true}
    %dma_wait3A_37 = arith.constant 39 : i32
    %dma_wait3A_38 = arith.constant 0 : i32
    %dma_wait3A_39 = tpu.memref_slice %arg7[%dma_wait3A_37, %dma_wait3A_38] : memref<40x128xi32, #tpu.memory_space<vmem>> -> memref<1x128xi32, #tpu.memory_space<vmem>>
    %dma_wait3A_40 = tpu.memref_squeeze %dma_wait3A_39 : memref<1x128xi32, #tpu.memory_space<vmem>> -> memref<128xi32, #tpu.memory_space<vmem>>
    %dma_wait3A_41 = arith.constant 0 : i32
    %dma_wait3A_42 = arith.constant 0 : i32
    %dma_wait3A_43 = tpu.memref_slice %arg2[%dma_wait3A_41, %dma_wait3A_42] : memref<10000x128xf32, #tpu.memory_space<hbm>> -> memref<10000x128xf32, #tpu.memory_space<hbm>>
    tpu.wait_indirect_dma semaphore(%arg12 : memref<!tpu.dma_semaphore, #tpu.memory_space<semaphore_mem>>) src(%dma_wait3A_43 : memref<10000x128xf32, #tpu.memory_space<hbm>>) dst(%arg10 : memref<128x128xf32, #tpu.memory_space<vmem>>)
    %dma_start3A_44 = arith.constant 39 : i32
    %dma_start3A_45 = arith.constant 0 : i32
    %dma_start3A_46 = tpu.memref_slice %arg8[%dma_start3A_44, %dma_start3A_45] : memref<40x128xi32, #tpu.memory_space<vmem>> -> memref<1x128xi32, #tpu.memory_space<vmem>>
    %dma_start3A_47 = tpu.memref_squeeze %dma_start3A_46 : memref<1x128xi32, #tpu.memory_space<vmem>> -> memref<128xi32, #tpu.memory_space<vmem>>
    %dma_start3A_48 = arith.constant 0 : i32
    %dma_start3A_49 = arith.constant 0 : i32
    %dma_start3A_50 = tpu.memref_slice %arg15[%dma_start3A_48, %dma_start3A_49] : memref<10112x128xf32, #tpu.memory_space<vmem_shared>> -> memref<10112x128xf32, #tpu.memory_space<vmem_shared>>
    tpu.enqueue_indirect_dma source(%arg10 : memref<128x128xf32, #tpu.memory_space<vmem>>) target(%dma_start3A_50 : memref<10112x128xf32, #tpu.memory_space<vmem_shared>>) offsets(%dma_start3A_47 : memref<128xi32, #tpu.memory_space<vmem>>) semaphore(%arg14 : memref<!tpu.dma_semaphore, #tpu.memory_space<semaphore_mem>>) {add = true}
    %dma_wait3A_51 = arith.constant 38 : i32
    %dma_wait3A_52 = arith.constant 0 : i32
    %dma_wait3A_53 = tpu.memref_slice %arg8[%dma_wait3A_51, %dma_wait3A_52] : memref<40x128xi32, #tpu.memory_space<vmem>> -> memref<1x128xi32, #tpu.memory_space<vmem>>
    %dma_wait3A_54 = tpu.memref_squeeze %dma_wait3A_53 : memref<1x128xi32, #tpu.memory_space<vmem>> -> memref<128xi32, #tpu.memory_space<vmem>>
    %dma_wait3A_55 = arith.constant 0 : i32
    %dma_wait3A_56 = arith.constant 0 : i32
    %dma_wait3A_57 = tpu.memref_slice %arg15[%dma_wait3A_55, %dma_wait3A_56] : memref<10112x128xf32, #tpu.memory_space<vmem_shared>> -> memref<10112x128xf32, #tpu.memory_space<vmem_shared>>
    tpu.wait_indirect_dma semaphore(%arg13 : memref<!tpu.dma_semaphore, #tpu.memory_space<semaphore_mem>>) src(%arg9 : memref<128x128xf32, #tpu.memory_space<vmem>>) dst(%dma_wait3A_57 : memref<10112x128xf32, #tpu.memory_space<vmem_shared>>)
    %dma_wait3A_58 = arith.constant 39 : i32
    %dma_wait3A_59 = arith.constant 0 : i32
    %dma_wait3A_60 = tpu.memref_slice %arg8[%dma_wait3A_58, %dma_wait3A_59] : memref<40x128xi32, #tpu.memory_space<vmem>> -> memref<1x128xi32, #tpu.memory_space<vmem>>
    %dma_wait3A_61 = tpu.memref_squeeze %dma_wait3A_60 : memref<1x128xi32, #tpu.memory_space<vmem>> -> memref<128xi32, #tpu.memory_space<vmem>>
    %dma_wait3A_62 = arith.constant 0 : i32
    %dma_wait3A_63 = arith.constant 0 : i32
    %dma_wait3A_64 = tpu.memref_slice %arg15[%dma_wait3A_62, %dma_wait3A_63] : memref<10112x128xf32, #tpu.memory_space<vmem_shared>> -> memref<10112x128xf32, #tpu.memory_space<vmem_shared>>
    tpu.wait_indirect_dma semaphore(%arg14 : memref<!tpu.dma_semaphore, #tpu.memory_space<semaphore_mem>>) src(%arg10 : memref<128x128xf32, #tpu.memory_space<vmem>>) dst(%dma_wait3A_64 : memref<10112x128xf32, #tpu.memory_space<vmem_shared>>)
    %mul3A_65 = arith.constant 80 : i32
    %mul3A_66 = arith.muli %add3A, %mul3A_65 : i32
    %add3A_67 = arith.constant 40 : i32
    %add3A_68 = arith.addi %mul3A_66, %add3A_67 : i32
    "tpu.region"() ({
      %run_scoped3A = tpu.sem_alloc : memref<!tpu.dma_semaphore, #tpu.memory_space<semaphore_mem>>
      %dma_start3A_135 = arith.constant 0 : i32
      %dma_start3A_136 = tpu.memref_slice %arg3[%add3A_68, %dma_start3A_135] : memref<2560x128xi32, #tpu.memory_space<hbm>> -> memref<40x128xi32, #tpu.memory_space<hbm>>
      %dma_start3A_137 = arith.constant 0 : i32
      %dma_start3A_138 = tpu.memref_slice %arg3[%add3A_68, %dma_start3A_137] : memref<2560x128xi32, #tpu.memory_space<hbm>> -> memref<40x128xi32, #tpu.memory_space<hbm>>
      tpu.enqueue_dma source(%dma_start3A_138 : memref<40x128xi32, #tpu.memory_space<hbm>>) target(%arg7 : memref<40x128xi32, #tpu.memory_space<vmem>>) target_semaphore(%run_scoped3A : memref<!tpu.dma_semaphore, #tpu.memory_space<semaphore_mem>>)
      %dma_wait3A_139 = arith.constant 0 : i32
      %dma_wait3A_140 = tpu.memref_slice %arg3[%add3A_68, %dma_wait3A_139] : memref<2560x128xi32, #tpu.memory_space<hbm>> -> memref<40x128xi32, #tpu.memory_space<hbm>>
      %dma_wait3A_141 = arith.constant 0 : i32
      %dma_wait3A_142 = tpu.memref_slice %arg3[%add3A_68, %dma_wait3A_141] : memref<2560x128xi32, #tpu.memory_space<hbm>> -> memref<40x128xi32, #tpu.memory_space<hbm>>
      tpu.wait_dma2 semaphore(%run_scoped3A : memref<!tpu.dma_semaphore, #tpu.memory_space<semaphore_mem>>) src(%dma_wait3A_142 : memref<40x128xi32, #tpu.memory_space<hbm>>) dst(%arg7 : memref<40x128xi32, #tpu.memory_space<vmem>>)
      tpu.yield
    }) : () -> ()
    "tpu.region"() ({
      %run_scoped3A = tpu.sem_alloc : memref<!tpu.dma_semaphore, #tpu.memory_space<semaphore_mem>>
      %dma_start3A_135 = arith.constant 0 : i32
      %dma_start3A_136 = tpu.memref_slice %arg4[%add3A_68, %dma_start3A_135] : memref<2560x128xi32, #tpu.memory_space<hbm>> -> memref<40x128xi32, #tpu.memory_space<hbm>>
      %dma_start3A_137 = arith.constant 0 : i32
      %dma_start3A_138 = tpu.memref_slice %arg4[%add3A_68, %dma_start3A_137] : memref<2560x128xi32, #tpu.memory_space<hbm>> -> memref<40x128xi32, #tpu.memory_space<hbm>>
      tpu.enqueue_dma source(%dma_start3A_138 : memref<40x128xi32, #tpu.memory_space<hbm>>) target(%arg8 : memref<40x128xi32, #tpu.memory_space<vmem>>) target_semaphore(%run_scoped3A : memref<!tpu.dma_semaphore, #tpu.memory_space<semaphore_mem>>)
      %dma_wait3A_139 = arith.constant 0 : i32
      %dma_wait3A_140 = tpu.memref_slice %arg4[%add3A_68, %dma_wait3A_139] : memref<2560x128xi32, #tpu.memory_space<hbm>> -> memref<40x128xi32, #tpu.memory_space<hbm>>
      %dma_wait3A_141 = arith.constant 0 : i32
      %dma_wait3A_142 = tpu.memref_slice %arg4[%add3A_68, %dma_wait3A_141] : memref<2560x128xi32, #tpu.memory_space<hbm>> -> memref<40x128xi32, #tpu.memory_space<hbm>>
      tpu.wait_dma2 semaphore(%run_scoped3A : memref<!tpu.dma_semaphore, #tpu.memory_space<semaphore_mem>>) src(%dma_wait3A_142 : memref<40x128xi32, #tpu.memory_space<hbm>>) dst(%arg8 : memref<40x128xi32, #tpu.memory_space<vmem>>)
      tpu.yield
    }) : () -> ()
    %dma_start3A_69 = arith.constant 0 : i32
    %dma_start3A_70 = arith.constant 0 : i32
    %dma_start3A_71 = tpu.memref_slice %arg7[%dma_start3A_69, %dma_start3A_70] : memref<40x128xi32, #tpu.memory_space<vmem>> -> memref<1x128xi32, #tpu.memory_space<vmem>>
    %dma_start3A_72 = tpu.memref_squeeze %dma_start3A_71 : memref<1x128xi32, #tpu.memory_space<vmem>> -> memref<128xi32, #tpu.memory_space<vmem>>
    %dma_start3A_73 = arith.constant 0 : i32
    %dma_start3A_74 = arith.constant 0 : i32
    %dma_start3A_75 = tpu.memref_slice %arg2[%dma_start3A_73, %dma_start3A_74] : memref<10000x128xf32, #tpu.memory_space<hbm>> -> memref<10000x128xf32, #tpu.memory_space<hbm>>
    tpu.enqueue_indirect_dma source(%dma_start3A_75 : memref<10000x128xf32, #tpu.memory_space<hbm>>) target(%arg9 : memref<128x128xf32, #tpu.memory_space<vmem>>) offsets(%dma_start3A_72 : memref<128xi32, #tpu.memory_space<vmem>>) semaphore(%arg11 : memref<!tpu.dma_semaphore, #tpu.memory_space<semaphore_mem>>)
    %dma_start3A_76 = arith.constant 1 : i32
    %dma_start3A_77 = arith.constant 0 : i32
    %dma_start3A_78 = tpu.memref_slice %arg7[%dma_start3A_76, %dma_start3A_77] : memref<40x128xi32, #tpu.memory_space<vmem>> -> memref<1x128xi32, #tpu.memory_space<vmem>>
    %dma_start3A_79 = tpu.memref_squeeze %dma_start3A_78 : memref<1x128xi32, #tpu.memory_space<vmem>> -> memref<128xi32, #tpu.memory_space<vmem>>
    %dma_start3A_80 = arith.constant 0 : i32
    %dma_start3A_81 = arith.constant 0 : i32
    %dma_start3A_82 = tpu.memref_slice %arg2[%dma_start3A_80, %dma_start3A_81] : memref<10000x128xf32, #tpu.memory_space<hbm>> -> memref<10000x128xf32, #tpu.memory_space<hbm>>
    tpu.enqueue_indirect_dma source(%dma_start3A_82 : memref<10000x128xf32, #tpu.memory_space<hbm>>) target(%arg10 : memref<128x128xf32, #tpu.memory_space<vmem>>) offsets(%dma_start3A_79 : memref<128xi32, #tpu.memory_space<vmem>>) semaphore(%arg12 : memref<!tpu.dma_semaphore, #tpu.memory_space<semaphore_mem>>)
    %scan3A_83 = arith.constant 0 : i32
    %scan3A_84 = arith.constant 19 : i32
    %scan3A_85 = arith.addi %scan3A_83, %scan3A_84 : i32
    %scan3A_86 = arith.constant 1 : i32
    scf.for %scan3A_135 = %scan3A_83 to %scan3A_85 step %scan3A_86  : i32 {
      %mul3A_136 = arith.constant 1 : i32
      %mul3A_137 = arith.muli %scan3A_135, %mul3A_136 : i32
      %add3A_138 = arith.constant 0 : i32
      %add3A_139 = arith.addi %add3A_138, %mul3A_137 : i32
      %mul3A_140 = arith.constant 2 : i32
      %mul3A_141 = arith.muli %mul3A_140, %add3A_139 : i32
      %dma_wait3A_142 = arith.constant 0 : i32
      %dma_wait3A_143 = tpu.memref_slice %arg7[%mul3A_141, %dma_wait3A_142] : memref<40x128xi32, #tpu.memory_space<vmem>> -> memref<1x128xi32, #tpu.memory_space<vmem>>
      %dma_wait3A_144 = tpu.memref_squeeze %dma_wait3A_143 : memref<1x128xi32, #tpu.memory_space<vmem>> -> memref<128xi32, #tpu.memory_space<vmem>>
      %dma_wait3A_145 = arith.constant 0 : i32
      %dma_wait3A_146 = arith.constant 0 : i32
      %dma_wait3A_147 = tpu.memref_slice %arg2[%dma_wait3A_145, %dma_wait3A_146] : memref<10000x128xf32, #tpu.memory_space<hbm>> -> memref<10000x128xf32, #tpu.memory_space<hbm>>
      tpu.wait_indirect_dma semaphore(%arg11 : memref<!tpu.dma_semaphore, #tpu.memory_space<semaphore_mem>>) src(%dma_wait3A_147 : memref<10000x128xf32, #tpu.memory_space<hbm>>) dst(%arg9 : memref<128x128xf32, #tpu.memory_space<vmem>>)
      %dma_start3A_148 = arith.constant 0 : i32
      %dma_start3A_149 = tpu.memref_slice %arg8[%mul3A_141, %dma_start3A_148] : memref<40x128xi32, #tpu.memory_space<vmem>> -> memref<1x128xi32, #tpu.memory_space<vmem>>
      %dma_start3A_150 = tpu.memref_squeeze %dma_start3A_149 : memref<1x128xi32, #tpu.memory_space<vmem>> -> memref<128xi32, #tpu.memory_space<vmem>>
      %dma_start3A_151 = arith.constant 0 : i32
      %dma_start3A_152 = arith.constant 0 : i32
      %dma_start3A_153 = tpu.memref_slice %arg15[%dma_start3A_151, %dma_start3A_152] : memref<10112x128xf32, #tpu.memory_space<vmem_shared>> -> memref<10112x128xf32, #tpu.memory_space<vmem_shared>>
      tpu.enqueue_indirect_dma source(%arg9 : memref<128x128xf32, #tpu.memory_space<vmem>>) target(%dma_start3A_153 : memref<10112x128xf32, #tpu.memory_space<vmem_shared>>) offsets(%dma_start3A_150 : memref<128xi32, #tpu.memory_space<vmem>>) semaphore(%arg13 : memref<!tpu.dma_semaphore, #tpu.memory_space<semaphore_mem>>) {add = true}
      %add3A_154 = arith.constant 1 : i32
      %add3A_155 = arith.addi %mul3A_141, %add3A_154 : i32
      %dma_wait3A_156 = arith.constant 0 : i32
      %dma_wait3A_157 = tpu.memref_slice %arg7[%add3A_155, %dma_wait3A_156] : memref<40x128xi32, #tpu.memory_space<vmem>> -> memref<1x128xi32, #tpu.memory_space<vmem>>
      %dma_wait3A_158 = tpu.memref_squeeze %dma_wait3A_157 : memref<1x128xi32, #tpu.memory_space<vmem>> -> memref<128xi32, #tpu.memory_space<vmem>>
      %dma_wait3A_159 = arith.constant 0 : i32
      %dma_wait3A_160 = arith.constant 0 : i32
      %dma_wait3A_161 = tpu.memref_slice %arg2[%dma_wait3A_159, %dma_wait3A_160] : memref<10000x128xf32, #tpu.memory_space<hbm>> -> memref<10000x128xf32, #tpu.memory_space<hbm>>
      tpu.wait_indirect_dma semaphore(%arg12 : memref<!tpu.dma_semaphore, #tpu.memory_space<semaphore_mem>>) src(%dma_wait3A_161 : memref<10000x128xf32, #tpu.memory_space<hbm>>) dst(%arg10 : memref<128x128xf32, #tpu.memory_space<vmem>>)
      %dma_wait3A_162 = arith.constant 0 : i32
      %dma_wait3A_163 = tpu.memref_slice %arg8[%mul3A_141, %dma_wait3A_162] : memref<40x128xi32, #tpu.memory_space<vmem>> -> memref<1x128xi32, #tpu.memory_space<vmem>>
      %dma_wait3A_164 = tpu.memref_squeeze %dma_wait3A_163 : memref<1x128xi32, #tpu.memory_space<vmem>> -> memref<128xi32, #tpu.memory_space<vmem>>
      %dma_wait3A_165 = arith.constant 0 : i32
      %dma_wait3A_166 = arith.constant 0 : i32
      %dma_wait3A_167 = tpu.memref_slice %arg15[%dma_wait3A_165, %dma_wait3A_166] : memref<10112x128xf32, #tpu.memory_space<vmem_shared>> -> memref<10112x128xf32, #tpu.memory_space<vmem_shared>>
      tpu.wait_indirect_dma semaphore(%arg13 : memref<!tpu.dma_semaphore, #tpu.memory_space<semaphore_mem>>) src(%arg9 : memref<128x128xf32, #tpu.memory_space<vmem>>) dst(%dma_wait3A_167 : memref<10112x128xf32, #tpu.memory_space<vmem_shared>>)
      %add3A_168 = arith.constant 2 : i32
      %add3A_169 = arith.addi %mul3A_141, %add3A_168 : i32
      %dma_start3A_170 = arith.constant 0 : i32
      %dma_start3A_171 = tpu.memref_slice %arg7[%add3A_169, %dma_start3A_170] : memref<40x128xi32, #tpu.memory_space<vmem>> -> memref<1x128xi32, #tpu.memory_space<vmem>>
      %dma_start3A_172 = tpu.memref_squeeze %dma_start3A_171 : memref<1x128xi32, #tpu.memory_space<vmem>> -> memref<128xi32, #tpu.memory_space<vmem>>
      %dma_start3A_173 = arith.constant 0 : i32
      %dma_start3A_174 = arith.constant 0 : i32
      %dma_start3A_175 = tpu.memref_slice %arg2[%dma_start3A_173, %dma_start3A_174] : memref<10000x128xf32, #tpu.memory_space<hbm>> -> memref<10000x128xf32, #tpu.memory_space<hbm>>
      tpu.enqueue_indirect_dma source(%dma_start3A_175 : memref<10000x128xf32, #tpu.memory_space<hbm>>) target(%arg9 : memref<128x128xf32, #tpu.memory_space<vmem>>) offsets(%dma_start3A_172 : memref<128xi32, #tpu.memory_space<vmem>>) semaphore(%arg11 : memref<!tpu.dma_semaphore, #tpu.memory_space<semaphore_mem>>)
      %add3A_176 = arith.constant 1 : i32
      %add3A_177 = arith.addi %mul3A_141, %add3A_176 : i32
      %dma_start3A_178 = arith.constant 0 : i32
      %dma_start3A_179 = tpu.memref_slice %arg8[%add3A_177, %dma_start3A_178] : memref<40x128xi32, #tpu.memory_space<vmem>> -> memref<1x128xi32, #tpu.memory_space<vmem>>
      %dma_start3A_180 = tpu.memref_squeeze %dma_start3A_179 : memref<1x128xi32, #tpu.memory_space<vmem>> -> memref<128xi32, #tpu.memory_space<vmem>>
      %dma_start3A_181 = arith.constant 0 : i32
      %dma_start3A_182 = arith.constant 0 : i32
      %dma_start3A_183 = tpu.memref_slice %arg15[%dma_start3A_181, %dma_start3A_182] : memref<10112x128xf32, #tpu.memory_space<vmem_shared>> -> memref<10112x128xf32, #tpu.memory_space<vmem_shared>>
      tpu.enqueue_indirect_dma source(%arg10 : memref<128x128xf32, #tpu.memory_space<vmem>>) target(%dma_start3A_183 : memref<10112x128xf32, #tpu.memory_space<vmem_shared>>) offsets(%dma_start3A_180 : memref<128xi32, #tpu.memory_space<vmem>>) semaphore(%arg14 : memref<!tpu.dma_semaphore, #tpu.memory_space<semaphore_mem>>) {add = true}
      %add3A_184 = arith.constant 1 : i32
      %add3A_185 = arith.addi %mul3A_141, %add3A_184 : i32
      %dma_wait3A_186 = arith.constant 0 : i32
      %dma_wait3A_187 = tpu.memref_slice %arg8[%add3A_185, %dma_wait3A_186] : memref<40x128xi32, #tpu.memory_space<vmem>> -> memref<1x128xi32, #tpu.memory_space<vmem>>
      %dma_wait3A_188 = tpu.memref_squeeze %dma_wait3A_187 : memref<1x128xi32, #tpu.memory_space<vmem>> -> memref<128xi32, #tpu.memory_space<vmem>>
      %dma_wait3A_189 = arith.constant 0 : i32
      %dma_wait3A_190 = arith.constant 0 : i32
      %dma_wait3A_191 = tpu.memref_slice %arg15[%dma_wait3A_189, %dma_wait3A_190] : memref<10112x128xf32, #tpu.memory_space<vmem_shared>> -> memref<10112x128xf32, #tpu.memory_space<vmem_shared>>
      tpu.wait_indirect_dma semaphore(%arg14 : memref<!tpu.dma_semaphore, #tpu.memory_space<semaphore_mem>>) src(%arg10 : memref<128x128xf32, #tpu.memory_space<vmem>>) dst(%dma_wait3A_191 : memref<10112x128xf32, #tpu.memory_space<vmem_shared>>)
      %add3A_192 = arith.constant 3 : i32
      %add3A_193 = arith.addi %mul3A_141, %add3A_192 : i32
      %dma_start3A_194 = arith.constant 0 : i32
      %dma_start3A_195 = tpu.memref_slice %arg7[%add3A_193, %dma_start3A_194] : memref<40x128xi32, #tpu.memory_space<vmem>> -> memref<1x128xi32, #tpu.memory_space<vmem>>
      %dma_start3A_196 = tpu.memref_squeeze %dma_start3A_195 : memref<1x128xi32, #tpu.memory_space<vmem>> -> memref<128xi32, #tpu.memory_space<vmem>>
      %dma_start3A_197 = arith.constant 0 : i32
      %dma_start3A_198 = arith.constant 0 : i32
      %dma_start3A_199 = tpu.memref_slice %arg2[%dma_start3A_197, %dma_start3A_198] : memref<10000x128xf32, #tpu.memory_space<hbm>> -> memref<10000x128xf32, #tpu.memory_space<hbm>>
      tpu.enqueue_indirect_dma source(%dma_start3A_199 : memref<10000x128xf32, #tpu.memory_space<hbm>>) target(%arg10 : memref<128x128xf32, #tpu.memory_space<vmem>>) offsets(%dma_start3A_196 : memref<128xi32, #tpu.memory_space<vmem>>) semaphore(%arg12 : memref<!tpu.dma_semaphore, #tpu.memory_space<semaphore_mem>>)
    }
    %scan3A_87 = arith.constant 19 : i32
    %dma_wait3A_88 = arith.constant 38 : i32
    %dma_wait3A_89 = arith.constant 0 : i32
    %dma_wait3A_90 = tpu.memref_slice %arg7[%dma_wait3A_88, %dma_wait3A_89] : memref<40x128xi32, #tpu.memory_space<vmem>> -> memref<1x128xi32, #tpu.memory_space<vmem>>
    %dma_wait3A_91 = tpu.memref_squeeze %dma_wait3A_90 : memref<1x128xi32, #tpu.memory_space<vmem>> -> memref<128xi32, #tpu.memory_space<vmem>>
    %dma_wait3A_92 = arith.constant 0 : i32
    %dma_wait3A_93 = arith.constant 0 : i32
    %dma_wait3A_94 = tpu.memref_slice %arg2[%dma_wait3A_92, %dma_wait3A_93] : memref<10000x128xf32, #tpu.memory_space<hbm>> -> memref<10000x128xf32, #tpu.memory_space<hbm>>
    tpu.wait_indirect_dma semaphore(%arg11 : memref<!tpu.dma_semaphore, #tpu.memory_space<semaphore_mem>>) src(%dma_wait3A_94 : memref<10000x128xf32, #tpu.memory_space<hbm>>) dst(%arg9 : memref<128x128xf32, #tpu.memory_space<vmem>>)
    %dma_start3A_95 = arith.constant 38 : i32
    %dma_start3A_96 = arith.constant 0 : i32
    %dma_start3A_97 = tpu.memref_slice %arg8[%dma_start3A_95, %dma_start3A_96] : memref<40x128xi32, #tpu.memory_space<vmem>> -> memref<1x128xi32, #tpu.memory_space<vmem>>
    %dma_start3A_98 = tpu.memref_squeeze %dma_start3A_97 : memref<1x128xi32, #tpu.memory_space<vmem>> -> memref<128xi32, #tpu.memory_space<vmem>>
    %dma_start3A_99 = arith.constant 0 : i32
    %dma_start3A_100 = arith.constant 0 : i32
    %dma_start3A_101 = tpu.memref_slice %arg15[%dma_start3A_99, %dma_start3A_100] : memref<10112x128xf32, #tpu.memory_space<vmem_shared>> -> memref<10112x128xf32, #tpu.memory_space<vmem_shared>>
    tpu.enqueue_indirect_dma source(%arg9 : memref<128x128xf32, #tpu.memory_space<vmem>>) target(%dma_start3A_101 : memref<10112x128xf32, #tpu.memory_space<vmem_shared>>) offsets(%dma_start3A_98 : memref<128xi32, #tpu.memory_space<vmem>>) semaphore(%arg13 : memref<!tpu.dma_semaphore, #tpu.memory_space<semaphore_mem>>) {add = true}
    %dma_wait3A_102 = arith.constant 39 : i32
    %dma_wait3A_103 = arith.constant 0 : i32
    %dma_wait3A_104 = tpu.memref_slice %arg7[%dma_wait3A_102, %dma_wait3A_103] : memref<40x128xi32, #tpu.memory_space<vmem>> -> memref<1x128xi32, #tpu.memory_space<vmem>>
    %dma_wait3A_105 = tpu.memref_squeeze %dma_wait3A_104 : memref<1x128xi32, #tpu.memory_space<vmem>> -> memref<128xi32, #tpu.memory_space<vmem>>
    %dma_wait3A_106 = arith.constant 0 : i32
    %dma_wait3A_107 = arith.constant 0 : i32
    %dma_wait3A_108 = tpu.memref_slice %arg2[%dma_wait3A_106, %dma_wait3A_107] : memref<10000x128xf32, #tpu.memory_space<hbm>> -> memref<10000x128xf32, #tpu.memory_space<hbm>>
    tpu.wait_indirect_dma semaphore(%arg12 : memref<!tpu.dma_semaphore, #tpu.memory_space<semaphore_mem>>) src(%dma_wait3A_108 : memref<10000x128xf32, #tpu.memory_space<hbm>>) dst(%arg10 : memref<128x128xf32, #tpu.memory_space<vmem>>)
    %dma_start3A_109 = arith.constant 39 : i32
    %dma_start3A_110 = arith.constant 0 : i32
    %dma_start3A_111 = tpu.memref_slice %arg8[%dma_start3A_109, %dma_start3A_110] : memref<40x128xi32, #tpu.memory_space<vmem>> -> memref<1x128xi32, #tpu.memory_space<vmem>>
    %dma_start3A_112 = tpu.memref_squeeze %dma_start3A_111 : memref<1x128xi32, #tpu.memory_space<vmem>> -> memref<128xi32, #tpu.memory_space<vmem>>
    %dma_start3A_113 = arith.constant 0 : i32
    %dma_start3A_114 = arith.constant 0 : i32
    %dma_start3A_115 = tpu.memref_slice %arg15[%dma_start3A_113, %dma_start3A_114] : memref<10112x128xf32, #tpu.memory_space<vmem_shared>> -> memref<10112x128xf32, #tpu.memory_space<vmem_shared>>
    tpu.enqueue_indirect_dma source(%arg10 : memref<128x128xf32, #tpu.memory_space<vmem>>) target(%dma_start3A_115 : memref<10112x128xf32, #tpu.memory_space<vmem_shared>>) offsets(%dma_start3A_112 : memref<128xi32, #tpu.memory_space<vmem>>) semaphore(%arg14 : memref<!tpu.dma_semaphore, #tpu.memory_space<semaphore_mem>>) {add = true}
    %dma_wait3A_116 = arith.constant 38 : i32
    %dma_wait3A_117 = arith.constant 0 : i32
    %dma_wait3A_118 = tpu.memref_slice %arg8[%dma_wait3A_116, %dma_wait3A_117] : memref<40x128xi32, #tpu.memory_space<vmem>> -> memref<1x128xi32, #tpu.memory_space<vmem>>
    %dma_wait3A_119 = tpu.memref_squeeze %dma_wait3A_118 : memref<1x128xi32, #tpu.memory_space<vmem>> -> memref<128xi32, #tpu.memory_space<vmem>>
    %dma_wait3A_120 = arith.constant 0 : i32
    %dma_wait3A_121 = arith.constant 0 : i32
    %dma_wait3A_122 = tpu.memref_slice %arg15[%dma_wait3A_120, %dma_wait3A_121] : memref<10112x128xf32, #tpu.memory_space<vmem_shared>> -> memref<10112x128xf32, #tpu.memory_space<vmem_shared>>
    tpu.wait_indirect_dma semaphore(%arg13 : memref<!tpu.dma_semaphore, #tpu.memory_space<semaphore_mem>>) src(%arg9 : memref<128x128xf32, #tpu.memory_space<vmem>>) dst(%dma_wait3A_122 : memref<10112x128xf32, #tpu.memory_space<vmem_shared>>)
    %dma_wait3A_123 = arith.constant 39 : i32
    %dma_wait3A_124 = arith.constant 0 : i32
    %dma_wait3A_125 = tpu.memref_slice %arg8[%dma_wait3A_123, %dma_wait3A_124] : memref<40x128xi32, #tpu.memory_space<vmem>> -> memref<1x128xi32, #tpu.memory_space<vmem>>
    %dma_wait3A_126 = tpu.memref_squeeze %dma_wait3A_125 : memref<1x128xi32, #tpu.memory_space<vmem>> -> memref<128xi32, #tpu.memory_space<vmem>>
    %dma_wait3A_127 = arith.constant 0 : i32
    %dma_wait3A_128 = arith.constant 0 : i32
    %dma_wait3A_129 = tpu.memref_slice %arg15[%dma_wait3A_127, %dma_wait3A_128] : memref<10112x128xf32, #tpu.memory_space<vmem_shared>> -> memref<10112x128xf32, #tpu.memory_space<vmem_shared>>
    tpu.wait_indirect_dma semaphore(%arg14 : memref<!tpu.dma_semaphore, #tpu.memory_space<semaphore_mem>>) src(%arg10 : memref<128x128xf32, #tpu.memory_space<vmem>>) dst(%dma_wait3A_129 : memref<10112x128xf32, #tpu.memory_space<vmem_shared>>)
    %barrier3A_130 = arith.constant 0 : index
    tpu.barrier barrier_id(%barrier3A_130)
    %mul3A_131 = arith.constant 632 : i32
    %mul3A_132 = arith.muli %arg1, %mul3A_131 : i32
    %mul3A_133 = arith.constant 632 : i32
    %mul3A_134 = arith.muli %arg1, %mul3A_133 : i32
    "tpu.region"() ({
      %run_scoped3A = tpu.sem_alloc : memref<!tpu.dma_semaphore, #tpu.memory_space<semaphore_mem>>
      %dma_start3A_135 = arith.constant 0 : i32
      %dma_start3A_136 = tpu.memref_slice %arg6[%arg0, %mul3A_134, %dma_start3A_135] : memref<2x10112x128xf32, #tpu.memory_space<hbm>> -> memref<1x632x128xf32, #tpu.memory_space<hbm>>
      %dma_start3A_137 = tpu.memref_squeeze %dma_start3A_136 : memref<1x632x128xf32, #tpu.memory_space<hbm>> -> memref<632x128xf32, #tpu.memory_space<hbm>>
      %dma_start3A_138 = arith.constant 0 : i32
      %dma_start3A_139 = tpu.memref_slice %arg15[%mul3A_132, %dma_start3A_138] : memref<10112x128xf32, #tpu.memory_space<vmem_shared>> -> memref<632x128xf32, #tpu.memory_space<vmem_shared>>
      tpu.enqueue_dma source(%dma_start3A_139 : memref<632x128xf32, #tpu.memory_space<vmem_shared>>) target(%dma_start3A_137 : memref<632x128xf32, #tpu.memory_space<hbm>>) target_semaphore(%run_scoped3A : memref<!tpu.dma_semaphore, #tpu.memory_space<semaphore_mem>>)
      %dma_wait3A_140 = arith.constant 0 : i32
      %dma_wait3A_141 = tpu.memref_slice %arg6[%arg0, %mul3A_134, %dma_wait3A_140] : memref<2x10112x128xf32, #tpu.memory_space<hbm>> -> memref<1x632x128xf32, #tpu.memory_space<hbm>>
      %dma_wait3A_142 = tpu.memref_squeeze %dma_wait3A_141 : memref<1x632x128xf32, #tpu.memory_space<hbm>> -> memref<632x128xf32, #tpu.memory_space<hbm>>
      %dma_wait3A_143 = arith.constant 0 : i32
      %dma_wait3A_144 = tpu.memref_slice %arg15[%mul3A_132, %dma_wait3A_143] : memref<10112x128xf32, #tpu.memory_space<vmem_shared>> -> memref<632x128xf32, #tpu.memory_space<vmem_shared>>
      tpu.wait_dma2 semaphore(%run_scoped3A : memref<!tpu.dma_semaphore, #tpu.memory_space<semaphore_mem>>) src(%dma_wait3A_144 : memref<632x128xf32, #tpu.memory_space<vmem_shared>>) dst(%dma_wait3A_142 : memref<632x128xf32, #tpu.memory_space<hbm>>)
      tpu.yield
    }) : () -> ()
    return
  }
}

module attributes {stable_mosaic.version = 14 : i64} {
  func.func @body(%arg0: i32, %arg1: memref<1000x128xf32, #tpu.memory_space<vmem>>, %arg2: memref<128x128xf32, #tpu.memory_space<vmem>>, %arg3: memref<1000x32xf32, #tpu.memory_space<vmem>>, %arg4: memref<1000x128xf32, #tpu.memory_space<vmem>>, %arg5: memref<1000x1xf32, #tpu.memory_space<vmem>>) attributes {dimension_semantics = [#tpu.dimension_semantics<arbitrary>], iteration_bounds = array<i64: 10>, scalar_prefetch = 0 : i64, scratch_operands = 0 : i64, tpu.core_type = #tpu.core_type<tc>, window_params = [{transform_indices = @transform_0, window_bounds = array<i64: 1000, 128>}, {pipeline_mode = #tpu.pipeline_mode<synchronous>, transform_indices = @transform_1, window_bounds = array<i64: 128, 128>}, {transform_indices = @transform_2, window_bounds = array<i64: 1000, 32>}, {transform_indices = @transform_3, window_bounds = array<i64: 1000, 128>}, {transform_indices = @transform_4, window_bounds = array<i64: 1000, 1>}]} {
    %get3A = arith.constant 0 : index
    %get3A_0 = arith.constant 0 : index
    %get3A_1 = vector.load %arg3[%get3A, %get3A_0] : memref<1000x32xf32, #tpu.memory_space<vmem>>, vector<1000x32xf32>
    %reduce_sum3A = arith.constant dense<0.000000e+00> : vector<1000xf32>
    %reduce_sum3A_2 = vector.multi_reduction <add>, %get3A_1, %reduce_sum3A [1] : vector<1000x32xf32> to vector<1000xf32>
    %broadcast_in_dim3A = vector.shape_cast %reduce_sum3A_2 : vector<1000xf32> to vector<1000x1xf32>
    %add3A = arith.constant 1.000000e+00 : f32
    %add3A_3 = vector.broadcast %add3A : f32 to vector<1000x1xf32>
    %add3A_4 = arith.addf %broadcast_in_dim3A, %add3A_3 : vector<1000x1xf32>
    %rsqrt3A = math.rsqrt %add3A_4 : vector<1000x1xf32>
    %swap3A = arith.constant 0 : index
    %swap3A_5 = arith.constant 0 : index
    %swap3A_6 = vector.load %arg5[%swap3A, %swap3A_5] : memref<1000x1xf32, #tpu.memory_space<vmem>>, vector<1000x1xf32>
    tpu.vector_store %arg5[%swap3A, %swap3A_5], %rsqrt3A {strides = array<i32>} : memref<1000x1xf32, #tpu.memory_space<vmem>>, vector<1000x1xf32>,
    %get3A_7 = arith.constant 0 : index
    %get3A_8 = arith.constant 0 : index
    %get3A_9 = vector.load %arg1[%get3A_7, %get3A_8] : memref<1000x128xf32, #tpu.memory_space<vmem>>, vector<1000x128xf32>
    %get3A_10 = arith.constant 0 : index
    %get3A_11 = arith.constant 0 : index
    %get3A_12 = vector.load %arg2[%get3A_10, %get3A_11] : memref<128x128xf32, #tpu.memory_space<vmem>>, vector<128x128xf32>
    %dot_general3A = arith.constant dense<0.000000e+00> : vector<1000x128xf32>
    %dot_general3A_13 = tpu.matmul %get3A_9, %get3A_12, %dot_general3A {dimension_numbers = #tpu.dot_dimension_numbers<[1], [0], [0], [1], [0, 0, 1, 1], [], []>, transpose_lhs_hint = false} : vector<1000x128xf32>, vector<128x128xf32>, vector<1000x128xf32> -> vector<1000x128xf32>
    %mul3A = vector.broadcast %rsqrt3A : vector<1000x1xf32> to vector<1000x128xf32>
    %mul3A_14 = arith.mulf %mul3A, %dot_general3A_13 : vector<1000x128xf32>
    %swap3A_15 = arith.constant 0 : index
    %swap3A_16 = arith.constant 0 : index
    %swap3A_17 = vector.load %arg4[%swap3A_15, %swap3A_16] : memref<1000x128xf32, #tpu.memory_space<vmem>>, vector<1000x128xf32>
    tpu.vector_store %arg4[%swap3A_15, %swap3A_16], %mul3A_14 {strides = array<i32>} : memref<1000x128xf32, #tpu.memory_space<vmem>>, vector<1000x128xf32>,
    return
  }
  func.func @transform_0(%arg0: i32) -> (i32, i32) {
    %c0_i32 = arith.constant 0 : i32
    %c0_i32_0 = arith.constant 0 : i32
    return %arg0, %c0_i32 : i32, i32
  }
  func.func @transform_1(%arg0: i32) -> (i32, i32) {
    %c0_i32 = arith.constant 0 : i32
    %c0_i32_0 = arith.constant 0 : i32
    %c0_i32_1 = arith.constant 0 : i32
    return %c0_i32, %c0_i32_0 : i32, i32
  }
  func.func @transform_2(%arg0: i32) -> (i32, i32) {
    %c0_i32 = arith.constant 0 : i32
    %c0_i32_0 = arith.constant 0 : i32
    return %arg0, %c0_i32 : i32, i32
  }
  func.func @transform_3(%arg0: i32) -> (i32, i32) {
    %c0_i32 = arith.constant 0 : i32
    %c0_i32_0 = arith.constant 0 : i32
    return %arg0, %c0_i32 : i32, i32
  }
  func.func @transform_4(%arg0: i32) -> (i32, i32) {
    %c0_i32 = arith.constant 0 : i32
    %c0_i32_0 = arith.constant 0 : i32
    return %arg0, %c0_i32 : i32, i32
  }
}

module attributes {stable_mosaic.version = 14 : i64} {
  func.func @body(%arg0: i32, %arg1: memref<1000x128xf32, #tpu.memory_space<vmem>>, %arg2: memref<1000x128xf32, #tpu.memory_space<vmem>>, %arg3: memref<1000x128xf32, #tpu.memory_space<vmem>>, %arg4: memref<1000x1xf32, #tpu.memory_space<vmem>>, %arg5: memref<1x128xf32, #tpu.memory_space<vmem>>, %arg6: memref<128x128xf32, #tpu.memory_space<vmem>>, %arg7: memref<1x128xf32, #tpu.memory_space<vmem>>, %arg8: memref<1000x128xf32, #tpu.memory_space<vmem>>) attributes {dimension_semantics = [#tpu.dimension_semantics<arbitrary>], iteration_bounds = array<i64: 10>, scalar_prefetch = 0 : i64, scratch_operands = 0 : i64, tpu.core_type = #tpu.core_type<tc>, window_params = [{transform_indices = @transform_0, window_bounds = array<i64: 1000, 128>}, {transform_indices = @transform_1, window_bounds = array<i64: 1000, 128>}, {transform_indices = @transform_2, window_bounds = array<i64: 1000, 128>}, {transform_indices = @transform_3, window_bounds = array<i64: 1000, 1>}, {pipeline_mode = #tpu.pipeline_mode<synchronous>, transform_indices = @transform_4, window_bounds = array<i64: 1, 128>}, {pipeline_mode = #tpu.pipeline_mode<synchronous>, transform_indices = @transform_5, window_bounds = array<i64: 128, 128>}, {pipeline_mode = #tpu.pipeline_mode<synchronous>, transform_indices = @transform_6, window_bounds = array<i64: 1, 128>}, {transform_indices = @transform_7, window_bounds = array<i64: 1000, 128>}]} {
    %get3A = arith.constant 0 : index
    %get3A_0 = arith.constant 0 : index
    %get3A_1 = vector.load %arg4[%get3A, %get3A_0] : memref<1000x1xf32, #tpu.memory_space<vmem>>, vector<1000x1xf32>
    %get3A_2 = arith.constant 0 : index
    %get3A_3 = arith.constant 0 : index
    %get3A_4 = vector.load %arg1[%get3A_2, %get3A_3] : memref<1000x128xf32, #tpu.memory_space<vmem>>, vector<1000x128xf32>
    %get3A_5 = arith.constant 0 : index
    %get3A_6 = arith.constant 0 : index
    %get3A_7 = vector.load %arg2[%get3A_5, %get3A_6] : memref<1000x128xf32, #tpu.memory_space<vmem>>, vector<1000x128xf32>
    %add3A = arith.addf %get3A_4, %get3A_7 : vector<1000x128xf32>
    %get3A_8 = arith.constant 0 : index
    %get3A_9 = arith.constant 0 : index
    %get3A_10 = vector.load %arg3[%get3A_8, %get3A_9] : memref<1000x128xf32, #tpu.memory_space<vmem>>, vector<1000x128xf32>
    %add3A_11 = arith.addf %add3A, %get3A_10 : vector<1000x128xf32>
    %mul3A = vector.broadcast %get3A_1 : vector<1000x1xf32> to vector<1000x128xf32>
    %mul3A_12 = arith.mulf %mul3A, %add3A_11 : vector<1000x128xf32>
    %get3A_13 = arith.constant 0 : index
    %get3A_14 = arith.constant 0 : index
    %get3A_15 = vector.load %arg5[%get3A_13, %get3A_14] : memref<1x128xf32, #tpu.memory_space<vmem>>, vector<1x128xf32>
    %add3A_16 = vector.broadcast %get3A_15 : vector<1x128xf32> to vector<1000x128xf32>
    %add3A_17 = arith.addf %mul3A_12, %add3A_16 : vector<1000x128xf32>
    %max3A = arith.constant 0.000000e+00 : f32
    %max3A_18 = vector.broadcast %max3A : f32 to vector<1000x128xf32>
    %max3A_19 = arith.maximumf %add3A_17, %max3A_18 : vector<1000x128xf32>
    %get3A_20 = arith.constant 0 : index
    %get3A_21 = arith.constant 0 : index
    %get3A_22 = vector.load %arg6[%get3A_20, %get3A_21] : memref<128x128xf32, #tpu.memory_space<vmem>>, vector<128x128xf32>
    %dot_general3A = arith.constant dense<0.000000e+00> : vector<1000x128xf32>
    %dot_general3A_23 = tpu.matmul %max3A_19, %get3A_22, %dot_general3A {dimension_numbers = #tpu.dot_dimension_numbers<[1], [0], [0], [1], [0, 0, 1, 1], [], []>, transpose_lhs_hint = false} : vector<1000x128xf32>, vector<128x128xf32>, vector<1000x128xf32> -> vector<1000x128xf32>
    %mul3A_24 = vector.broadcast %get3A_1 : vector<1000x1xf32> to vector<1000x128xf32>
    %mul3A_25 = arith.mulf %mul3A_24, %dot_general3A_23 : vector<1000x128xf32>
    %swap3A = arith.constant 0 : index
    %swap3A_26 = arith.constant 0 : index
    %swap3A_27 = vector.load %arg8[%swap3A, %swap3A_26] : memref<1000x128xf32, #tpu.memory_space<vmem>>, vector<1000x128xf32>
    tpu.vector_store %arg8[%swap3A, %swap3A_26], %mul3A_25 {strides = array<i32>} : memref<1000x128xf32, #tpu.memory_space<vmem>>, vector<1000x128xf32>,
    return
  }
  func.func @transform_0(%arg0: i32) -> (i32, i32) {
    %c0_i32 = arith.constant 0 : i32
    %c0_i32_0 = arith.constant 0 : i32
    return %arg0, %c0_i32 : i32, i32
  }
  func.func @transform_1(%arg0: i32) -> (i32, i32) {
    %c0_i32 = arith.constant 0 : i32
    %c0_i32_0 = arith.constant 0 : i32
    return %arg0, %c0_i32 : i32, i32
  }
  func.func @transform_2(%arg0: i32) -> (i32, i32) {
    %c0_i32 = arith.constant 0 : i32
    %c0_i32_0 = arith.constant 0 : i32
    return %arg0, %c0_i32 : i32, i32
  }
  func.func @transform_3(%arg0: i32) -> (i32, i32) {
    %c0_i32 = arith.constant 0 : i32
    %c0_i32_0 = arith.constant 0 : i32
    return %arg0, %c0_i32 : i32, i32
  }
  func.func @transform_4(%arg0: i32) -> (i32, i32) {
    %c0_i32 = arith.constant 0 : i32
    %c0_i32_0 = arith.constant 0 : i32
    %c0_i32_1 = arith.constant 0 : i32
    return %c0_i32, %c0_i32_0 : i32, i32
  }
  func.func @transform_5(%arg0: i32) -> (i32, i32) {
    %c0_i32 = arith.constant 0 : i32
    %c0_i32_0 = arith.constant 0 : i32
    %c0_i32_1 = arith.constant 0 : i32
    return %c0_i32, %c0_i32_0 : i32, i32
  }
  func.func @transform_6(%arg0: i32) -> (i32, i32) {
    %c0_i32 = arith.constant 0 : i32
    %c0_i32_0 = arith.constant 0 : i32
    %c0_i32_1 = arith.constant 0 : i32
    return %c0_i32, %c0_i32_0 : i32, i32
  }
  func.func @transform_7(%arg0: i32) -> (i32, i32) {
    %c0_i32 = arith.constant 0 : i32
    %c0_i32_0 = arith.constant 0 : i32
    return %arg0, %c0_i32 : i32, i32
  }
}

module attributes {stable_mosaic.version = 14 : i64} {
  func.func @body(%arg0: i32, %arg1: memref<10000x512xf32, #tpu.memory_space<vmem>>, %arg2: memref<160x8x512xf32, #tpu.memory_space<vmem>>) attributes {dimension_semantics = [#tpu.dimension_semantics<arbitrary>], iteration_bounds = array<i64: 16>, scalar_prefetch = 0 : i64, scratch_operands = 0 : i64, tpu.core_type = #tpu.core_type<tc>, window_params = [{pipeline_mode = #tpu.pipeline_mode<synchronous>, transform_indices = @transform_0, window_bounds = array<i64: 10000, 512>}, {transform_indices = @transform_1, window_bounds = array<i64: 160, 8, 512>}]} {
    %mul3A = arith.constant 8 : i32
    %mul3A_0 = arith.muli %arg0, %mul3A : i32
    %add3A = arith.constant 0 : i32
    %add3A_1 = arith.addi %mul3A_0, %add3A : i32
    %eq3A = arith.constant 0 : i32
    %eq3A_2 = arith.cmpi eq, %add3A_1, %eq3A : i32
    %convert_element_type3A = arith.extui %eq3A_2 : i1 to i32
    %cond3A = arith.constant 0 : i32
    %cond3A_3 = arith.cmpi ne, %convert_element_type3A, %cond3A : i32
    scf.if %cond3A_3 {
      %broadcast_in_dim3A = arith.constant 0.000000e+00 : f32
      %broadcast_in_dim3A_167 = vector.broadcast %broadcast_in_dim3A : f32 to vector<80x512xf32>
      %swap3A = arith.constant 0 : index
      %swap3A_168 = arith.constant 0 : index
      %swap3A_169 = arith.constant 0 : index
      %swap3A_170 = vector.load %arg2[%swap3A, %swap3A_168, %swap3A_169] : memref<160x8x512xf32, #tpu.memory_space<vmem>>, vector<80x1x512xf32>
      %swap3A_171 = vector.shape_cast %swap3A_170 : vector<80x1x512xf32> to vector<80x512xf32>
      %swap3A_172 = vector.shape_cast %broadcast_in_dim3A_167 : vector<80x512xf32> to vector<80x1x512xf32>
      tpu.vector_store %arg2[%swap3A, %swap3A_168, %swap3A_169], %swap3A_172 {strides = array<i32>} : memref<160x8x512xf32, #tpu.memory_space<vmem>>, vector<80x1x512xf32>,
      %get3A = arith.constant 0 : index
      %get3A_173 = arith.constant 0 : index
      %get3A_174 = vector.load %arg1[%get3A, %get3A_173] : memref<10000x512xf32, #tpu.memory_space<vmem>>, vector<80x512xf32>
      %swap3A_175 = arith.constant 80 : index
      %swap3A_176 = arith.constant 0 : index
      %swap3A_177 = arith.constant 0 : index
      %swap3A_178 = vector.load %arg2[%swap3A_175, %swap3A_176, %swap3A_177] : memref<160x8x512xf32, #tpu.memory_space<vmem>>, vector<80x1x512xf32>
      %swap3A_179 = vector.shape_cast %swap3A_178 : vector<80x1x512xf32> to vector<80x512xf32>
      %swap3A_180 = vector.shape_cast %get3A_174 : vector<80x512xf32> to vector<80x1x512xf32>
      tpu.vector_store %arg2[%swap3A_175, %swap3A_176, %swap3A_177], %swap3A_180 {strides = array<i32>} : memref<160x8x512xf32, #tpu.memory_space<vmem>>, vector<80x1x512xf32>,
    } else {
    }
    %gt3A = arith.constant 0 : i32
    %gt3A_4 = arith.cmpi sgt, %add3A_1, %gt3A : i32
    %lt3A = arith.constant 125 : i32
    %lt3A_5 = arith.cmpi slt, %add3A_1, %lt3A : i32
    %and3A = arith.andi %gt3A_4, %lt3A_5 : i1
    %convert_element_type3A_6 = arith.extui %and3A : i1 to i32
    %cond3A_7 = arith.constant 0 : i32
    %cond3A_8 = arith.cmpi ne, %convert_element_type3A_6, %cond3A_7 : i32
    scf.if %cond3A_8 {
      %mul3A_167 = arith.constant 80 : i32
      %mul3A_168 = arith.muli %add3A_1, %mul3A_167 : i32
      %sub3A = arith.constant 80 : i32
      %sub3A_169 = arith.subi %mul3A_168, %sub3A : i32
      %get3A = arith.index_cast %sub3A_169 : i32 to index
      %get3A_170 = arith.constant 0 : index
      %get3A_171 = vector.load %arg1[%get3A, %get3A_170] : memref<10000x512xf32, #tpu.memory_space<vmem>>, vector<160x512xf32>
      %swap3A = arith.constant 0 : index
      %swap3A_172 = arith.constant 0 : index
      %swap3A_173 = arith.constant 0 : index
      %swap3A_174 = vector.load %arg2[%swap3A, %swap3A_172, %swap3A_173] : memref<160x8x512xf32, #tpu.memory_space<vmem>>, vector<160x1x512xf32>
      %swap3A_175 = vector.shape_cast %swap3A_174 : vector<160x1x512xf32> to vector<160x512xf32>
      %swap3A_176 = vector.shape_cast %get3A_171 : vector<160x512xf32> to vector<160x1x512xf32>
      tpu.vector_store %arg2[%swap3A, %swap3A_172, %swap3A_173], %swap3A_176 {strides = array<i32>} : memref<160x8x512xf32, #tpu.memory_space<vmem>>, vector<160x1x512xf32>,
    } else {
    }
    %ge3A = arith.constant 125 : i32
    %ge3A_9 = arith.cmpi sge, %add3A_1, %ge3A : i32
    %convert_element_type3A_10 = arith.extui %ge3A_9 : i1 to i32
    %cond3A_11 = arith.constant 0 : i32
    %cond3A_12 = arith.cmpi ne, %convert_element_type3A_10, %cond3A_11 : i32
    scf.if %cond3A_12 {
      %broadcast_in_dim3A = arith.constant 0.000000e+00 : f32
      %broadcast_in_dim3A_167 = vector.broadcast %broadcast_in_dim3A : f32 to vector<160x512xf32>
      %swap3A = arith.constant 0 : index
      %swap3A_168 = arith.constant 0 : index
      %swap3A_169 = arith.constant 0 : index
      %swap3A_170 = vector.load %arg2[%swap3A, %swap3A_168, %swap3A_169] : memref<160x8x512xf32, #tpu.memory_space<vmem>>, vector<160x1x512xf32>
      %swap3A_171 = vector.shape_cast %swap3A_170 : vector<160x1x512xf32> to vector<160x512xf32>
      %swap3A_172 = vector.shape_cast %broadcast_in_dim3A_167 : vector<160x512xf32> to vector<160x1x512xf32>
      tpu.vector_store %arg2[%swap3A, %swap3A_168, %swap3A_169], %swap3A_172 {strides = array<i32>} : memref<160x8x512xf32, #tpu.memory_space<vmem>>, vector<160x1x512xf32>,
    } else {
    }
    %mul3A_13 = arith.constant 8 : i32
    %mul3A_14 = arith.muli %arg0, %mul3A_13 : i32
    %add3A_15 = arith.constant 1 : i32
    %add3A_16 = arith.addi %mul3A_14, %add3A_15 : i32
    %eq3A_17 = arith.constant 0 : i32
    %eq3A_18 = arith.cmpi eq, %add3A_16, %eq3A_17 : i32
    %convert_element_type3A_19 = arith.extui %eq3A_18 : i1 to i32
    %cond3A_20 = arith.constant 0 : i32
    %cond3A_21 = arith.cmpi ne, %convert_element_type3A_19, %cond3A_20 : i32
    scf.if %cond3A_21 {
      %broadcast_in_dim3A = arith.constant 0.000000e+00 : f32
      %broadcast_in_dim3A_167 = vector.broadcast %broadcast_in_dim3A : f32 to vector<80x512xf32>
      %swap3A = arith.constant 0 : index
      %swap3A_168 = arith.constant 1 : index
      %swap3A_169 = arith.constant 0 : index
      %swap3A_170 = vector.load %arg2[%swap3A, %swap3A_168, %swap3A_169] : memref<160x8x512xf32, #tpu.memory_space<vmem>>, vector<80x1x512xf32>
      %swap3A_171 = vector.shape_cast %swap3A_170 : vector<80x1x512xf32> to vector<80x512xf32>
      %swap3A_172 = vector.shape_cast %broadcast_in_dim3A_167 : vector<80x512xf32> to vector<80x1x512xf32>
      tpu.vector_store %arg2[%swap3A, %swap3A_168, %swap3A_169], %swap3A_172 {strides = array<i32>} : memref<160x8x512xf32, #tpu.memory_space<vmem>>, vector<80x1x512xf32>,
      %get3A = arith.constant 0 : index
      %get3A_173 = arith.constant 0 : index
      %get3A_174 = vector.load %arg1[%get3A, %get3A_173] : memref<10000x512xf32, #tpu.memory_space<vmem>>, vector<80x512xf32>
      %swap3A_175 = arith.constant 80 : index
      %swap3A_176 = arith.constant 1 : index
      %swap3A_177 = arith.constant 0 : index
      %swap3A_178 = vector.load %arg2[%swap3A_175, %swap3A_176, %swap3A_177] : memref<160x8x512xf32, #tpu.memory_space<vmem>>, vector<80x1x512xf32>
      %swap3A_179 = vector.shape_cast %swap3A_178 : vector<80x1x512xf32> to vector<80x512xf32>
      %swap3A_180 = vector.shape_cast %get3A_174 : vector<80x512xf32> to vector<80x1x512xf32>
      tpu.vector_store %arg2[%swap3A_175, %swap3A_176, %swap3A_177], %swap3A_180 {strides = array<i32>} : memref<160x8x512xf32, #tpu.memory_space<vmem>>, vector<80x1x512xf32>,
    } else {
    }
    %gt3A_22 = arith.constant 0 : i32
    %gt3A_23 = arith.cmpi sgt, %add3A_16, %gt3A_22 : i32
    %lt3A_24 = arith.constant 125 : i32
    %lt3A_25 = arith.cmpi slt, %add3A_16, %lt3A_24 : i32
    %and3A_26 = arith.andi %gt3A_23, %lt3A_25 : i1
    %convert_element_type3A_27 = arith.extui %and3A_26 : i1 to i32
    %cond3A_28 = arith.constant 0 : i32
    %cond3A_29 = arith.cmpi ne, %convert_element_type3A_27, %cond3A_28 : i32
    scf.if %cond3A_29 {
      %mul3A_167 = arith.constant 80 : i32
      %mul3A_168 = arith.muli %add3A_16, %mul3A_167 : i32
      %sub3A = arith.constant 80 : i32
      %sub3A_169 = arith.subi %mul3A_168, %sub3A : i32
      %get3A = arith.index_cast %sub3A_169 : i32 to index
      %get3A_170 = arith.constant 0 : index
      %get3A_171 = vector.load %arg1[%get3A, %get3A_170] : memref<10000x512xf32, #tpu.memory_space<vmem>>, vector<160x512xf32>
      %swap3A = arith.constant 0 : index
      %swap3A_172 = arith.constant 1 : index
      %swap3A_173 = arith.constant 0 : index
      %swap3A_174 = vector.load %arg2[%swap3A, %swap3A_172, %swap3A_173] : memref<160x8x512xf32, #tpu.memory_space<vmem>>, vector<160x1x512xf32>
      %swap3A_175 = vector.shape_cast %swap3A_174 : vector<160x1x512xf32> to vector<160x512xf32>
      %swap3A_176 = vector.shape_cast %get3A_171 : vector<160x512xf32> to vector<160x1x512xf32>
      tpu.vector_store %arg2[%swap3A, %swap3A_172, %swap3A_173], %swap3A_176 {strides = array<i32>} : memref<160x8x512xf32, #tpu.memory_space<vmem>>, vector<160x1x512xf32>,
    } else {
    }
    %ge3A_30 = arith.constant 125 : i32
    %ge3A_31 = arith.cmpi sge, %add3A_16, %ge3A_30 : i32
    %convert_element_type3A_32 = arith.extui %ge3A_31 : i1 to i32
    %cond3A_33 = arith.constant 0 : i32
    %cond3A_34 = arith.cmpi ne, %convert_element_type3A_32, %cond3A_33 : i32
    scf.if %cond3A_34 {
      %broadcast_in_dim3A = arith.constant 0.000000e+00 : f32
      %broadcast_in_dim3A_167 = vector.broadcast %broadcast_in_dim3A : f32 to vector<160x512xf32>
      %swap3A = arith.constant 0 : index
      %swap3A_168 = arith.constant 1 : index
      %swap3A_169 = arith.constant 0 : index
      %swap3A_170 = vector.load %arg2[%swap3A, %swap3A_168, %swap3A_169] : memref<160x8x512xf32, #tpu.memory_space<vmem>>, vector<160x1x512xf32>
      %swap3A_171 = vector.shape_cast %swap3A_170 : vector<160x1x512xf32> to vector<160x512xf32>
      %swap3A_172 = vector.shape_cast %broadcast_in_dim3A_167 : vector<160x512xf32> to vector<160x1x512xf32>
      tpu.vector_store %arg2[%swap3A, %swap3A_168, %swap3A_169], %swap3A_172 {strides = array<i32>} : memref<160x8x512xf32, #tpu.memory_space<vmem>>, vector<160x1x512xf32>,
    } else {
    }
    %mul3A_35 = arith.constant 8 : i32
    %mul3A_36 = arith.muli %arg0, %mul3A_35 : i32
    %add3A_37 = arith.constant 2 : i32
    %add3A_38 = arith.addi %mul3A_36, %add3A_37 : i32
    %eq3A_39 = arith.constant 0 : i32
    %eq3A_40 = arith.cmpi eq, %add3A_38, %eq3A_39 : i32
    %convert_element_type3A_41 = arith.extui %eq3A_40 : i1 to i32
    %cond3A_42 = arith.constant 0 : i32
    %cond3A_43 = arith.cmpi ne, %convert_element_type3A_41, %cond3A_42 : i32
    scf.if %cond3A_43 {
      %broadcast_in_dim3A = arith.constant 0.000000e+00 : f32
      %broadcast_in_dim3A_167 = vector.broadcast %broadcast_in_dim3A : f32 to vector<80x512xf32>
      %swap3A = arith.constant 0 : index
      %swap3A_168 = arith.constant 2 : index
      %swap3A_169 = arith.constant 0 : index
      %swap3A_170 = vector.load %arg2[%swap3A, %swap3A_168, %swap3A_169] : memref<160x8x512xf32, #tpu.memory_space<vmem>>, vector<80x1x512xf32>
      %swap3A_171 = vector.shape_cast %swap3A_170 : vector<80x1x512xf32> to vector<80x512xf32>
      %swap3A_172 = vector.shape_cast %broadcast_in_dim3A_167 : vector<80x512xf32> to vector<80x1x512xf32>
      tpu.vector_store %arg2[%swap3A, %swap3A_168, %swap3A_169], %swap3A_172 {strides = array<i32>} : memref<160x8x512xf32, #tpu.memory_space<vmem>>, vector<80x1x512xf32>,
      %get3A = arith.constant 0 : index
      %get3A_173 = arith.constant 0 : index
      %get3A_174 = vector.load %arg1[%get3A, %get3A_173] : memref<10000x512xf32, #tpu.memory_space<vmem>>, vector<80x512xf32>
      %swap3A_175 = arith.constant 80 : index
      %swap3A_176 = arith.constant 2 : index
      %swap3A_177 = arith.constant 0 : index
      %swap3A_178 = vector.load %arg2[%swap3A_175, %swap3A_176, %swap3A_177] : memref<160x8x512xf32, #tpu.memory_space<vmem>>, vector<80x1x512xf32>
      %swap3A_179 = vector.shape_cast %swap3A_178 : vector<80x1x512xf32> to vector<80x512xf32>
      %swap3A_180 = vector.shape_cast %get3A_174 : vector<80x512xf32> to vector<80x1x512xf32>
      tpu.vector_store %arg2[%swap3A_175, %swap3A_176, %swap3A_177], %swap3A_180 {strides = array<i32>} : memref<160x8x512xf32, #tpu.memory_space<vmem>>, vector<80x1x512xf32>,
    } else {
    }
    %gt3A_44 = arith.constant 0 : i32
    %gt3A_45 = arith.cmpi sgt, %add3A_38, %gt3A_44 : i32
    %lt3A_46 = arith.constant 125 : i32
    %lt3A_47 = arith.cmpi slt, %add3A_38, %lt3A_46 : i32
    %and3A_48 = arith.andi %gt3A_45, %lt3A_47 : i1
    %convert_element_type3A_49 = arith.extui %and3A_48 : i1 to i32
    %cond3A_50 = arith.constant 0 : i32
    %cond3A_51 = arith.cmpi ne, %convert_element_type3A_49, %cond3A_50 : i32
    scf.if %cond3A_51 {
      %mul3A_167 = arith.constant 80 : i32
      %mul3A_168 = arith.muli %add3A_38, %mul3A_167 : i32
      %sub3A = arith.constant 80 : i32
      %sub3A_169 = arith.subi %mul3A_168, %sub3A : i32
      %get3A = arith.index_cast %sub3A_169 : i32 to index
      %get3A_170 = arith.constant 0 : index
      %get3A_171 = vector.load %arg1[%get3A, %get3A_170] : memref<10000x512xf32, #tpu.memory_space<vmem>>, vector<160x512xf32>
      %swap3A = arith.constant 0 : index
      %swap3A_172 = arith.constant 2 : index
      %swap3A_173 = arith.constant 0 : index
      %swap3A_174 = vector.load %arg2[%swap3A, %swap3A_172, %swap3A_173] : memref<160x8x512xf32, #tpu.memory_space<vmem>>, vector<160x1x512xf32>
      %swap3A_175 = vector.shape_cast %swap3A_174 : vector<160x1x512xf32> to vector<160x512xf32>
      %swap3A_176 = vector.shape_cast %get3A_171 : vector<160x512xf32> to vector<160x1x512xf32>
      tpu.vector_store %arg2[%swap3A, %swap3A_172, %swap3A_173], %swap3A_176 {strides = array<i32>} : memref<160x8x512xf32, #tpu.memory_space<vmem>>, vector<160x1x512xf32>,
    } else {
    }
    %ge3A_52 = arith.constant 125 : i32
    %ge3A_53 = arith.cmpi sge, %add3A_38, %ge3A_52 : i32
    %convert_element_type3A_54 = arith.extui %ge3A_53 : i1 to i32
    %cond3A_55 = arith.constant 0 : i32
    %cond3A_56 = arith.cmpi ne, %convert_element_type3A_54, %cond3A_55 : i32
    scf.if %cond3A_56 {
      %broadcast_in_dim3A = arith.constant 0.000000e+00 : f32
      %broadcast_in_dim3A_167 = vector.broadcast %broadcast_in_dim3A : f32 to vector<160x512xf32>
      %swap3A = arith.constant 0 : index
      %swap3A_168 = arith.constant 2 : index
      %swap3A_169 = arith.constant 0 : index
      %swap3A_170 = vector.load %arg2[%swap3A, %swap3A_168, %swap3A_169] : memref<160x8x512xf32, #tpu.memory_space<vmem>>, vector<160x1x512xf32>
      %swap3A_171 = vector.shape_cast %swap3A_170 : vector<160x1x512xf32> to vector<160x512xf32>
      %swap3A_172 = vector.shape_cast %broadcast_in_dim3A_167 : vector<160x512xf32> to vector<160x1x512xf32>
      tpu.vector_store %arg2[%swap3A, %swap3A_168, %swap3A_169], %swap3A_172 {strides = array<i32>} : memref<160x8x512xf32, #tpu.memory_space<vmem>>, vector<160x1x512xf32>,
    } else {
    }
    %mul3A_57 = arith.constant 8 : i32
    %mul3A_58 = arith.muli %arg0, %mul3A_57 : i32
    %add3A_59 = arith.constant 3 : i32
    %add3A_60 = arith.addi %mul3A_58, %add3A_59 : i32
    %eq3A_61 = arith.constant 0 : i32
    %eq3A_62 = arith.cmpi eq, %add3A_60, %eq3A_61 : i32
    %convert_element_type3A_63 = arith.extui %eq3A_62 : i1 to i32
    %cond3A_64 = arith.constant 0 : i32
    %cond3A_65 = arith.cmpi ne, %convert_element_type3A_63, %cond3A_64 : i32
    scf.if %cond3A_65 {
      %broadcast_in_dim3A = arith.constant 0.000000e+00 : f32
      %broadcast_in_dim3A_167 = vector.broadcast %broadcast_in_dim3A : f32 to vector<80x512xf32>
      %swap3A = arith.constant 0 : index
      %swap3A_168 = arith.constant 3 : index
      %swap3A_169 = arith.constant 0 : index
      %swap3A_170 = vector.load %arg2[%swap3A, %swap3A_168, %swap3A_169] : memref<160x8x512xf32, #tpu.memory_space<vmem>>, vector<80x1x512xf32>
      %swap3A_171 = vector.shape_cast %swap3A_170 : vector<80x1x512xf32> to vector<80x512xf32>
      %swap3A_172 = vector.shape_cast %broadcast_in_dim3A_167 : vector<80x512xf32> to vector<80x1x512xf32>
      tpu.vector_store %arg2[%swap3A, %swap3A_168, %swap3A_169], %swap3A_172 {strides = array<i32>} : memref<160x8x512xf32, #tpu.memory_space<vmem>>, vector<80x1x512xf32>,
      %get3A = arith.constant 0 : index
      %get3A_173 = arith.constant 0 : index
      %get3A_174 = vector.load %arg1[%get3A, %get3A_173] : memref<10000x512xf32, #tpu.memory_space<vmem>>, vector<80x512xf32>
      %swap3A_175 = arith.constant 80 : index
      %swap3A_176 = arith.constant 3 : index
      %swap3A_177 = arith.constant 0 : index
      %swap3A_178 = vector.load %arg2[%swap3A_175, %swap3A_176, %swap3A_177] : memref<160x8x512xf32, #tpu.memory_space<vmem>>, vector<80x1x512xf32>
      %swap3A_179 = vector.shape_cast %swap3A_178 : vector<80x1x512xf32> to vector<80x512xf32>
      %swap3A_180 = vector.shape_cast %get3A_174 : vector<80x512xf32> to vector<80x1x512xf32>
      tpu.vector_store %arg2[%swap3A_175, %swap3A_176, %swap3A_177], %swap3A_180 {strides = array<i32>} : memref<160x8x512xf32, #tpu.memory_space<vmem>>, vector<80x1x512xf32>,
    } else {
    }
    %gt3A_66 = arith.constant 0 : i32
    %gt3A_67 = arith.cmpi sgt, %add3A_60, %gt3A_66 : i32
    %lt3A_68 = arith.constant 125 : i32
    %lt3A_69 = arith.cmpi slt, %add3A_60, %lt3A_68 : i32
    %and3A_70 = arith.andi %gt3A_67, %lt3A_69 : i1
    %convert_element_type3A_71 = arith.extui %and3A_70 : i1 to i32
    %cond3A_72 = arith.constant 0 : i32
    %cond3A_73 = arith.cmpi ne, %convert_element_type3A_71, %cond3A_72 : i32
    scf.if %cond3A_73 {
      %mul3A_167 = arith.constant 80 : i32
      %mul3A_168 = arith.muli %add3A_60, %mul3A_167 : i32
      %sub3A = arith.constant 80 : i32
      %sub3A_169 = arith.subi %mul3A_168, %sub3A : i32
      %get3A = arith.index_cast %sub3A_169 : i32 to index
      %get3A_170 = arith.constant 0 : index
      %get3A_171 = vector.load %arg1[%get3A, %get3A_170] : memref<10000x512xf32, #tpu.memory_space<vmem>>, vector<160x512xf32>
      %swap3A = arith.constant 0 : index
      %swap3A_172 = arith.constant 3 : index
      %swap3A_173 = arith.constant 0 : index
      %swap3A_174 = vector.load %arg2[%swap3A, %swap3A_172, %swap3A_173] : memref<160x8x512xf32, #tpu.memory_space<vmem>>, vector<160x1x512xf32>
      %swap3A_175 = vector.shape_cast %swap3A_174 : vector<160x1x512xf32> to vector<160x512xf32>
      %swap3A_176 = vector.shape_cast %get3A_171 : vector<160x512xf32> to vector<160x1x512xf32>
      tpu.vector_store %arg2[%swap3A, %swap3A_172, %swap3A_173], %swap3A_176 {strides = array<i32>} : memref<160x8x512xf32, #tpu.memory_space<vmem>>, vector<160x1x512xf32>,
    } else {
    }
    %ge3A_74 = arith.constant 125 : i32
    %ge3A_75 = arith.cmpi sge, %add3A_60, %ge3A_74 : i32
    %convert_element_type3A_76 = arith.extui %ge3A_75 : i1 to i32
    %cond3A_77 = arith.constant 0 : i32
    %cond3A_78 = arith.cmpi ne, %convert_element_type3A_76, %cond3A_77 : i32
    scf.if %cond3A_78 {
      %broadcast_in_dim3A = arith.constant 0.000000e+00 : f32
      %broadcast_in_dim3A_167 = vector.broadcast %broadcast_in_dim3A : f32 to vector<160x512xf32>
      %swap3A = arith.constant 0 : index
      %swap3A_168 = arith.constant 3 : index
      %swap3A_169 = arith.constant 0 : index
      %swap3A_170 = vector.load %arg2[%swap3A, %swap3A_168, %swap3A_169] : memref<160x8x512xf32, #tpu.memory_space<vmem>>, vector<160x1x512xf32>
      %swap3A_171 = vector.shape_cast %swap3A_170 : vector<160x1x512xf32> to vector<160x512xf32>
      %swap3A_172 = vector.shape_cast %broadcast_in_dim3A_167 : vector<160x512xf32> to vector<160x1x512xf32>
      tpu.vector_store %arg2[%swap3A, %swap3A_168, %swap3A_169], %swap3A_172 {strides = array<i32>} : memref<160x8x512xf32, #tpu.memory_space<vmem>>, vector<160x1x512xf32>,
    } else {
    }
    %mul3A_79 = arith.constant 8 : i32
    %mul3A_80 = arith.muli %arg0, %mul3A_79 : i32
    %add3A_81 = arith.constant 4 : i32
    %add3A_82 = arith.addi %mul3A_80, %add3A_81 : i32
    %eq3A_83 = arith.constant 0 : i32
    %eq3A_84 = arith.cmpi eq, %add3A_82, %eq3A_83 : i32
    %convert_element_type3A_85 = arith.extui %eq3A_84 : i1 to i32
    %cond3A_86 = arith.constant 0 : i32
    %cond3A_87 = arith.cmpi ne, %convert_element_type3A_85, %cond3A_86 : i32
    scf.if %cond3A_87 {
      %broadcast_in_dim3A = arith.constant 0.000000e+00 : f32
      %broadcast_in_dim3A_167 = vector.broadcast %broadcast_in_dim3A : f32 to vector<80x512xf32>
      %swap3A = arith.constant 0 : index
      %swap3A_168 = arith.constant 4 : index
      %swap3A_169 = arith.constant 0 : index
      %swap3A_170 = vector.load %arg2[%swap3A, %swap3A_168, %swap3A_169] : memref<160x8x512xf32, #tpu.memory_space<vmem>>, vector<80x1x512xf32>
      %swap3A_171 = vector.shape_cast %swap3A_170 : vector<80x1x512xf32> to vector<80x512xf32>
      %swap3A_172 = vector.shape_cast %broadcast_in_dim3A_167 : vector<80x512xf32> to vector<80x1x512xf32>
      tpu.vector_store %arg2[%swap3A, %swap3A_168, %swap3A_169], %swap3A_172 {strides = array<i32>} : memref<160x8x512xf32, #tpu.memory_space<vmem>>, vector<80x1x512xf32>,
      %get3A = arith.constant 0 : index
      %get3A_173 = arith.constant 0 : index
      %get3A_174 = vector.load %arg1[%get3A, %get3A_173] : memref<10000x512xf32, #tpu.memory_space<vmem>>, vector<80x512xf32>
      %swap3A_175 = arith.constant 80 : index
      %swap3A_176 = arith.constant 4 : index
      %swap3A_177 = arith.constant 0 : index
      %swap3A_178 = vector.load %arg2[%swap3A_175, %swap3A_176, %swap3A_177] : memref<160x8x512xf32, #tpu.memory_space<vmem>>, vector<80x1x512xf32>
      %swap3A_179 = vector.shape_cast %swap3A_178 : vector<80x1x512xf32> to vector<80x512xf32>
      %swap3A_180 = vector.shape_cast %get3A_174 : vector<80x512xf32> to vector<80x1x512xf32>
      tpu.vector_store %arg2[%swap3A_175, %swap3A_176, %swap3A_177], %swap3A_180 {strides = array<i32>} : memref<160x8x512xf32, #tpu.memory_space<vmem>>, vector<80x1x512xf32>,
    } else {
    }
    %gt3A_88 = arith.constant 0 : i32
    %gt3A_89 = arith.cmpi sgt, %add3A_82, %gt3A_88 : i32
    %lt3A_90 = arith.constant 125 : i32
    %lt3A_91 = arith.cmpi slt, %add3A_82, %lt3A_90 : i32
    %and3A_92 = arith.andi %gt3A_89, %lt3A_91 : i1
    %convert_element_type3A_93 = arith.extui %and3A_92 : i1 to i32
    %cond3A_94 = arith.constant 0 : i32
    %cond3A_95 = arith.cmpi ne, %convert_element_type3A_93, %cond3A_94 : i32
    scf.if %cond3A_95 {
      %mul3A_167 = arith.constant 80 : i32
      %mul3A_168 = arith.muli %add3A_82, %mul3A_167 : i32
      %sub3A = arith.constant 80 : i32
      %sub3A_169 = arith.subi %mul3A_168, %sub3A : i32
      %get3A = arith.index_cast %sub3A_169 : i32 to index
      %get3A_170 = arith.constant 0 : index
      %get3A_171 = vector.load %arg1[%get3A, %get3A_170] : memref<10000x512xf32, #tpu.memory_space<vmem>>, vector<160x512xf32>
      %swap3A = arith.constant 0 : index
      %swap3A_172 = arith.constant 4 : index
      %swap3A_173 = arith.constant 0 : index
      %swap3A_174 = vector.load %arg2[%swap3A, %swap3A_172, %swap3A_173] : memref<160x8x512xf32, #tpu.memory_space<vmem>>, vector<160x1x512xf32>
      %swap3A_175 = vector.shape_cast %swap3A_174 : vector<160x1x512xf32> to vector<160x512xf32>
      %swap3A_176 = vector.shape_cast %get3A_171 : vector<160x512xf32> to vector<160x1x512xf32>
      tpu.vector_store %arg2[%swap3A, %swap3A_172, %swap3A_173], %swap3A_176 {strides = array<i32>} : memref<160x8x512xf32, #tpu.memory_space<vmem>>, vector<160x1x512xf32>,
    } else {
    }
    %ge3A_96 = arith.constant 125 : i32
    %ge3A_97 = arith.cmpi sge, %add3A_82, %ge3A_96 : i32
    %convert_element_type3A_98 = arith.extui %ge3A_97 : i1 to i32
    %cond3A_99 = arith.constant 0 : i32
    %cond3A_100 = arith.cmpi ne, %convert_element_type3A_98, %cond3A_99 : i32
    scf.if %cond3A_100 {
      %broadcast_in_dim3A = arith.constant 0.000000e+00 : f32
      %broadcast_in_dim3A_167 = vector.broadcast %broadcast_in_dim3A : f32 to vector<160x512xf32>
      %swap3A = arith.constant 0 : index
      %swap3A_168 = arith.constant 4 : index
      %swap3A_169 = arith.constant 0 : index
      %swap3A_170 = vector.load %arg2[%swap3A, %swap3A_168, %swap3A_169] : memref<160x8x512xf32, #tpu.memory_space<vmem>>, vector<160x1x512xf32>
      %swap3A_171 = vector.shape_cast %swap3A_170 : vector<160x1x512xf32> to vector<160x512xf32>
      %swap3A_172 = vector.shape_cast %broadcast_in_dim3A_167 : vector<160x512xf32> to vector<160x1x512xf32>
      tpu.vector_store %arg2[%swap3A, %swap3A_168, %swap3A_169], %swap3A_172 {strides = array<i32>} : memref<160x8x512xf32, #tpu.memory_space<vmem>>, vector<160x1x512xf32>,
    } else {
    }
    %mul3A_101 = arith.constant 8 : i32
    %mul3A_102 = arith.muli %arg0, %mul3A_101 : i32
    %add3A_103 = arith.constant 5 : i32
    %add3A_104 = arith.addi %mul3A_102, %add3A_103 : i32
    %eq3A_105 = arith.constant 0 : i32
    %eq3A_106 = arith.cmpi eq, %add3A_104, %eq3A_105 : i32
    %convert_element_type3A_107 = arith.extui %eq3A_106 : i1 to i32
    %cond3A_108 = arith.constant 0 : i32
    %cond3A_109 = arith.cmpi ne, %convert_element_type3A_107, %cond3A_108 : i32
    scf.if %cond3A_109 {
      %broadcast_in_dim3A = arith.constant 0.000000e+00 : f32
      %broadcast_in_dim3A_167 = vector.broadcast %broadcast_in_dim3A : f32 to vector<80x512xf32>
      %swap3A = arith.constant 0 : index
      %swap3A_168 = arith.constant 5 : index
      %swap3A_169 = arith.constant 0 : index
      %swap3A_170 = vector.load %arg2[%swap3A, %swap3A_168, %swap3A_169] : memref<160x8x512xf32, #tpu.memory_space<vmem>>, vector<80x1x512xf32>
      %swap3A_171 = vector.shape_cast %swap3A_170 : vector<80x1x512xf32> to vector<80x512xf32>
      %swap3A_172 = vector.shape_cast %broadcast_in_dim3A_167 : vector<80x512xf32> to vector<80x1x512xf32>
      tpu.vector_store %arg2[%swap3A, %swap3A_168, %swap3A_169], %swap3A_172 {strides = array<i32>} : memref<160x8x512xf32, #tpu.memory_space<vmem>>, vector<80x1x512xf32>,
      %get3A = arith.constant 0 : index
      %get3A_173 = arith.constant 0 : index
      %get3A_174 = vector.load %arg1[%get3A, %get3A_173] : memref<10000x512xf32, #tpu.memory_space<vmem>>, vector<80x512xf32>
      %swap3A_175 = arith.constant 80 : index
      %swap3A_176 = arith.constant 5 : index
      %swap3A_177 = arith.constant 0 : index
      %swap3A_178 = vector.load %arg2[%swap3A_175, %swap3A_176, %swap3A_177] : memref<160x8x512xf32, #tpu.memory_space<vmem>>, vector<80x1x512xf32>
      %swap3A_179 = vector.shape_cast %swap3A_178 : vector<80x1x512xf32> to vector<80x512xf32>
      %swap3A_180 = vector.shape_cast %get3A_174 : vector<80x512xf32> to vector<80x1x512xf32>
      tpu.vector_store %arg2[%swap3A_175, %swap3A_176, %swap3A_177], %swap3A_180 {strides = array<i32>} : memref<160x8x512xf32, #tpu.memory_space<vmem>>, vector<80x1x512xf32>,
    } else {
    }
    %gt3A_110 = arith.constant 0 : i32
    %gt3A_111 = arith.cmpi sgt, %add3A_104, %gt3A_110 : i32
    %lt3A_112 = arith.constant 125 : i32
    %lt3A_113 = arith.cmpi slt, %add3A_104, %lt3A_112 : i32
    %and3A_114 = arith.andi %gt3A_111, %lt3A_113 : i1
    %convert_element_type3A_115 = arith.extui %and3A_114 : i1 to i32
    %cond3A_116 = arith.constant 0 : i32
    %cond3A_117 = arith.cmpi ne, %convert_element_type3A_115, %cond3A_116 : i32
    scf.if %cond3A_117 {
      %mul3A_167 = arith.constant 80 : i32
      %mul3A_168 = arith.muli %add3A_104, %mul3A_167 : i32
      %sub3A = arith.constant 80 : i32
      %sub3A_169 = arith.subi %mul3A_168, %sub3A : i32
      %get3A = arith.index_cast %sub3A_169 : i32 to index
      %get3A_170 = arith.constant 0 : index
      %get3A_171 = vector.load %arg1[%get3A, %get3A_170] : memref<10000x512xf32, #tpu.memory_space<vmem>>, vector<160x512xf32>
      %swap3A = arith.constant 0 : index
      %swap3A_172 = arith.constant 5 : index
      %swap3A_173 = arith.constant 0 : index
      %swap3A_174 = vector.load %arg2[%swap3A, %swap3A_172, %swap3A_173] : memref<160x8x512xf32, #tpu.memory_space<vmem>>, vector<160x1x512xf32>
      %swap3A_175 = vector.shape_cast %swap3A_174 : vector<160x1x512xf32> to vector<160x512xf32>
      %swap3A_176 = vector.shape_cast %get3A_171 : vector<160x512xf32> to vector<160x1x512xf32>
      tpu.vector_store %arg2[%swap3A, %swap3A_172, %swap3A_173], %swap3A_176 {strides = array<i32>} : memref<160x8x512xf32, #tpu.memory_space<vmem>>, vector<160x1x512xf32>,
    } else {
    }
    %ge3A_118 = arith.constant 125 : i32
    %ge3A_119 = arith.cmpi sge, %add3A_104, %ge3A_118 : i32
    %convert_element_type3A_120 = arith.extui %ge3A_119 : i1 to i32
    %cond3A_121 = arith.constant 0 : i32
    %cond3A_122 = arith.cmpi ne, %convert_element_type3A_120, %cond3A_121 : i32
    scf.if %cond3A_122 {
      %broadcast_in_dim3A = arith.constant 0.000000e+00 : f32
      %broadcast_in_dim3A_167 = vector.broadcast %broadcast_in_dim3A : f32 to vector<160x512xf32>
      %swap3A = arith.constant 0 : index
      %swap3A_168 = arith.constant 5 : index
      %swap3A_169 = arith.constant 0 : index
      %swap3A_170 = vector.load %arg2[%swap3A, %swap3A_168, %swap3A_169] : memref<160x8x512xf32, #tpu.memory_space<vmem>>, vector<160x1x512xf32>
      %swap3A_171 = vector.shape_cast %swap3A_170 : vector<160x1x512xf32> to vector<160x512xf32>
      %swap3A_172 = vector.shape_cast %broadcast_in_dim3A_167 : vector<160x512xf32> to vector<160x1x512xf32>
      tpu.vector_store %arg2[%swap3A, %swap3A_168, %swap3A_169], %swap3A_172 {strides = array<i32>} : memref<160x8x512xf32, #tpu.memory_space<vmem>>, vector<160x1x512xf32>,
    } else {
    }
    %mul3A_123 = arith.constant 8 : i32
    %mul3A_124 = arith.muli %arg0, %mul3A_123 : i32
    %add3A_125 = arith.constant 6 : i32
    %add3A_126 = arith.addi %mul3A_124, %add3A_125 : i32
    %eq3A_127 = arith.constant 0 : i32
    %eq3A_128 = arith.cmpi eq, %add3A_126, %eq3A_127 : i32
    %convert_element_type3A_129 = arith.extui %eq3A_128 : i1 to i32
    %cond3A_130 = arith.constant 0 : i32
    %cond3A_131 = arith.cmpi ne, %convert_element_type3A_129, %cond3A_130 : i32
    scf.if %cond3A_131 {
      %broadcast_in_dim3A = arith.constant 0.000000e+00 : f32
      %broadcast_in_dim3A_167 = vector.broadcast %broadcast_in_dim3A : f32 to vector<80x512xf32>
      %swap3A = arith.constant 0 : index
      %swap3A_168 = arith.constant 6 : index
      %swap3A_169 = arith.constant 0 : index
      %swap3A_170 = vector.load %arg2[%swap3A, %swap3A_168, %swap3A_169] : memref<160x8x512xf32, #tpu.memory_space<vmem>>, vector<80x1x512xf32>
      %swap3A_171 = vector.shape_cast %swap3A_170 : vector<80x1x512xf32> to vector<80x512xf32>
      %swap3A_172 = vector.shape_cast %broadcast_in_dim3A_167 : vector<80x512xf32> to vector<80x1x512xf32>
      tpu.vector_store %arg2[%swap3A, %swap3A_168, %swap3A_169], %swap3A_172 {strides = array<i32>} : memref<160x8x512xf32, #tpu.memory_space<vmem>>, vector<80x1x512xf32>,
      %get3A = arith.constant 0 : index
      %get3A_173 = arith.constant 0 : index
      %get3A_174 = vector.load %arg1[%get3A, %get3A_173] : memref<10000x512xf32, #tpu.memory_space<vmem>>, vector<80x512xf32>
      %swap3A_175 = arith.constant 80 : index
      %swap3A_176 = arith.constant 6 : index
      %swap3A_177 = arith.constant 0 : index
      %swap3A_178 = vector.load %arg2[%swap3A_175, %swap3A_176, %swap3A_177] : memref<160x8x512xf32, #tpu.memory_space<vmem>>, vector<80x1x512xf32>
      %swap3A_179 = vector.shape_cast %swap3A_178 : vector<80x1x512xf32> to vector<80x512xf32>
      %swap3A_180 = vector.shape_cast %get3A_174 : vector<80x512xf32> to vector<80x1x512xf32>
      tpu.vector_store %arg2[%swap3A_175, %swap3A_176, %swap3A_177], %swap3A_180 {strides = array<i32>} : memref<160x8x512xf32, #tpu.memory_space<vmem>>, vector<80x1x512xf32>,
    } else {
    }
    %gt3A_132 = arith.constant 0 : i32
    %gt3A_133 = arith.cmpi sgt, %add3A_126, %gt3A_132 : i32
    %lt3A_134 = arith.constant 125 : i32
    %lt3A_135 = arith.cmpi slt, %add3A_126, %lt3A_134 : i32
    %and3A_136 = arith.andi %gt3A_133, %lt3A_135 : i1
    %convert_element_type3A_137 = arith.extui %and3A_136 : i1 to i32
    %cond3A_138 = arith.constant 0 : i32
    %cond3A_139 = arith.cmpi ne, %convert_element_type3A_137, %cond3A_138 : i32
    scf.if %cond3A_139 {
      %mul3A_167 = arith.constant 80 : i32
      %mul3A_168 = arith.muli %add3A_126, %mul3A_167 : i32
      %sub3A = arith.constant 80 : i32
      %sub3A_169 = arith.subi %mul3A_168, %sub3A : i32
      %get3A = arith.index_cast %sub3A_169 : i32 to index
      %get3A_170 = arith.constant 0 : index
      %get3A_171 = vector.load %arg1[%get3A, %get3A_170] : memref<10000x512xf32, #tpu.memory_space<vmem>>, vector<160x512xf32>
      %swap3A = arith.constant 0 : index
      %swap3A_172 = arith.constant 6 : index
      %swap3A_173 = arith.constant 0 : index
      %swap3A_174 = vector.load %arg2[%swap3A, %swap3A_172, %swap3A_173] : memref<160x8x512xf32, #tpu.memory_space<vmem>>, vector<160x1x512xf32>
      %swap3A_175 = vector.shape_cast %swap3A_174 : vector<160x1x512xf32> to vector<160x512xf32>
      %swap3A_176 = vector.shape_cast %get3A_171 : vector<160x512xf32> to vector<160x1x512xf32>
      tpu.vector_store %arg2[%swap3A, %swap3A_172, %swap3A_173], %swap3A_176 {strides = array<i32>} : memref<160x8x512xf32, #tpu.memory_space<vmem>>, vector<160x1x512xf32>,
    } else {
    }
    %ge3A_140 = arith.constant 125 : i32
    %ge3A_141 = arith.cmpi sge, %add3A_126, %ge3A_140 : i32
    %convert_element_type3A_142 = arith.extui %ge3A_141 : i1 to i32
    %cond3A_143 = arith.constant 0 : i32
    %cond3A_144 = arith.cmpi ne, %convert_element_type3A_142, %cond3A_143 : i32
    scf.if %cond3A_144 {
      %broadcast_in_dim3A = arith.constant 0.000000e+00 : f32
      %broadcast_in_dim3A_167 = vector.broadcast %broadcast_in_dim3A : f32 to vector<160x512xf32>
      %swap3A = arith.constant 0 : index
      %swap3A_168 = arith.constant 6 : index
      %swap3A_169 = arith.constant 0 : index
      %swap3A_170 = vector.load %arg2[%swap3A, %swap3A_168, %swap3A_169] : memref<160x8x512xf32, #tpu.memory_space<vmem>>, vector<160x1x512xf32>
      %swap3A_171 = vector.shape_cast %swap3A_170 : vector<160x1x512xf32> to vector<160x512xf32>
      %swap3A_172 = vector.shape_cast %broadcast_in_dim3A_167 : vector<160x512xf32> to vector<160x1x512xf32>
      tpu.vector_store %arg2[%swap3A, %swap3A_168, %swap3A_169], %swap3A_172 {strides = array<i32>} : memref<160x8x512xf32, #tpu.memory_space<vmem>>, vector<160x1x512xf32>,
    } else {
    }
    %mul3A_145 = arith.constant 8 : i32
    %mul3A_146 = arith.muli %arg0, %mul3A_145 : i32
    %add3A_147 = arith.constant 7 : i32
    %add3A_148 = arith.addi %mul3A_146, %add3A_147 : i32
    %eq3A_149 = arith.constant 0 : i32
    %eq3A_150 = arith.cmpi eq, %add3A_148, %eq3A_149 : i32
    %convert_element_type3A_151 = arith.extui %eq3A_150 : i1 to i32
    %cond3A_152 = arith.constant 0 : i32
    %cond3A_153 = arith.cmpi ne, %convert_element_type3A_151, %cond3A_152 : i32
    scf.if %cond3A_153 {
      %broadcast_in_dim3A = arith.constant 0.000000e+00 : f32
      %broadcast_in_dim3A_167 = vector.broadcast %broadcast_in_dim3A : f32 to vector<80x512xf32>
      %swap3A = arith.constant 0 : index
      %swap3A_168 = arith.constant 7 : index
      %swap3A_169 = arith.constant 0 : index
      %swap3A_170 = vector.load %arg2[%swap3A, %swap3A_168, %swap3A_169] : memref<160x8x512xf32, #tpu.memory_space<vmem>>, vector<80x1x512xf32>
      %swap3A_171 = vector.shape_cast %swap3A_170 : vector<80x1x512xf32> to vector<80x512xf32>
      %swap3A_172 = vector.shape_cast %broadcast_in_dim3A_167 : vector<80x512xf32> to vector<80x1x512xf32>
      tpu.vector_store %arg2[%swap3A, %swap3A_168, %swap3A_169], %swap3A_172 {strides = array<i32>} : memref<160x8x512xf32, #tpu.memory_space<vmem>>, vector<80x1x512xf32>,
      %get3A = arith.constant 0 : index
      %get3A_173 = arith.constant 0 : index
      %get3A_174 = vector.load %arg1[%get3A, %get3A_173] : memref<10000x512xf32, #tpu.memory_space<vmem>>, vector<80x512xf32>
      %swap3A_175 = arith.constant 80 : index
      %swap3A_176 = arith.constant 7 : index
      %swap3A_177 = arith.constant 0 : index
      %swap3A_178 = vector.load %arg2[%swap3A_175, %swap3A_176, %swap3A_177] : memref<160x8x512xf32, #tpu.memory_space<vmem>>, vector<80x1x512xf32>
      %swap3A_179 = vector.shape_cast %swap3A_178 : vector<80x1x512xf32> to vector<80x512xf32>
      %swap3A_180 = vector.shape_cast %get3A_174 : vector<80x512xf32> to vector<80x1x512xf32>
      tpu.vector_store %arg2[%swap3A_175, %swap3A_176, %swap3A_177], %swap3A_180 {strides = array<i32>} : memref<160x8x512xf32, #tpu.memory_space<vmem>>, vector<80x1x512xf32>,
    } else {
    }
    %gt3A_154 = arith.constant 0 : i32
    %gt3A_155 = arith.cmpi sgt, %add3A_148, %gt3A_154 : i32
    %lt3A_156 = arith.constant 125 : i32
    %lt3A_157 = arith.cmpi slt, %add3A_148, %lt3A_156 : i32
    %and3A_158 = arith.andi %gt3A_155, %lt3A_157 : i1
    %convert_element_type3A_159 = arith.extui %and3A_158 : i1 to i32
    %cond3A_160 = arith.constant 0 : i32
    %cond3A_161 = arith.cmpi ne, %convert_element_type3A_159, %cond3A_160 : i32
    scf.if %cond3A_161 {
      %mul3A_167 = arith.constant 80 : i32
      %mul3A_168 = arith.muli %add3A_148, %mul3A_167 : i32
      %sub3A = arith.constant 80 : i32
      %sub3A_169 = arith.subi %mul3A_168, %sub3A : i32
      %get3A = arith.index_cast %sub3A_169 : i32 to index
      %get3A_170 = arith.constant 0 : index
      %get3A_171 = vector.load %arg1[%get3A, %get3A_170] : memref<10000x512xf32, #tpu.memory_space<vmem>>, vector<160x512xf32>
      %swap3A = arith.constant 0 : index
      %swap3A_172 = arith.constant 7 : index
      %swap3A_173 = arith.constant 0 : index
      %swap3A_174 = vector.load %arg2[%swap3A, %swap3A_172, %swap3A_173] : memref<160x8x512xf32, #tpu.memory_space<vmem>>, vector<160x1x512xf32>
      %swap3A_175 = vector.shape_cast %swap3A_174 : vector<160x1x512xf32> to vector<160x512xf32>
      %swap3A_176 = vector.shape_cast %get3A_171 : vector<160x512xf32> to vector<160x1x512xf32>
      tpu.vector_store %arg2[%swap3A, %swap3A_172, %swap3A_173], %swap3A_176 {strides = array<i32>} : memref<160x8x512xf32, #tpu.memory_space<vmem>>, vector<160x1x512xf32>,
    } else {
    }
    %ge3A_162 = arith.constant 125 : i32
    %ge3A_163 = arith.cmpi sge, %add3A_148, %ge3A_162 : i32
    %convert_element_type3A_164 = arith.extui %ge3A_163 : i1 to i32
    %cond3A_165 = arith.constant 0 : i32
    %cond3A_166 = arith.cmpi ne, %convert_element_type3A_164, %cond3A_165 : i32
    scf.if %cond3A_166 {
      %broadcast_in_dim3A = arith.constant 0.000000e+00 : f32
      %broadcast_in_dim3A_167 = vector.broadcast %broadcast_in_dim3A : f32 to vector<160x512xf32>
      %swap3A = arith.constant 0 : index
      %swap3A_168 = arith.constant 7 : index
      %swap3A_169 = arith.constant 0 : index
      %swap3A_170 = vector.load %arg2[%swap3A, %swap3A_168, %swap3A_169] : memref<160x8x512xf32, #tpu.memory_space<vmem>>, vector<160x1x512xf32>
      %swap3A_171 = vector.shape_cast %swap3A_170 : vector<160x1x512xf32> to vector<160x512xf32>
      %swap3A_172 = vector.shape_cast %broadcast_in_dim3A_167 : vector<160x512xf32> to vector<160x1x512xf32>
      tpu.vector_store %arg2[%swap3A, %swap3A_168, %swap3A_169], %swap3A_172 {strides = array<i32>} : memref<160x8x512xf32, #tpu.memory_space<vmem>>, vector<160x1x512xf32>,
    } else {
    }
    return
  }
  func.func @transform_0(%arg0: i32) -> (i32, i32) {
    %c0_i32 = arith.constant 0 : i32
    %c0_i32_0 = arith.constant 0 : i32
    %c0_i32_1 = arith.constant 0 : i32
    return %c0_i32, %c0_i32_0 : i32, i32
  }
  func.func @transform_1(%arg0: i32) -> (i32, i32, i32) {
    %c0_i32 = arith.constant 0 : i32
    %c0_i32_0 = arith.constant 0 : i32
    %c0_i32_1 = arith.constant 0 : i32
    return %c0_i32, %arg0, %c0_i32_0 : i32, i32, i32
  }
}

module attributes {stable_mosaic.version = 14 : i64} {
  func.func @body(%arg0: i32, %arg1: memref<1000x128xf32, #tpu.memory_space<vmem>>, %arg2: memref<1000x128xf32, #tpu.memory_space<vmem>>, %arg3: memref<1000x128xf32, #tpu.memory_space<vmem>>, %arg4: memref<1000x1xf32, #tpu.memory_space<vmem>>, %arg5: memref<1x128xf32, #tpu.memory_space<vmem>>, %arg6: memref<128x512xf32, #tpu.memory_space<vmem>>, %arg7: memref<1x512xf32, #tpu.memory_space<vmem>>, %arg8: memref<1000x512xf32, #tpu.memory_space<vmem>>) attributes {dimension_semantics = [#tpu.dimension_semantics<arbitrary>], iteration_bounds = array<i64: 10>, scalar_prefetch = 0 : i64, scratch_operands = 0 : i64, tpu.core_type = #tpu.core_type<tc>, window_params = [{transform_indices = @transform_0, window_bounds = array<i64: 1000, 128>}, {transform_indices = @transform_1, window_bounds = array<i64: 1000, 128>}, {transform_indices = @transform_2, window_bounds = array<i64: 1000, 128>}, {transform_indices = @transform_3, window_bounds = array<i64: 1000, 1>}, {pipeline_mode = #tpu.pipeline_mode<synchronous>, transform_indices = @transform_4, window_bounds = array<i64: 1, 128>}, {pipeline_mode = #tpu.pipeline_mode<synchronous>, transform_indices = @transform_5, window_bounds = array<i64: 128, 512>}, {pipeline_mode = #tpu.pipeline_mode<synchronous>, transform_indices = @transform_6, window_bounds = array<i64: 1, 512>}, {transform_indices = @transform_7, window_bounds = array<i64: 1000, 512>}]} {
    %get3A = arith.constant 0 : index
    %get3A_0 = arith.constant 0 : index
    %get3A_1 = vector.load %arg4[%get3A, %get3A_0] : memref<1000x1xf32, #tpu.memory_space<vmem>>, vector<1000x1xf32>
    %get3A_2 = arith.constant 0 : index
    %get3A_3 = arith.constant 0 : index
    %get3A_4 = vector.load %arg1[%get3A_2, %get3A_3] : memref<1000x128xf32, #tpu.memory_space<vmem>>, vector<1000x128xf32>
    %get3A_5 = arith.constant 0 : index
    %get3A_6 = arith.constant 0 : index
    %get3A_7 = vector.load %arg2[%get3A_5, %get3A_6] : memref<1000x128xf32, #tpu.memory_space<vmem>>, vector<1000x128xf32>
    %add3A = arith.addf %get3A_4, %get3A_7 : vector<1000x128xf32>
    %get3A_8 = arith.constant 0 : index
    %get3A_9 = arith.constant 0 : index
    %get3A_10 = vector.load %arg3[%get3A_8, %get3A_9] : memref<1000x128xf32, #tpu.memory_space<vmem>>, vector<1000x128xf32>
    %add3A_11 = arith.addf %add3A, %get3A_10 : vector<1000x128xf32>
    %mul3A = vector.broadcast %get3A_1 : vector<1000x1xf32> to vector<1000x128xf32>
    %mul3A_12 = arith.mulf %mul3A, %add3A_11 : vector<1000x128xf32>
    %get3A_13 = arith.constant 0 : index
    %get3A_14 = arith.constant 0 : index
    %get3A_15 = vector.load %arg5[%get3A_13, %get3A_14] : memref<1x128xf32, #tpu.memory_space<vmem>>, vector<1x128xf32>
    %add3A_16 = vector.broadcast %get3A_15 : vector<1x128xf32> to vector<1000x128xf32>
    %add3A_17 = arith.addf %mul3A_12, %add3A_16 : vector<1000x128xf32>
    %max3A = arith.constant 0.000000e+00 : f32
    %max3A_18 = vector.broadcast %max3A : f32 to vector<1000x128xf32>
    %max3A_19 = arith.maximumf %add3A_17, %max3A_18 : vector<1000x128xf32>
    %get3A_20 = arith.constant 0 : index
    %get3A_21 = arith.constant 0 : index
    %get3A_22 = vector.load %arg6[%get3A_20, %get3A_21] : memref<128x512xf32, #tpu.memory_space<vmem>>, vector<128x512xf32>
    %dot_general3A = arith.constant dense<0.000000e+00> : vector<1000x512xf32>
    %dot_general3A_23 = tpu.matmul %max3A_19, %get3A_22, %dot_general3A {dimension_numbers = #tpu.dot_dimension_numbers<[1], [0], [0], [1], [0, 0, 1, 1], [], []>, transpose_lhs_hint = false} : vector<1000x128xf32>, vector<128x512xf32>, vector<1000x512xf32> -> vector<1000x512xf32>
    %get3A_24 = arith.constant 0 : index
    %get3A_25 = arith.constant 0 : index
    %get3A_26 = vector.load %arg7[%get3A_24, %get3A_25] : memref<1x512xf32, #tpu.memory_space<vmem>>, vector<1x512xf32>
    %add3A_27 = vector.broadcast %get3A_26 : vector<1x512xf32> to vector<1000x512xf32>
    %add3A_28 = arith.addf %dot_general3A_23, %add3A_27 : vector<1000x512xf32>
    %swap3A = arith.constant 0 : index
    %swap3A_29 = arith.constant 0 : index
    %swap3A_30 = vector.load %arg8[%swap3A, %swap3A_29] : memref<1000x512xf32, #tpu.memory_space<vmem>>, vector<1000x512xf32>
    tpu.vector_store %arg8[%swap3A, %swap3A_29], %add3A_28 {strides = array<i32>} : memref<1000x512xf32, #tpu.memory_space<vmem>>, vector<1000x512xf32>,
    return
  }
  func.func @transform_0(%arg0: i32) -> (i32, i32) {
    %c0_i32 = arith.constant 0 : i32
    %c0_i32_0 = arith.constant 0 : i32
    return %arg0, %c0_i32 : i32, i32
  }
  func.func @transform_1(%arg0: i32) -> (i32, i32) {
    %c0_i32 = arith.constant 0 : i32
    %c0_i32_0 = arith.constant 0 : i32
    return %arg0, %c0_i32 : i32, i32
  }
  func.func @transform_2(%arg0: i32) -> (i32, i32) {
    %c0_i32 = arith.constant 0 : i32
    %c0_i32_0 = arith.constant 0 : i32
    return %arg0, %c0_i32 : i32, i32
  }
  func.func @transform_3(%arg0: i32) -> (i32, i32) {
    %c0_i32 = arith.constant 0 : i32
    %c0_i32_0 = arith.constant 0 : i32
    return %arg0, %c0_i32 : i32, i32
  }
  func.func @transform_4(%arg0: i32) -> (i32, i32) {
    %c0_i32 = arith.constant 0 : i32
    %c0_i32_0 = arith.constant 0 : i32
    %c0_i32_1 = arith.constant 0 : i32
    return %c0_i32, %c0_i32_0 : i32, i32
  }
  func.func @transform_5(%arg0: i32) -> (i32, i32) {
    %c0_i32 = arith.constant 0 : i32
    %c0_i32_0 = arith.constant 0 : i32
    %c0_i32_1 = arith.constant 0 : i32
    return %c0_i32, %c0_i32_0 : i32, i32
  }
  func.func @transform_6(%arg0: i32) -> (i32, i32) {
    %c0_i32 = arith.constant 0 : i32
    %c0_i32_0 = arith.constant 0 : i32
    %c0_i32_1 = arith.constant 0 : i32
    return %c0_i32, %c0_i32_0 : i32, i32
  }
  func.func @transform_7(%arg0: i32) -> (i32, i32) {
    %c0_i32 = arith.constant 0 : i32
    %c0_i32_0 = arith.constant 0 : i32
    return %arg0, %c0_i32 : i32, i32
  }
}

module attributes {stable_mosaic.version = 14 : i64} {
  func.func @body(%arg0: i32, %arg1: memref<1x128x512xf32, #tpu.memory_space<vmem>>, %arg2: memref<128x512xbf16, #tpu.memory_space<vmem>>, %arg3: memref<1x128x128xf32, #tpu.memory_space<vmem>>, %arg4: memref<128x128xf32, #tpu.memory_space<vmem>>, %arg5: memref<128x128xf32, #tpu.memory_space<vmem>>) attributes {dimension_semantics = [#tpu.dimension_semantics<arbitrary>], iteration_bounds = array<i64: 160>, scalar_prefetch = 0 : i64, scratch_operands = 2 : i64, tpu.core_type = #tpu.core_type<tc>, window_params = [{transform_indices = @transform_0, window_bounds = array<i64: 1, 128, 512>}, {pipeline_mode = #tpu.pipeline_mode<synchronous>, transform_indices = @transform_1, window_bounds = array<i64: 128, 512>}, {transform_indices = @transform_2, window_bounds = array<i64: 1, 128, 128>}]} {
    %eq3A = arith.constant 0 : i32
    %eq3A_0 = arith.cmpi eq, %arg0, %eq3A : i32
    %convert_element_type3A = arith.extui %eq3A_0 : i1 to i32
    %cond3A = arith.constant 0 : i32
    %cond3A_1 = arith.cmpi ne, %convert_element_type3A, %cond3A : i32
    scf.if %cond3A_1 {
      %broadcast_in_dim3A = arith.constant 0.000000e+00 : f32
      %broadcast_in_dim3A_70 = vector.broadcast %broadcast_in_dim3A : f32 to vector<128x128xf32>
      %swap3A_71 = arith.constant 0 : index
      %swap3A_72 = arith.constant 0 : index
      %swap3A_73 = vector.load %arg4[%swap3A_71, %swap3A_72] : memref<128x128xf32, #tpu.memory_space<vmem>>, vector<128x128xf32>
      tpu.vector_store %arg4[%swap3A_71, %swap3A_72], %broadcast_in_dim3A_70 {strides = array<i32>} : memref<128x128xf32, #tpu.memory_space<vmem>>, vector<128x128xf32>,
      %broadcast_in_dim3A_74 = arith.constant 0.000000e+00 : f32
      %broadcast_in_dim3A_75 = vector.broadcast %broadcast_in_dim3A_74 : f32 to vector<128x128xf32>
      %swap3A_76 = arith.constant 0 : index
      %swap3A_77 = arith.constant 0 : index
      %swap3A_78 = vector.load %arg5[%swap3A_76, %swap3A_77] : memref<128x128xf32, #tpu.memory_space<vmem>>, vector<128x128xf32>
      tpu.vector_store %arg5[%swap3A_76, %swap3A_77], %broadcast_in_dim3A_75 {strides = array<i32>} : memref<128x128xf32, #tpu.memory_space<vmem>>, vector<128x128xf32>,
    } else {
    }
    %eq3A_2 = arith.constant 80 : i32
    %eq3A_3 = arith.cmpi eq, %arg0, %eq3A_2 : i32
    %convert_element_type3A_4 = arith.extui %eq3A_3 : i1 to i32
    %cond3A_5 = arith.constant 0 : i32
    %cond3A_6 = arith.cmpi ne, %convert_element_type3A_4, %cond3A_5 : i32
    scf.if %cond3A_6 {
      %broadcast_in_dim3A = arith.constant 0.000000e+00 : f32
      %broadcast_in_dim3A_70 = vector.broadcast %broadcast_in_dim3A : f32 to vector<1x128xf32>
      %swap3A_71 = arith.constant 0 : index
      %swap3A_72 = arith.constant 0 : index
      %swap3A_73 = vector.load %arg4[%swap3A_71, %swap3A_72] : memref<128x128xf32, #tpu.memory_space<vmem>>, vector<1x128xf32>
      tpu.vector_store %arg4[%swap3A_71, %swap3A_72], %broadcast_in_dim3A_70 {strides = array<i32>} : memref<128x128xf32, #tpu.memory_space<vmem>>, vector<1x128xf32>,
      %broadcast_in_dim3A_74 = arith.constant 0.000000e+00 : f32
      %broadcast_in_dim3A_75 = vector.broadcast %broadcast_in_dim3A_74 : f32 to vector<1x128xf32>
      %swap3A_76 = arith.constant 0 : index
      %swap3A_77 = arith.constant 0 : index
      %swap3A_78 = vector.load %arg5[%swap3A_76, %swap3A_77] : memref<128x128xf32, #tpu.memory_space<vmem>>, vector<1x128xf32>
      tpu.vector_store %arg5[%swap3A_76, %swap3A_77], %broadcast_in_dim3A_75 {strides = array<i32>} : memref<128x128xf32, #tpu.memory_space<vmem>>, vector<1x128xf32>,
    } else {
    }
    %get3A = arith.constant 0 : index
    %get3A_7 = arith.constant 0 : index
    %get3A_8 = arith.constant 0 : index
    %get3A_9 = vector.load %arg1[%get3A, %get3A_7, %get3A_8] : memref<1x128x512xf32, #tpu.memory_space<vmem>>, vector<1x128x512xf32>
    %get3A_10 = vector.shape_cast %get3A_9 : vector<1x128x512xf32> to vector<128x512xf32>
    %get3A_11 = arith.constant 0 : index
    %get3A_12 = arith.constant 0 : index
    %get3A_13 = vector.load %arg4[%get3A_11, %get3A_12] : memref<128x128xf32, #tpu.memory_space<vmem>>, vector<128x128xf32>
    %convert_element_type3A_14 = arith.truncf %get3A_13 : vector<128x128xf32> to vector<128x128xbf16>
    %get3A_15 = arith.constant 0 : index
    %get3A_16 = arith.constant 0 : index
    %get3A_17 = vector.load %arg2[%get3A_15, %get3A_16] : memref<128x512xbf16, #tpu.memory_space<vmem>>, vector<128x512xbf16>
    %dot_general3A = arith.constant dense<0.000000e+00> : vector<128x512xf32>
    %dot_general3A_18 = tpu.matmul %convert_element_type3A_14, %get3A_17, %dot_general3A {dimension_numbers = #tpu.dot_dimension_numbers<[1], [0], [0], [1], [0, 0, 1, 1], [], []>, transpose_lhs_hint = false} : vector<128x128xbf16>, vector<128x512xbf16>, vector<128x512xf32> -> vector<128x512xf32>
    %add3A = arith.addf %get3A_10, %dot_general3A_18 : vector<128x512xf32>
    %slice3A = vector.extract_strided_slice %add3A {offsets = [0, 0], sizes = [128, 128], strides = [1, 1]} : vector<128x512xf32> to vector<128x128xf32>
    %mul3A = arith.constant 5.000000e-01 : f32
    %mul3A_19 = vector.broadcast %mul3A : f32 to vector<128x128xf32>
    %mul3A_20 = arith.mulf %mul3A_19, %slice3A : vector<128x128xf32>
    %tanh3A = math.tanh %mul3A_20 : vector<128x128xf32>
    %mul3A_21 = arith.constant 5.000000e-01 : f32
    %mul3A_22 = vector.broadcast %mul3A_21 : f32 to vector<128x128xf32>
    %mul3A_23 = arith.mulf %mul3A_22, %tanh3A : vector<128x128xf32>
    %add3A_24 = arith.constant 5.000000e-01 : f32
    %add3A_25 = vector.broadcast %add3A_24 : f32 to vector<128x128xf32>
    %add3A_26 = arith.addf %mul3A_23, %add3A_25 : vector<128x128xf32>
    %slice3A_27 = vector.extract_strided_slice %add3A {offsets = [0, 128], sizes = [128, 128], strides = [1, 1]} : vector<128x512xf32> to vector<128x128xf32>
    %mul3A_28 = arith.constant 5.000000e-01 : f32
    %mul3A_29 = vector.broadcast %mul3A_28 : f32 to vector<128x128xf32>
    %mul3A_30 = arith.mulf %mul3A_29, %slice3A_27 : vector<128x128xf32>
    %tanh3A_31 = math.tanh %mul3A_30 : vector<128x128xf32>
    %mul3A_32 = arith.constant 5.000000e-01 : f32
    %mul3A_33 = vector.broadcast %mul3A_32 : f32 to vector<128x128xf32>
    %mul3A_34 = arith.mulf %mul3A_33, %tanh3A_31 : vector<128x128xf32>
    %add3A_35 = arith.constant 5.000000e-01 : f32
    %add3A_36 = vector.broadcast %add3A_35 : f32 to vector<128x128xf32>
    %add3A_37 = arith.addf %mul3A_34, %add3A_36 : vector<128x128xf32>
    %slice3A_38 = vector.extract_strided_slice %add3A {offsets = [0, 256], sizes = [128, 128], strides = [1, 1]} : vector<128x512xf32> to vector<128x128xf32>
    %tanh3A_39 = math.tanh %slice3A_38 : vector<128x128xf32>
    %slice3A_40 = vector.extract_strided_slice %add3A {offsets = [0, 384], sizes = [128, 128], strides = [1, 1]} : vector<128x512xf32> to vector<128x128xf32>
    %mul3A_41 = arith.constant 5.000000e-01 : f32
    %mul3A_42 = vector.broadcast %mul3A_41 : f32 to vector<128x128xf32>
    %mul3A_43 = arith.mulf %mul3A_42, %slice3A_40 : vector<128x128xf32>
    %tanh3A_44 = math.tanh %mul3A_43 : vector<128x128xf32>
    %mul3A_45 = arith.constant 5.000000e-01 : f32
    %mul3A_46 = vector.broadcast %mul3A_45 : f32 to vector<128x128xf32>
    %mul3A_47 = arith.mulf %mul3A_46, %tanh3A_44 : vector<128x128xf32>
    %add3A_48 = arith.constant 5.000000e-01 : f32
    %add3A_49 = vector.broadcast %add3A_48 : f32 to vector<128x128xf32>
    %add3A_50 = arith.addf %mul3A_47, %add3A_49 : vector<128x128xf32>
    %get3A_51 = arith.constant 0 : index
    %get3A_52 = arith.constant 0 : index
    %get3A_53 = vector.load %arg5[%get3A_51, %get3A_52] : memref<128x128xf32, #tpu.memory_space<vmem>>, vector<128x128xf32>
    %mul3A_54 = arith.mulf %add3A_37, %get3A_53 : vector<128x128xf32>
    %mul3A_55 = arith.mulf %add3A_26, %tanh3A_39 : vector<128x128xf32>
    %add3A_56 = arith.addf %mul3A_54, %mul3A_55 : vector<128x128xf32>
    %tanh3A_57 = math.tanh %add3A_56 : vector<128x128xf32>
    %mul3A_58 = arith.mulf %add3A_50, %tanh3A_57 : vector<128x128xf32>
    %swap3A = arith.constant 0 : index
    %swap3A_59 = arith.constant 0 : index
    %swap3A_60 = vector.load %arg5[%swap3A, %swap3A_59] : memref<128x128xf32, #tpu.memory_space<vmem>>, vector<128x128xf32>
    tpu.vector_store %arg5[%swap3A, %swap3A_59], %add3A_56 {strides = array<i32>} : memref<128x128xf32, #tpu.memory_space<vmem>>, vector<128x128xf32>,
    %swap3A_61 = arith.constant 0 : index
    %swap3A_62 = arith.constant 0 : index
    %swap3A_63 = vector.load %arg4[%swap3A_61, %swap3A_62] : memref<128x128xf32, #tpu.memory_space<vmem>>, vector<128x128xf32>
    tpu.vector_store %arg4[%swap3A_61, %swap3A_62], %mul3A_58 {strides = array<i32>} : memref<128x128xf32, #tpu.memory_space<vmem>>, vector<128x128xf32>,
    %swap3A_64 = arith.constant 0 : index
    %swap3A_65 = arith.constant 0 : index
    %swap3A_66 = arith.constant 0 : index
    %swap3A_67 = vector.load %arg3[%swap3A_64, %swap3A_65, %swap3A_66] : memref<1x128x128xf32, #tpu.memory_space<vmem>>, vector<1x128x128xf32>
    %swap3A_68 = vector.shape_cast %swap3A_67 : vector<1x128x128xf32> to vector<128x128xf32>
    %swap3A_69 = vector.shape_cast %mul3A_58 : vector<128x128xf32> to vector<1x128x128xf32>
    tpu.vector_store %arg3[%swap3A_64, %swap3A_65, %swap3A_66], %swap3A_69 {strides = array<i32>} : memref<1x128x128xf32, #tpu.memory_space<vmem>>, vector<1x128x128xf32>,
    return
  }
  func.func @transform_0(%arg0: i32) -> (i32, i32, i32) {
    %c0_i32 = arith.constant 0 : i32
    %c0_i32_0 = arith.constant 0 : i32
    %c0_i32_1 = arith.constant 0 : i32
    return %arg0, %c0_i32, %c0_i32_0 : i32, i32, i32
  }
  func.func @transform_1(%arg0: i32) -> (i32, i32) {
    %c0_i32 = arith.constant 0 : i32
    %c0_i32_0 = arith.constant 0 : i32
    %c0_i32_1 = arith.constant 0 : i32
    return %c0_i32, %c0_i32_0 : i32, i32
  }
  func.func @transform_2(%arg0: i32) -> (i32, i32, i32) {
    %c0_i32 = arith.constant 0 : i32
    %c0_i32_0 = arith.constant 0 : i32
    %c0_i32_1 = arith.constant 0 : i32
    return %arg0, %c0_i32, %c0_i32_0 : i32, i32, i32
  }
}

module attributes {stable_mosaic.version = 14 : i64} {
  func.func @body(%arg0: i32, %arg1: memref<1000x128xf32, #tpu.memory_space<vmem>>, %arg2: memref<128x128xf32, #tpu.memory_space<vmem>>, %arg3: memref<1x128xf32, #tpu.memory_space<vmem>>, %arg4: memref<1000x128xf32, #tpu.memory_space<vmem>>) attributes {dimension_semantics = [#tpu.dimension_semantics<arbitrary>], iteration_bounds = array<i64: 10>, scalar_prefetch = 0 : i64, scratch_operands = 0 : i64, tpu.core_type = #tpu.core_type<tc>, window_params = [{transform_indices = @transform_0, window_bounds = array<i64: 1000, 128>}, {pipeline_mode = #tpu.pipeline_mode<synchronous>, transform_indices = @transform_1, window_bounds = array<i64: 128, 128>}, {pipeline_mode = #tpu.pipeline_mode<synchronous>, transform_indices = @transform_2, window_bounds = array<i64: 1, 128>}, {transform_indices = @transform_3, window_bounds = array<i64: 1000, 128>}]} {
    %get3A = arith.constant 0 : index
    %get3A_0 = arith.constant 0 : index
    %get3A_1 = vector.load %arg1[%get3A, %get3A_0] : memref<1000x128xf32, #tpu.memory_space<vmem>>, vector<1000x128xf32>
    %get3A_2 = arith.constant 0 : index
    %get3A_3 = arith.constant 0 : index
    %get3A_4 = vector.load %arg2[%get3A_2, %get3A_3] : memref<128x128xf32, #tpu.memory_space<vmem>>, vector<128x128xf32>
    %dot_general3A = arith.constant dense<0.000000e+00> : vector<1000x128xf32>
    %dot_general3A_5 = tpu.matmul %get3A_1, %get3A_4, %dot_general3A {dimension_numbers = #tpu.dot_dimension_numbers<[1], [0], [0], [1], [0, 0, 1, 1], [], []>, transpose_lhs_hint = false} : vector<1000x128xf32>, vector<128x128xf32>, vector<1000x128xf32> -> vector<1000x128xf32>
    %get3A_6 = arith.constant 0 : index
    %get3A_7 = arith.constant 0 : index
    %get3A_8 = vector.load %arg3[%get3A_6, %get3A_7] : memref<1x128xf32, #tpu.memory_space<vmem>>, vector<1x128xf32>
    %add3A = vector.broadcast %get3A_8 : vector<1x128xf32> to vector<1000x128xf32>
    %add3A_9 = arith.addf %dot_general3A_5, %add3A : vector<1000x128xf32>
    %swap3A = arith.constant 0 : index
    %swap3A_10 = arith.constant 0 : index
    %swap3A_11 = vector.load %arg4[%swap3A, %swap3A_10] : memref<1000x128xf32, #tpu.memory_space<vmem>>, vector<1000x128xf32>
    tpu.vector_store %arg4[%swap3A, %swap3A_10], %add3A_9 {strides = array<i32>} : memref<1000x128xf32, #tpu.memory_space<vmem>>, vector<1000x128xf32>,
    return
  }
  func.func @transform_0(%arg0: i32) -> (i32, i32) {
    %c0_i32 = arith.constant 0 : i32
    %c0_i32_0 = arith.constant 0 : i32
    return %arg0, %c0_i32 : i32, i32
  }
  func.func @transform_1(%arg0: i32) -> (i32, i32) {
    %c0_i32 = arith.constant 0 : i32
    %c0_i32_0 = arith.constant 0 : i32
    %c0_i32_1 = arith.constant 0 : i32
    return %c0_i32, %c0_i32_0 : i32, i32
  }
  func.func @transform_2(%arg0: i32) -> (i32, i32) {
    %c0_i32 = arith.constant 0 : i32
    %c0_i32_0 = arith.constant 0 : i32
    %c0_i32_1 = arith.constant 0 : i32
    return %c0_i32, %c0_i32_0 : i32, i32
  }
  func.func @transform_3(%arg0: i32) -> (i32, i32) {
    %c0_i32 = arith.constant 0 : i32
    %c0_i32_0 = arith.constant 0 : i32
    return %arg0, %c0_i32 : i32, i32
  }
}

</mosaic_0001>

<sc_bundles>
// kernel: kernel.11.cloned.1.call-start
scs
__scs_entry_jumppad:
0x0: {  	(pc) =	sbr.rel $0x88, $3  }
0x1: {  	(tag) =	ssettag $0x0;
	lr =	simm.s32 $0x1  }
0x2: {  	[smem:$0x3F95] =	sst lr;
	_ =	strace $0xD0000000  }
0x3: {  	_ = 	snop  }
0x4: {  	_ = 	snop  }
0x5: {  	_ = 	snop  }
0x6: {  	_ = 	snop  }
0x7: {  	_ = 	snop  }
__scs_overlays_trampoline_lowered:
0x8: {  	[smem:$0x3FA4] =	sst s0  }
0x9: {  	[smem:$0x3FA5] =	sst s1  }
0xa: {  	[smem:$0x3FA6] =	sst s2  }
0xb: {  	[smem:$0x3FA7] =	sst s3  }
0xc: {  	[smem:$0x3FA8] =	sst s4  }
0xd: {  	[smem:$0x3FA9] =	sst s5  }
0xe: {  	[smem:$0x3FAA] =	sst s6  }
0xf: {  	[smem:$0x3FAB] =	sst s7  }
0x10: {  	[smem:$0x3FAC] =	sst s8  }
0x11: {  	[smem:$0x3FAD] =	sst s9;
	s0 =	simm.s32 @!p0 $0x0  }
0x12: {  	s1 =	sld [smem:$0x3F93];
	s0 =	simm.s32 @p0 $0x1  }
0x13: {  	[smem:$0x3FAE] =	sst s0;
	s0 =	simm.s32 @!p1 $0x0  }
0x14: {  	s2 =	sld [smem:$0x3F92];
	s0 =	simm.s32 @p1 $0x1  }
0x15: {  	[smem:$0x3FAF] =	sst s0;
	s0 =	simm.s32 @!p2 $0x0  }
0x16: {  	s3 =	sld [smem:$0x3FDB];
	s0 =	simm.s32 @p2 $0x1  }
0x17: {  	s4 =	simm.s32 $0x1BF5;
	[smem:$0x3FB1] =	sst s0  }
0x18: {  	s0 =	sld [smem:$0x3F94];
	_ =	swait.ge [sflag:s4], $0x0  }
0x19: {  	s7 =	sld [smem:$0x3F95]  }
0x1a: {  	s8 =	sadd.s32 $0xFFFFE003, lr  }
0x1b: {  	s9 =	sadd.s32 $0xFFFFFEF7, lr;
	s5 =	simm.s32 $0xFFFFFFFF;
	p2 =	slt.u32 s8, $0xFFFFF086  }
0x1c: {  	p1 =	slt.u32 s9, $0xF7A;
	s5 =	simm.s32 @!p2 $0x0  }
0x1d: {  	s5 =	simm.s32 @p1 $0x1;
	p0 =	seq.s32 s7, s2  }
0x1e: {  	s7 =	smul.u32 @!p0 $0xF7A, s2;
	p2 =	seq.s32 @!p0 s5, $0x0  }
0x1f: {  	s9 =	smul.u32 $0xF7A, s1;
	s8 =	simm.s32 @!p0 $0x1BF5;
	p2 =	por !p2, p0  }
0x20: {  	[sflag:s8] =	ssyncset.s32 @!p0 $0xFFFFF086;
	s6 =	sadd.s32 @!p0 s3, s7;
	s7 =	simm.s32 @!p0 $0x108  }
0x21: {  	s3 =	sadd.s32 s3, s9;
	s6 =	sadd.s32 @!p0 $0x88, s6;
	s7 =	simm.s32 @p2 $0x1082  }
0x22: {  	[simem:s7], [sflag:s8] =	dma.local @!p0 [hbm:s6], $0xF7A  }
0x23: {  	s9 =	sor.u32 $0xD0000000, s2;
	s6 =	simm.s32 $0x108;
	_ =	swait.ge @!p0 [sflag:s8], $0x0  }
0x24: {  	s3 =	sadd.s32 $0x88, s3;
	s6 =	simm.s32 @!p1 $0x1082;
	[sflag:s4] =	ssyncset.s32 $0xFFFFF086  }
0x25: {  	[simem:s6], [sflag:s4] =	dma.local [hbm:s3], $0xF7A  }
0x26: {  	[smem:$0x3F95] =	sst s1;
	(tag) =	ssettag s2;
	_ =	strace s9  }
0x27: {  	s1 =	sld [smem:$0x3FA5]  }
0x28: {  	s2 =	sld [smem:$0x3FA6]  }
0x29: {  	s4 =	sld [smem:$0x3FA8]  }
0x2a: {  	p0 =	seq.s32 s5, $0x0;
	s5 =	sld [smem:$0x3FA9]  }
0x2b: {  	s6 =	sld [smem:$0x3FAA]  }
0x2c: {  	s7 =	sld [smem:$0x3FAB]  }
0x2d: {  	s3 =	simm.s32 $0x108;
	s8 =	sld [smem:$0x3FAC]  }
0x2e: {  	s3 =	simm.s32 @!p0 $0x1082;
	s9 =	sld [smem:$0x3FAD]  }
0x2f: {  	lr =	sadd.s32 s0, s3;
	s0 =	sld [smem:$0x3FA4]  }
0x30: {  	s3 =	sld [smem:$0x3FA7]  }
0x31: {  	[smem:$0x3FB0] =	sst s10  }
0x32: {  	s10 =	sld [smem:$0x3FAE];
	_ =	sdelay $0x3  }
0x33: {  	p0 =	seq.s32 s10, $0x1;
	s10 =	sld [smem:$0x3FB0];
	_ =	sdelay $0x3  }
0x34: {  	[smem:$0x3FB0] =	sst s10  }
0x35: {  	s10 =	sld [smem:$0x3FAF];
	_ =	sdelay $0x3  }
0x36: {  	p1 =	seq.s32 s10, $0x1;
	s10 =	sld [smem:$0x3FB0];
	_ =	sdelay $0x3  }
0x37: {  	[smem:$0x3FB0] =	sst s10  }
0x38: {  	s10 =	sld [smem:$0x3FB1]  }
0x39: {  	_ = 	snop;
	(pc) =	sbr.ind lr, $3  }
0x3a: {  	_ = 	snop  }
0x3b: {  	_ = 	snop  }
0x3c: {  	p2 =	seq.s32 s10, $0x1;
	s10 =	sld [smem:$0x3FB0]  }
0x3d: {  	_ =	shalt  }
0x3e: {  	_ =	shalt  }
0x3f: {  	_ =	shalt  }
0x40: {  	_ =	shalt  }
0x41: {  	_ =	shalt  }
0x42: {  	_ =	shalt  }
0x43: {  	_ =	shalt  }
0x44: {  	_ =	shalt  }
0x45: {  	_ =	shalt  }
0x46: {  	_ =	shalt  }
0x47: {  	_ =	shalt  }
0x48: {  	_ =	shalt  }
0x49: {  	_ =	shalt  }
0x4a: {  	_ =	shalt  }
0x4b: {  	_ =	shalt  }
0x4c: {  	_ =	shalt  }
0x4d: {  	_ =	shalt  }
0x4e: {  	_ =	shalt  }
0x4f: {  	_ =	shalt  }
0x50: {  	_ =	shalt  }
0x51: {  	_ =	shalt  }
0x52: {  	_ =	shalt  }
0x53: {  	_ =	shalt  }
0x54: {  	_ =	shalt  }
0x55: {  	_ =	shalt  }
0x56: {  	_ =	shalt  }
0x57: {  	_ =	shalt  }
0x58: {  	_ =	shalt  }
0x59: {  	_ =	shalt  }
0x5a: {  	_ =	shalt  }
0x5b: {  	_ =	shalt  }
0x5c: {  	_ =	shalt  }
0x5d: {  	_ =	shalt  }
0x5e: {  	_ =	shalt  }
0x5f: {  	_ =	shalt  }
0x60: {  	_ =	shalt  }
0x61: {  	_ =	shalt  }
0x62: {  	_ =	shalt  }
0x63: {  	_ =	shalt  }
0x64: {  	_ =	shalt  }
0x65: {  	_ =	shalt  }
0x66: {  	_ =	shalt  }
0x67: {  	_ =	shalt  }
0x68: {  	_ =	shalt  }
0x69: {  	_ =	shalt  }
0x6a: {  	_ =	shalt  }
0x6b: {  	_ =	shalt  }
0x6c: {  	_ =	shalt  }
0x6d: {  	_ =	shalt  }
0x6e: {  	_ =	shalt  }
0x6f: {  	_ =	shalt  }
0x70: {  	_ =	shalt  }
0x71: {  	_ =	shalt  }
0x72: {  	_ =	shalt  }
0x73: {  	_ =	shalt  }
0x74: {  	_ =	shalt  }
0x75: {  	_ =	shalt  }
0x76: {  	_ =	shalt  }
0x77: {  	_ =	shalt  }
0x78: {  	_ =	shalt  }
0x79: {  	_ =	shalt  }
0x7a: {  	_ =	shalt  }
0x7b: {  	_ =	shalt  }
0x7c: {  	_ =	shalt  }
0x7d: {  	_ =	shalt  }
0x7e: {  	_ =	shalt  }
0x7f: {  	_ =	shalt  }
0x80: {  	_ =	shalt  }
0x81: {  	_ =	shalt  }
0x82: {  	_ =	shalt  }
0x83: {  	_ =	shalt  }
0x84: {  	_ =	shalt  }
0x85: {  	_ =	shalt  }
0x86: {  	_ =	shalt  }
0x87: {  	_ =	shalt  }
.Lfunc_end0:
.L_simem_size_0:
called_computation_lowered:
.L_overlay_start_0:
0x88: {  	s2 =	sld [smem:$0x3FD9]  }
0x89: {  	s3 =	sld [smem:$0x3FFE];
	_ =	sdelay $0x1  }
0x8a: {  	s1 =	srdreg.scid  }
0x8b: {  	s0 =	sand.u32 $0x1, s1  }
0x8c: {  	s17 =	sshll.u32 s0, $0xA;
	s2 =	sadd.s32 s3, s2  }
0x8d: {  	s2 =	sadd.s32 s2, s17  }
0x8e: {  	[smem:$0x3FBC] =	sst s2  }
0x8f: {  	_ = 	snop  }
0x90: {  	s2 =	sld [smem:$0x3FD0];
	(tm) =	ssettm $0x1  }
0x91: {  	s18 =	sld [smem:$0x3FFB];
	_ =	sdelay $0x3  }
0x92: {  	_ =	strace s18  }
0x93: {  	s3 =	sld [smem:$0x3FFC];
	_ =	sdelay $0x3  }
0x94: {  	_ =	strace s3  }
0x95: {  	s3 =	sld [smem:$0x3FFD];
	_ =	sdelay $0x3  }
0x96: {  	_ =	strace s3  }
0x97: {  	_ =	strace $0x8FFFFFFF  }
0x98: {  	s19 =	sld [smem:$0x3FDB];
	_ =	sdelay $0x1  }
0x99: {  	s4 =	simm.s32 $_scs_section_size  }
0x9a: {  	s5 =	simm.s32 $_size__tile_overlayer_lowered;
	s6 =	simm.s32 $_tile_overlayer_lowered  }
0x9b: {  	s22 =	simm.s32 $0x1BFF;
	s21 =	sshll.u32 s6, $0x1;
	s3 =	sadd.s32 s4, s19  }
0x9c: {  	s7 =	simm.s32 $0x0;
	s20 =	sshll.u32 s5, $0x1;
	s5 =	sadd.s32 s21, s3  }
0x9d: {  	[timem:s7], [sflag:s22] =	dma.local [hbm:s5], s20  }
0x9e: {  	_ =	swait.ge [sflag:s22], s20  }
0x9f: {  	s4 =	ssub.s32 $0x0, s20;
	[sflag:s22] =	ssyncset.done $0x0  }
0xa0: {  	[sflag:s22] =	ssyncadd.s32 s4;
	_ =	sdelay $0x1  }
0xa1: {  	s23 =	simm.s32 $0x1B8B  }
0xa2: {  	_ =	swait.ge [sflag:s23], $0x1  }
0xa3: {  	[sflag:s23] =	ssyncset.done $0x0  }
0xa4: {  	s25 =	simm.s32 $0x1B8E;
	s24 =	sld [smem:$0x3FFE];
	[sflag:s23] =	ssyncadd.s32 $0xFFFFFFFF  }
0xa5: {  	s26 =	simm.s32 $execute0_lowered;
	[smem:$0x3FD2] =	sst s25  }
0xa6: {  	s5 =	sshll.u32 s26, $0x1;
	_ =	strace $0x80000046;
	[dreg:$0x1] =	wrdreg $0xFFFFFFFF  }
0xa7: {  	s28 =	simm.s32 $_size_execute0_lowered;
	s3 =	sadd.s32 s3, s5;
	[dreg:$0x0] =	wrdreg $0x0  }
0xa8: {  	s5 =	sshll.u32 s28, $0x1;
	[dreg:$0x2] =	wrdreg s3  }
0xa9: {  	[dreg:$0x3] =	wrdreg s5  }
0xaa: {  	[dreg:$0x4] =	wrdreg $0xC0  }
0xab: {  	_ =	task [dreg:s7], $0x5FFFF  }
0xac: {  	[dreg:$0x1] =	wrdreg $0xFFFFFFFF  }
0xad: {  	[dreg:$0x0] =	wrdreg $0x60  }
0xae: {  	[dreg:$0x2] =	wrdreg s24  }
0xaf: {  	[dreg:$0x3] =	wrdreg s2  }
0xb0: {  	[dreg:$0x4] =	wrdreg $0x9  }
0xb1: {  	_ =	task.clear_ibuf [dreg:s7], $0x5FFFF;
	_ =	strace $0x90000046  }
0xb2: {  	s29 =	simm.s32 $0x9;
	_ =	strace $0x80000048  }
0xb3: {  	_ =	swait.ge [sflag:s29], $0x1  }
0xb4: {  	[sflag:s29] =	ssyncadd.s32 $0xFFFFFFFF  }
0xb5: {  	_ =	strace $0x90000048  }
0xb6: {  	_ =	sfence  }
0xb7: {  	s30 =	sld [smem:$0x0];
	_ =	sdelay $0x2  }
0xb8: {  	s31 =	sshll.u32 s1, $0xD;
	s1 =	sshrl.u32 s1, $0x2  }
0xb9: {  	s3 =	sand.u32 $0x4000, s31;
	s1 =	sadd.s32 s1, s30  }
0xba: {  	s0 =	sor.u32 s3, s0;
	s1 =	sshll.u32 s1, $0x11  }
0xbb: {  	s0 =	sor.u32 s1, s0  }
0xbc: {  	s0 =	sadd.s32 $0x8F2B, s0  }
0xbd: {  	[sflag:s0] =	ssyncadd.remote.s32 $0x1  }
0xbe: {  	_ =	sfence.sel $0xFFFF  }
0xbf: {  	[dreg:$0x0] =	wrdreg $0xFFFFFFFF;
	(pc) =	sbr.abs _section_cstart, $3  }
0xc0: {  	[dreg:$0x1] =	wrdreg $0xFFFFFFFF  }
0xc1: {  	_ =	task.clear_ibuf [dreg:s7], $0x2FFFF;
	_ =	strace $0x9FFFFFFF  }
0xc2: {  	(tm) =	ssettm $0x7FFFFFFF  }
0xc3: {  	_ =	shalt  }
tec
execute0_lowered:
.L_overlay_start_1:
0x0: {  	(tag) =	ssettag $0x1  }
0x1: {  	s3 =	rddreg [dreg:$0x0]  }
0x2: {  	s1 =	srdreg.scid;
	s0 =	stileid.u32  }
0x3: {  	s5 =	rddreg [dreg:$0x1];
	s4 =	sand.u32 $0x1, s1;
	s6 =	sshll.u32 s0, $0x1  }
0x4: {  	s2 =	simm.s32 $0x0;
	s9 =	simm.s32 $0x0;
	s6 =	sor.u32 s4, s6  }
0x5: {  	s1 =	rddreg [dreg:$0x2];
	s4 =	ssub.s32 $0x2, s4;
	s7 =	smul.u32 $0x500, s6  }
0x6: {  	[smem:$0x7FF] =	sst s2;
	s8 =	sshrl.u32 s4, $0x1;
	s6 =	smul.u32 $0x4F0, s6  }
0x7: {  	_ =	strace $0x80000047;
	s8 =	ssub.s32 s4, s8;
	s7 =	sadd.s32 s7, s3  }
0x8: {  	s3 =	sadd.s32 $0x18800, s3;
	s5 =	sadd.s32 s5, s6;
	s6 =	smax.u32 s8, $0x1  }
0x9: {  	v0 =	vimm.f32 $1.000000000e+00;
	s8 =	simm.s32 $0x1;
	s4 =	sadd.s32 $0xE800, s7;
	s7 =	simm.s32 $0x2800  }
.LBB2_1:
0xa: {  	[tilespmem:s7], [sflag:$0x1] =	stream.linear.gather [hbm4b:s3+s2], $0x2780, $0x38;
	[tilespmem:$0x4F80] =	vst v63  }
0xb: {  	_ =	swait.ge [sflag:s8], $0x2780  }
0xc: {  	[sflag:s8] =	ssyncset.done $0x0  }
0xd: {  	[sflag:s8] =	ssyncadd.s32 $0xFFFFD880  }
0xe: {  	[tilespmem:s2], [sflag:$0x1] =	stream.linear.gather [hbm4b:s4+s2], $0x2800, $0x38;
	[tilespmem:$0x4F80] =	vst v63  }
0xf: {  	_ =	swait.ge [sflag:s8], $0x2800  }
0x10: {  	[sflag:s8] =	ssyncset.done $0x0  }
0x11: {  	s10 =	simm.s32 $0x1C0;
	[sflag:s8] =	ssyncadd.s32 $0xFFFFD800  }
.LBB2_2:
0x12: {  	s11 =	sshra.s32 s10, $0x2  }
0x13: {  	v1 =	vld [tilespmem:s11+$0xFFFFFF90];
	_ =	sdelay $0x7  }
0x14: {  	[tilespmem:v1+s7+$0x0] =	vst.idx.add.f32.msk $0xffff, v0  }
0x15: {  	v1 =	vld [tilespmem:s11+$0xFFFFFFA0];
	_ =	sdelay $0x7  }
0x16: {  	[tilespmem:v1+s7+$0x0] =	vst.idx.add.f32.msk $0xffff, v0  }
0x17: {  	v1 =	vld [tilespmem:s11+$0xFFFFFFB0];
	_ =	sdelay $0x7  }
0x18: {  	[tilespmem:v1+s7+$0x0] =	vst.idx.add.f32.msk $0xffff, v0  }
0x19: {  	v1 =	vld [tilespmem:s11+$0xFFFFFFC0];
	_ =	sdelay $0x7  }
0x1a: {  	[tilespmem:v1+s7+$0x0] =	vst.idx.add.f32.msk $0xffff, v0  }
0x1b: {  	v1 =	vld [tilespmem:s11+$0xFFFFFFD0];
	_ =	sdelay $0x7  }
0x1c: {  	[tilespmem:v1+s7+$0x0] =	vst.idx.add.f32.msk $0xffff, v0  }
0x1d: {  	v1 =	vld [tilespmem:s11+$0xFFFFFFE0];
	_ =	sdelay $0x7  }
0x1e: {  	[tilespmem:v1+s7+$0x0] =	vst.idx.add.f32.msk $0xffff, v0  }
0x1f: {  	v1 =	vld [tilespmem:s11+$0xFFFFFFF0];
	_ =	sdelay $0x7  }
0x20: {  	[tilespmem:v1+s7+$0x0] =	vst.idx.add.f32.msk $0xffff, v0  }
0x21: {  	v1 =	vld [tilespmem:s11+$0x0];
	_ =	sdelay $0x2  }
0x22: {  	p0 =	sne.s32 s10, $0x9FC0  }
.Ltmp0:
0x23: {  	_ = 	snop;
	(pc) =	sbr.rel @p0 .LBB2_2-.Ltmp0, $2  }
0x24: {  	_ =	sdelay $0x2  }
0x25: {  	s10 =	sadd.s32 $0x200, s10;
	[tilespmem:v1+s7+$0x0] =	vst.idx.add.f32.msk $0xffff, v0  }
0x26: {  	s9 =	sadd.s32 $0x1, s9  }
0x27: {  	p0 =	sne.s32 s9, s6  }
.Ltmp1:
0x28: {  	_ = 	snop;
	(pc) =	sbr.rel @p0 .LBB2_1-.Ltmp1, $4  }
0x29: {  	[hbm4b:s5+s2] =	stream.linear.scatter [tilespmem:s7], [sflag:$0x1], $0x2780, $0x38;
	[tilespmem:$0x4F80] =	vst v63  }
0x2a: {  	_ =	swait.ge [sflag:s8], $0x2780  }
0x2b: {  	[sflag:s8] =	ssyncset.done $0x0  }
0x2c: {  	[sflag:s8] =	ssyncadd.s32 $0xFFFFD880  }
0x2d: {  	_ =	sfence.sel $0x180000  }
0x2e: {  	[bflag:$0x0] =	sbarrier.arrive $0xFFFF  }
0x2f: {  	p0 =	sne.s32 s0, $0x0;
	_ =	strace $0x90000047  }
0x30: {  	s0 =	sadd.s32 @!p0 $0x100000, s1;
	[bflag:$0x2] =	sbarrier.arrive $0xFFFF  }
0x31: {  	[sflag:s0] =	ssyncadd.tile.s32 @!p0 $0x1;
	_ =	shalt  }
.Lfunc_end2:
_tile_overlayer_lowered:
.L_overlay_start_2:
0x32: {  	(tag) =	ssettag $0x2  }
0x33: {  	s0 =	rddreg [dreg:$0x0];
	s2 =	stileid.u32  }
0x34: {  	s1 =	rddreg [dreg:$0x1];
	p0 =	sne.s32 s2, $0x0  }
0x35: {  	s3 =	rddreg [dreg:$0x2];
	[bflag:$0x3] =	sbarrier.arrive $0xFFFF;
	s2 =	simm.s32 @!p0 $0x1C01  }
0x36: {  	[timem:s3], [sflag:s2] =	dma.local @!p0 [hbm:s0], s1  }
0x37: {  	s0 =	simm.s32 @!p0 $0x1  }
0x38: {  	_ =	swait.ge @!p0 [sflag:s0], s1  }
0x39: {  	s1 =	ssub.s32 @!p0 $0x0, s1;
	[sflag:s0] =	ssyncset.done @!p0 $0x0  }
0x3a: {  	[sflag:s0] =	ssyncadd.s32 @!p0 s1  }
0x3b: {  	[bflag:$0x3] =	sbarrier.arrive $0xFFFF  }
0x3c: {  	_ =	shalt  }

// kernel: kernel.14.cloned.1.call-start
scs
__scs_entry_jumppad:
0x0: {  	(pc) =	sbr.rel $0x88, $3  }
0x1: {  	(tag) =	ssettag $0x0;
	lr =	simm.s32 $0x1  }
0x2: {  	[smem:$0x3F95] =	sst lr;
	_ =	strace $0xD0000000  }
0x3: {  	_ = 	snop  }
0x4: {  	_ = 	snop  }
0x5: {  	_ = 	snop  }
0x6: {  	_ = 	snop  }
0x7: {  	_ = 	snop  }
__scs_overlays_trampoline_lowered:
0x8: {  	[smem:$0x3FA4] =	sst s0  }
0x9: {  	[smem:$0x3FA5] =	sst s1  }
0xa: {  	[smem:$0x3FA6] =	sst s2  }
0xb: {  	[smem:$0x3FA7] =	sst s3  }
0xc: {  	[smem:$0x3FA8] =	sst s4  }
0xd: {  	[smem:$0x3FA9] =	sst s5  }
0xe: {  	[smem:$0x3FAA] =	sst s6  }
0xf: {  	[smem:$0x3FAB] =	sst s7  }
0x10: {  	[smem:$0x3FAC] =	sst s8  }
0x11: {  	[smem:$0x3FAD] =	sst s9;
	s0 =	simm.s32 @!p0 $0x0  }
0x12: {  	s1 =	sld [smem:$0x3F93];
	s0 =	simm.s32 @p0 $0x1  }
0x13: {  	[smem:$0x3FAE] =	sst s0;
	s0 =	simm.s32 @!p1 $0x0  }
0x14: {  	s2 =	sld [smem:$0x3F92];
	s0 =	simm.s32 @p1 $0x1  }
0x15: {  	[smem:$0x3FAF] =	sst s0;
	s0 =	simm.s32 @!p2 $0x0  }
0x16: {  	s3 =	sld [smem:$0x3FDB];
	s0 =	simm.s32 @p2 $0x1  }
0x17: {  	s4 =	simm.s32 $0x1BF5;
	[smem:$0x3FB1] =	sst s0  }
0x18: {  	s0 =	sld [smem:$0x3F94];
	_ =	swait.ge [sflag:s4], $0x0  }
0x19: {  	s7 =	sld [smem:$0x3F95]  }
0x1a: {  	s8 =	sadd.s32 $0xFFFFE003, lr  }
0x1b: {  	s9 =	sadd.s32 $0xFFFFFEF7, lr;
	s5 =	simm.s32 $0xFFFFFFFF;
	p2 =	slt.u32 s8, $0xFFFFF086  }
0x1c: {  	p1 =	slt.u32 s9, $0xF7A;
	s5 =	simm.s32 @!p2 $0x0  }
0x1d: {  	s5 =	simm.s32 @p1 $0x1;
	p0 =	seq.s32 s7, s2  }
0x1e: {  	s7 =	smul.u32 @!p0 $0xF7A, s2;
	p2 =	seq.s32 @!p0 s5, $0x0  }
0x1f: {  	s9 =	smul.u32 $0xF7A, s1;
	s8 =	simm.s32 @!p0 $0x1BF5;
	p2 =	por !p2, p0  }
0x20: {  	[sflag:s8] =	ssyncset.s32 @!p0 $0xFFFFF086;
	s6 =	sadd.s32 @!p0 s3, s7;
	s7 =	simm.s32 @!p0 $0x108  }
0x21: {  	s3 =	sadd.s32 s3, s9;
	s6 =	sadd.s32 @!p0 $0x88, s6;
	s7 =	simm.s32 @p2 $0x1082  }
0x22: {  	[simem:s7], [sflag:s8] =	dma.local @!p0 [hbm:s6], $0xF7A  }
0x23: {  	s9 =	sor.u32 $0xD0000000, s2;
	s6 =	simm.s32 $0x108;
	_ =	swait.ge @!p0 [sflag:s8], $0x0  }
0x24: {  	s3 =	sadd.s32 $0x88, s3;
	s6 =	simm.s32 @!p1 $0x1082;
	[sflag:s4] =	ssyncset.s32 $0xFFFFF086  }
0x25: {  	[simem:s6], [sflag:s4] =	dma.local [hbm:s3], $0xF7A  }
0x26: {  	[smem:$0x3F95] =	sst s1;
	(tag) =	ssettag s2;
	_ =	strace s9  }
0x27: {  	s1 =	sld [smem:$0x3FA5]  }
0x28: {  	s2 =	sld [smem:$0x3FA6]  }
0x29: {  	s4 =	sld [smem:$0x3FA8]  }
0x2a: {  	p0 =	seq.s32 s5, $0x0;
	s5 =	sld [smem:$0x3FA9]  }
0x2b: {  	s6 =	sld [smem:$0x3FAA]  }
0x2c: {  	s7 =	sld [smem:$0x3FAB]  }
0x2d: {  	s3 =	simm.s32 $0x108;
	s8 =	sld [smem:$0x3FAC]  }
0x2e: {  	s3 =	simm.s32 @!p0 $0x1082;
	s9 =	sld [smem:$0x3FAD]  }
0x2f: {  	lr =	sadd.s32 s0, s3;
	s0 =	sld [smem:$0x3FA4]  }
0x30: {  	s3 =	sld [smem:$0x3FA7]  }
0x31: {  	[smem:$0x3FB0] =	sst s10  }
0x32: {  	s10 =	sld [smem:$0x3FAE];
	_ =	sdelay $0x3  }
0x33: {  	p0 =	seq.s32 s10, $0x1;
	s10 =	sld [smem:$0x3FB0];
	_ =	sdelay $0x3  }
0x34: {  	[smem:$0x3FB0] =	sst s10  }
0x35: {  	s10 =	sld [smem:$0x3FAF];
	_ =	sdelay $0x3  }
0x36: {  	p1 =	seq.s32 s10, $0x1;
	s10 =	sld [smem:$0x3FB0];
	_ =	sdelay $0x3  }
0x37: {  	[smem:$0x3FB0] =	sst s10  }
0x38: {  	s10 =	sld [smem:$0x3FB1]  }
0x39: {  	_ = 	snop;
	(pc) =	sbr.ind lr, $3  }
0x3a: {  	_ = 	snop  }
0x3b: {  	_ = 	snop  }
0x3c: {  	p2 =	seq.s32 s10, $0x1;
	s10 =	sld [smem:$0x3FB0]  }
0x3d: {  	_ =	shalt  }
0x3e: {  	_ =	shalt  }
0x3f: {  	_ =	shalt  }
0x40: {  	_ =	shalt  }
0x41: {  	_ =	shalt  }
0x42: {  	_ =	shalt  }
0x43: {  	_ =	shalt  }
0x44: {  	_ =	shalt  }
0x45: {  	_ =	shalt  }
0x46: {  	_ =	shalt  }
0x47: {  	_ =	shalt  }
0x48: {  	_ =	shalt  }
0x49: {  	_ =	shalt  }
0x4a: {  	_ =	shalt  }
0x4b: {  	_ =	shalt  }
0x4c: {  	_ =	shalt  }
0x4d: {  	_ =	shalt  }
0x4e: {  	_ =	shalt  }
0x4f: {  	_ =	shalt  }
0x50: {  	_ =	shalt  }
0x51: {  	_ =	shalt  }
0x52: {  	_ =	shalt  }
0x53: {  	_ =	shalt  }
0x54: {  	_ =	shalt  }
0x55: {  	_ =	shalt  }
0x56: {  	_ =	shalt  }
0x57: {  	_ =	shalt  }
0x58: {  	_ =	shalt  }
0x59: {  	_ =	shalt  }
0x5a: {  	_ =	shalt  }
0x5b: {  	_ =	shalt  }
0x5c: {  	_ =	shalt  }
0x5d: {  	_ =	shalt  }
0x5e: {  	_ =	shalt  }
0x5f: {  	_ =	shalt  }
0x60: {  	_ =	shalt  }
0x61: {  	_ =	shalt  }
0x62: {  	_ =	shalt  }
0x63: {  	_ =	shalt  }
0x64: {  	_ =	shalt  }
0x65: {  	_ =	shalt  }
0x66: {  	_ =	shalt  }
0x67: {  	_ =	shalt  }
0x68: {  	_ =	shalt  }
0x69: {  	_ =	shalt  }
0x6a: {  	_ =	shalt  }
0x6b: {  	_ =	shalt  }
0x6c: {  	_ =	shalt  }
0x6d: {  	_ =	shalt  }
0x6e: {  	_ =	shalt  }
0x6f: {  	_ =	shalt  }
0x70: {  	_ =	shalt  }
0x71: {  	_ =	shalt  }
0x72: {  	_ =	shalt  }
0x73: {  	_ =	shalt  }
0x74: {  	_ =	shalt  }
0x75: {  	_ =	shalt  }
0x76: {  	_ =	shalt  }
0x77: {  	_ =	shalt  }
0x78: {  	_ =	shalt  }
0x79: {  	_ =	shalt  }
0x7a: {  	_ =	shalt  }
0x7b: {  	_ =	shalt  }
0x7c: {  	_ =	shalt  }
0x7d: {  	_ =	shalt  }
0x7e: {  	_ =	shalt  }
0x7f: {  	_ =	shalt  }
0x80: {  	_ =	shalt  }
0x81: {  	_ =	shalt  }
0x82: {  	_ =	shalt  }
0x83: {  	_ =	shalt  }
0x84: {  	_ =	shalt  }
0x85: {  	_ =	shalt  }
0x86: {  	_ =	shalt  }
0x87: {  	_ =	shalt  }
.Lfunc_end0:
.L_simem_size_0:
called_computation.1_lowered:
.L_overlay_start_0:
0x88: {  	s2 =	sld [smem:$0x3FD9]  }
0x89: {  	s3 =	sld [smem:$0x3FFE];
	_ =	sdelay $0x1  }
0x8a: {  	s1 =	srdreg.scid  }
0x8b: {  	s0 =	sand.u32 $0x1, s1  }
0x8c: {  	s17 =	sshll.u32 s0, $0xA;
	s2 =	sadd.s32 s3, s2  }
0x8d: {  	s2 =	sadd.s32 s2, s17  }
0x8e: {  	[smem:$0x3FBC] =	sst s2  }
0x8f: {  	_ = 	snop  }
0x90: {  	s2 =	sld [smem:$0x3FD0];
	(tm) =	ssettm $0x1  }
0x91: {  	s18 =	sld [smem:$0x3FFB];
	_ =	sdelay $0x3  }
0x92: {  	_ =	strace s18  }
0x93: {  	s3 =	sld [smem:$0x3FFC];
	_ =	sdelay $0x3  }
0x94: {  	_ =	strace s3  }
0x95: {  	s3 =	sld [smem:$0x3FFD];
	_ =	sdelay $0x3  }
0x96: {  	_ =	strace s3  }
0x97: {  	_ =	strace $0x8FFFFFFF  }
0x98: {  	s19 =	sld [smem:$0x3FDB];
	_ =	sdelay $0x1  }
0x99: {  	s4 =	simm.s32 $_scs_section_size  }
0x9a: {  	s5 =	simm.s32 $_size__tile_overlayer_lowered;
	s6 =	simm.s32 $_tile_overlayer_lowered  }
0x9b: {  	s22 =	simm.s32 $0x1BFF;
	s21 =	sshll.u32 s6, $0x1;
	s3 =	sadd.s32 s4, s19  }
0x9c: {  	s7 =	simm.s32 $0x0;
	s20 =	sshll.u32 s5, $0x1;
	s5 =	sadd.s32 s21, s3  }
0x9d: {  	[timem:s7], [sflag:s22] =	dma.local [hbm:s5], s20  }
0x9e: {  	_ =	swait.ge [sflag:s22], s20  }
0x9f: {  	s4 =	ssub.s32 $0x0, s20;
	[sflag:s22] =	ssyncset.done $0x0  }
0xa0: {  	[sflag:s22] =	ssyncadd.s32 s4;
	_ =	sdelay $0x1  }
0xa1: {  	s23 =	simm.s32 $0x1B8B  }
0xa2: {  	_ =	swait.ge [sflag:s23], $0x1  }
0xa3: {  	[sflag:s23] =	ssyncset.done $0x0  }
0xa4: {  	s25 =	simm.s32 $0x1B8E;
	s24 =	sld [smem:$0x3FFE];
	[sflag:s23] =	ssyncadd.s32 $0xFFFFFFFF  }
0xa5: {  	s26 =	simm.s32 $execute0_lowered;
	[smem:$0x3FD2] =	sst s25  }
0xa6: {  	s5 =	sshll.u32 s26, $0x1;
	_ =	strace $0x80000049;
	[dreg:$0x1] =	wrdreg $0xFFFFFFFF  }
0xa7: {  	s28 =	simm.s32 $_size_execute0_lowered;
	s3 =	sadd.s32 s3, s5;
	[dreg:$0x0] =	wrdreg $0x0  }
0xa8: {  	s5 =	sshll.u32 s28, $0x1;
	[dreg:$0x2] =	wrdreg s3  }
0xa9: {  	[dreg:$0x3] =	wrdreg s5  }
0xaa: {  	[dreg:$0x4] =	wrdreg $0xC0  }
0xab: {  	_ =	task [dreg:s7], $0x5FFFF  }
0xac: {  	[dreg:$0x1] =	wrdreg $0xFFFFFFFF  }
0xad: {  	[dreg:$0x0] =	wrdreg $0x60  }
0xae: {  	[dreg:$0x2] =	wrdreg s2  }
0xaf: {  	[dreg:$0x3] =	wrdreg s24  }
0xb0: {  	[dreg:$0x4] =	wrdreg $0xA8000  }
0xb1: {  	[dreg:$0x5] =	wrdreg $0x9  }
0xb2: {  	_ =	task.clear_ibuf [dreg:s7], $0x6FFFF;
	_ =	strace $0x90000049  }
0xb3: {  	s29 =	simm.s32 $0x9;
	_ =	strace $0x8000004B  }
0xb4: {  	_ =	swait.ge [sflag:s29], $0x1  }
0xb5: {  	[sflag:s29] =	ssyncadd.s32 $0xFFFFFFFF  }
0xb6: {  	_ =	strace $0x9000004B  }
0xb7: {  	_ =	sfence  }
0xb8: {  	s30 =	sld [smem:$0x0];
	_ =	sdelay $0x2  }
0xb9: {  	s31 =	sshll.u32 s1, $0xD;
	s1 =	sshrl.u32 s1, $0x2  }
0xba: {  	s3 =	sand.u32 $0x4000, s31;
	s1 =	sadd.s32 s1, s30  }
0xbb: {  	s0 =	sor.u32 s3, s0;
	s1 =	sshll.u32 s1, $0x11  }
0xbc: {  	s0 =	sor.u32 s1, s0  }
0xbd: {  	s0 =	sadd.s32 $0x8F2B, s0  }
0xbe: {  	[sflag:s0] =	ssyncadd.remote.s32 $0x1  }
0xbf: {  	_ =	sfence.sel $0xFFFF  }
0xc0: {  	[dreg:$0x0] =	wrdreg $0xFFFFFFFF;
	(pc) =	sbr.abs _section_cstart, $3  }
0xc1: {  	[dreg:$0x1] =	wrdreg $0xFFFFFFFF  }
0xc2: {  	_ =	task.clear_ibuf [dreg:s7], $0x2FFFF;
	_ =	strace $0x9FFFFFFF  }
0xc3: {  	(tm) =	ssettm $0x7FFFFFFF  }
tec
execute0_lowered:
.L_overlay_start_1:
0x0: {  	(tag) =	ssettag $0x1  }
0x1: {  	s1 =	rddreg [dreg:$0x0]  }
0x2: {  	s6 =	rddreg [dreg:$0x1]  }
0x3: {  	s2 =	rddreg [dreg:$0x2]  }
0x4: {  	s3 =	srdreg.scid;
	s0 =	rddreg [dreg:$0x3];
	s4 =	simm.s32 $0x0  }
0x5: {  	s16 =	simm.s32 $0x80;
	s17 =	simm.s32 $0x2800;
	s18 =	simm.s32 $0x6800  }
0x6: {  	s19 =	simm.s32 $0x1;
	s20 =	simm.s32 $0x2;
	s21 =	simm.s32 $0x3  }
0x7: {  	s22 =	simm.s32 $0x4;
	s23 =	simm.s32 $0x2700;
	s24 =	simm.s32 $0x2780  }
0x8: {  	s7 =	sand.u32 $0x1, s3;
	s3 =	stileid.u32;
	[smem:$0x7FF] =	sst s4  }
0x9: {  	s9 =	sadd.s32 $0x4800, s6;
	s10 =	sadd.s32 $0xE800, s6;
	s5 =	smul.u32 $0x13C000, s7  }
0xa: {  	s8 =	smul.u32 $0x13C00, s3;
	_ =	strace $0x8000004A;
	s11 =	sshll.u32 s3, $0x1  }
0xb: {  	s12 =	ssub.s32 $0x2, s7;
	s25 =	smul.u32 $0x4F000, s3;
	s31 =	sshll.u32 s3, $0x6  }
0xc: {  	s7 =	sor.u32 s7, s11;
	s26 =	sshrl.u32 s12, $0x1;
	s8 =	sadd.s32 s8, s5  }
0xd: {  	s5 =	sadd.s32 $0x3FA00, s6;
	s28 =	smul.u32 $0x2800, s7;
	s12 =	ssub.s32 s12, s26  }
0xe: {  	s29 =	sshrl.u32 s25, $0x2;
	s30 =	smul.u32 $0x500, s7;
	s25 =	simm.s32 $0x0  }
0xf: {  	s8 =	sshrl.u32 s8, $0x3;
	s14 =	sadd.s32 s29, s2;
	s12 =	smax.u32 s12, $0x1  }
0x10: {  	s13 =	sadd.s32 s8, s6;
	s8 =	sshrl.u32 s28, $0x3;
	s6 =	sor.u32 $0x1C05, s31  }
0x11: {  	s7 =	sadd.s32 s9, s30;
	s15 =	sadd.s32 $0x280, s8;
	s8 =	sadd.s32 s10, s30  }
0x12: {  	s11 =	sadd.s32 $0x42200, s13;
	s13 =	sshrl.u32 s14, $0x3;
	s14 =	simm.s32 $0x5  }
0x13: {  	s9 =	sadd.s32 s9, s15;
	s10 =	sadd.s32 s10, s15;
	s15 =	simm.s32 $0x1400  }
.LBB2_1:
0x14: {  	[spmem:s13], [sflag:s6] =	dma.local [hbm:s5], $0x2780  }
0x15: {  	_ =	swait.ge [sflag:s14], $0x2780  }
0x16: {  	[sflag:s14] =	ssyncset.done $0x0  }
0x17: {  	[sflag:s14] =	ssyncadd.s32 $0xFFFFD880  }
0x18: {  	[bflag:$0x0] =	sbarrier.arrive $0xFFFF  }
0x19: {  	[tilespmem:s4], [sflag:$0x5] =	stream.linear.gather [hbm4b:s7+s4], $0x1400, $0x38;
	[tilespmem:$0x1E400] =	vst v63  }
0x1a: {  	_ =	swait.ge [sflag:s14], $0x1400  }
0x1b: {  	[sflag:s14] =	ssyncset.done $0x0  }
0x1c: {  	[sflag:s14] =	ssyncadd.s32 $0xFFFFEC00  }
0x1d: {  	[tilespmem:s15], [sflag:$0x5] =	stream.linear.gather [hbm4b:s8+s4], $0x1400, $0x38;
	[tilespmem:$0x1E400] =	vst v63  }
0x1e: {  	_ =	swait.ge [sflag:s14], $0x1400  }
0x1f: {  	[sflag:s14] =	ssyncset.done $0x0  }
0x20: {  	[sflag:s14] =	ssyncadd.s32 $0xFFFFEC00  }
0x21: {  	[tilespmem:s17], [sflag:$0x1] =	stream.indirect.gather [hbm4b:s1+s16], $0x80, s4, s16, $0xb8;
	[tilespmem:$0x1E400] =	vst v63  }
0x22: {  	_ = 	snop  }
0x23: {  	[tilespmem:s18], [sflag:$0x2] =	stream.indirect.gather [hbm4b:s1+s16], $0x80, s16, s16, $0xb8;
	[tilespmem:$0x1E400] =	vst v63  }
0x24: {  	_ =	swait.ge [sflag:s19], $0x4000  }
0x25: {  	[sflag:s19] =	ssyncset.done $0x0  }
0x26: {  	s26 =	simm.s32 $0x1400;
	[sflag:s19] =	ssyncadd.s32 $0xFFFFC000  }
0x27: {  	[spmem:s2] =	stream.indirect.scatter.add.f32 [tilespmem:s17], [sflag:$0x3], $0x80, s26, s16, $0xb8;
	[tilespmem:$0x1E400] =	vst v63  }
0x28: {  	_ =	swait.ge [sflag:s20], $0x4000  }
0x29: {  	[sflag:s20] =	ssyncset.done $0x0  }
0x2a: {  	[sflag:s20] =	ssyncadd.s32 $0xFFFFC000  }
0x2b: {  	_ =	swait.ge [sflag:s21], $0x4000  }
0x2c: {  	[sflag:s21] =	ssyncset.done $0x0  }
0x2d: {  	s30 =	simm.s32 $0x100;
	[sflag:s21] =	ssyncadd.s32 $0xFFFFC000  }
0x2e: {  	[tilespmem:s17], [sflag:$0x1] =	stream.indirect.gather [hbm4b:s1+s16], $0x80, s30, s16, $0xb8;
	[tilespmem:$0x1E400] =	vst v63  }
0x2f: {  	s31 =	simm.s32 $0x1480  }
0x30: {  	[spmem:s2] =	stream.indirect.scatter.add.f32 [tilespmem:s18], [sflag:$0x4], $0x80, s31, s16, $0xb8;
	[tilespmem:$0x1E400] =	vst v63  }
0x31: {  	_ =	swait.ge [sflag:s22], $0x4000  }
0x32: {  	[sflag:s22] =	ssyncset.done $0x0  }
0x33: {  	s28 =	simm.s32 $0x180;
	s26 =	simm.s32 $0x400;
	[sflag:s22] =	ssyncadd.s32 $0xFFFFC000  }
.LBB2_2:
0x34: {  	[tilespmem:s18], [sflag:$0x2] =	stream.indirect.gather [hbm4b:s1+s16], $0x80, s28, s16, $0xb8;
	[tilespmem:$0x1E400] =	vst v63  }
0x35: {  	s28 =	smov.u32 s26  }
0x36: {  	p0 =	sne.s32 s26, $0x4800;
	s26 =	sadd.s32 $0x400, s26;
	_ =	swait.ge [sflag:s19], $0x4000  }
0x37: {  	s28 =	sshra.s32 s28, $0x2;
	[sflag:s19] =	ssyncset.done $0x0  }
0x38: {  	s29 =	sadd.s32 $0x1400, s28;
	[sflag:s19] =	ssyncadd.s32 $0xFFFFC000  }
0x39: {  	[spmem:s2] =	stream.indirect.scatter.add.f32 [tilespmem:s17], [sflag:$0x3], $0x80, s29, s16, $0xb8;
	[tilespmem:$0x1E400] =	vst v63  }
0x3a: {  	_ =	swait.ge [sflag:s20], $0x4000  }
0x3b: {  	[sflag:s20] =	ssyncset.done $0x0  }
0x3c: {  	[sflag:s20] =	ssyncadd.s32 $0xFFFFC000  }
0x3d: {  	_ =	swait.ge [sflag:s21], $0x4000  }
0x3e: {  	[sflag:s21] =	ssyncset.done $0x0  }
0x3f: {  	s29 =	sadd.s32 $0x100, s28;
	[sflag:s21] =	ssyncadd.s32 $0xFFFFC000  }
0x40: {  	[tilespmem:s17], [sflag:$0x1] =	stream.indirect.gather [hbm4b:s1+s16], $0x80, s29, s16, $0xb8;
	[tilespmem:$0x1E400] =	vst v63  }
.Ltmp0:
0x41: {  	s29 =	sadd.s32 $0x1480, s28;
	(pc) =	sbr.rel @p0 .LBB2_2-.Ltmp0, $4  }
0x42: {  	[spmem:s2] =	stream.indirect.scatter.add.f32 [tilespmem:s18], [sflag:$0x4], $0x80, s29, s16, $0xb8;
	[tilespmem:$0x1E400] =	vst v63  }
0x43: {  	_ =	swait.ge [sflag:s22], $0x4000  }
0x44: {  	[sflag:s22] =	ssyncset.done $0x0  }
0x45: {  	s28 =	sadd.s32 $0x180, s28;
	[sflag:s22] =	ssyncadd.s32 $0xFFFFC000  }
0x46: {  	[tilespmem:s18], [sflag:$0x2] =	stream.indirect.gather [hbm4b:s1+s16], $0x80, s28, s16, $0xb8;
	[tilespmem:$0x1E400] =	vst v63  }
0x47: {  	_ =	swait.ge [sflag:s19], $0x4000  }
0x48: {  	[sflag:s19] =	ssyncset.done $0x0  }
0x49: {  	[sflag:s19] =	ssyncadd.s32 $0xFFFFC000  }
0x4a: {  	[spmem:s2] =	stream.indirect.scatter.add.f32 [tilespmem:s17], [sflag:$0x3], $0x80, s23, s16, $0xb8;
	[tilespmem:$0x1E400] =	vst v63  }
0x4b: {  	_ =	swait.ge [sflag:s20], $0x4000  }
0x4c: {  	[sflag:s20] =	ssyncset.done $0x0  }
0x4d: {  	[sflag:s20] =	ssyncadd.s32 $0xFFFFC000  }
0x4e: {  	[spmem:s2] =	stream.indirect.scatter.add.f32 [tilespmem:s18], [sflag:$0x4], $0x80, s24, s16, $0xb8;
	[tilespmem:$0x1E400] =	vst v63  }
0x4f: {  	_ =	swait.ge [sflag:s21], $0x4000  }
0x50: {  	[sflag:s21] =	ssyncset.done $0x0  }
0x51: {  	[sflag:s21] =	ssyncadd.s32 $0xFFFFC000  }
0x52: {  	_ =	swait.ge [sflag:s22], $0x4000  }
0x53: {  	[sflag:s22] =	ssyncset.done $0x0  }
0x54: {  	s26 =	simm.s32 $0x0;
	[sflag:s22] =	ssyncadd.s32 $0xFFFFC000  }
0x55: {  	[tilespmem:s26], [sflag:$0x5] =	stream.linear.gather [hbm4b:s9+s26], $0x1400, $0x38;
	[tilespmem:$0x1E400] =	vst v63  }
0x56: {  	_ =	swait.ge [sflag:s14], $0x1400  }
0x57: {  	[sflag:s14] =	ssyncset.done $0x0  }
0x58: {  	[sflag:s14] =	ssyncadd.s32 $0xFFFFEC00  }
0x59: {  	[tilespmem:s15], [sflag:$0x5] =	stream.linear.gather [hbm4b:s10+s26], $0x1400, $0x38;
	[tilespmem:$0x1E400] =	vst v63  }
0x5a: {  	_ =	swait.ge [sflag:s14], $0x1400  }
0x5b: {  	[sflag:s14] =	ssyncset.done $0x0  }
0x5c: {  	[sflag:s14] =	ssyncadd.s32 $0xFFFFEC00  }
0x5d: {  	[tilespmem:s17], [sflag:$0x1] =	stream.indirect.gather [hbm4b:s1+s16], $0x80, s26, s16, $0xb8;
	[tilespmem:$0x1E400] =	vst v63  }
0x5e: {  	_ = 	snop  }
0x5f: {  	[tilespmem:s18], [sflag:$0x2] =	stream.indirect.gather [hbm4b:s1+s16], $0x80, s16, s16, $0xb8;
	[tilespmem:$0x1E400] =	vst v63  }
0x60: {  	_ =	swait.ge [sflag:s19], $0x4000  }
0x61: {  	[sflag:s19] =	ssyncset.done $0x0  }
0x62: {  	s29 =	simm.s32 $0x1400;
	[sflag:s19] =	ssyncadd.s32 $0xFFFFC000  }
0x63: {  	[spmem:s2] =	stream.indirect.scatter.add.f32 [tilespmem:s17], [sflag:$0x3], $0x80, s29, s16, $0xb8;
	[tilespmem:$0x1E400] =	vst v63  }
0x64: {  	_ =	swait.ge [sflag:s20], $0x4000  }
0x65: {  	[sflag:s20] =	ssyncset.done $0x0  }
0x66: {  	[sflag:s20] =	ssyncadd.s32 $0xFFFFC000  }
0x67: {  	_ =	swait.ge [sflag:s21], $0x4000  }
0x68: {  	[sflag:s21] =	ssyncset.done $0x0  }
0x69: {  	s30 =	simm.s32 $0x100;
	[sflag:s21] =	ssyncadd.s32 $0xFFFFC000  }
0x6a: {  	[tilespmem:s17], [sflag:$0x1] =	stream.indirect.gather [hbm4b:s1+s16], $0x80, s30, s16, $0xb8;
	[tilespmem:$0x1E400] =	vst v63  }
0x6b: {  	s31 =	simm.s32 $0x1480  }
0x6c: {  	[spmem:s2] =	stream.indirect.scatter.add.f32 [tilespmem:s18], [sflag:$0x4], $0x80, s31, s16, $0xb8;
	[tilespmem:$0x1E400] =	vst v63  }
0x6d: {  	_ =	swait.ge [sflag:s22], $0x4000  }
0x6e: {  	[sflag:s22] =	ssyncset.done $0x0  }
0x6f: {  	s28 =	simm.s32 $0x180;
	s26 =	simm.s32 $0x400;
	[sflag:s22] =	ssyncadd.s32 $0xFFFFC000  }
.LBB2_4:
0x70: {  	[tilespmem:s18], [sflag:$0x2] =	stream.indirect.gather [hbm4b:s1+s16], $0x80, s28, s16, $0xb8;
	[tilespmem:$0x1E400] =	vst v63  }
0x71: {  	s28 =	smov.u32 s26  }
0x72: {  	p0 =	sne.s32 s26, $0x4800;
	s26 =	sadd.s32 $0x400, s26;
	_ =	swait.ge [sflag:s19], $0x4000  }
0x73: {  	s28 =	sshra.s32 s28, $0x2;
	[sflag:s19] =	ssyncset.done $0x0  }
0x74: {  	s29 =	sadd.s32 $0x1400, s28;
	[sflag:s19] =	ssyncadd.s32 $0xFFFFC000  }
0x75: {  	[spmem:s2] =	stream.indirect.scatter.add.f32 [tilespmem:s17], [sflag:$0x3], $0x80, s29, s16, $0xb8;
	[tilespmem:$0x1E400] =	vst v63  }
0x76: {  	_ =	swait.ge [sflag:s20], $0x4000  }
0x77: {  	[sflag:s20] =	ssyncset.done $0x0  }
0x78: {  	[sflag:s20] =	ssyncadd.s32 $0xFFFFC000  }
0x79: {  	_ =	swait.ge [sflag:s21], $0x4000  }
0x7a: {  	[sflag:s21] =	ssyncset.done $0x0  }
0x7b: {  	s29 =	sadd.s32 $0x100, s28;
	[sflag:s21] =	ssyncadd.s32 $0xFFFFC000  }
0x7c: {  	[tilespmem:s17], [sflag:$0x1] =	stream.indirect.gather [hbm4b:s1+s16], $0x80, s29, s16, $0xb8;
	[tilespmem:$0x1E400] =	vst v63  }
.Ltmp1:
0x7d: {  	s29 =	sadd.s32 $0x1480, s28;
	(pc) =	sbr.rel @p0 .LBB2_4-.Ltmp1, $4  }
0x7e: {  	[spmem:s2] =	stream.indirect.scatter.add.f32 [tilespmem:s18], [sflag:$0x4], $0x80, s29, s16, $0xb8;
	[tilespmem:$0x1E400] =	vst v63  }
0x7f: {  	_ =	swait.ge [sflag:s22], $0x4000  }
0x80: {  	[sflag:s22] =	ssyncset.done $0x0  }
0x81: {  	s28 =	sadd.s32 $0x180, s28;
	[sflag:s22] =	ssyncadd.s32 $0xFFFFC000  }
0x82: {  	[tilespmem:s18], [sflag:$0x2] =	stream.indirect.gather [hbm4b:s1+s16], $0x80, s28, s16, $0xb8;
	[tilespmem:$0x1E400] =	vst v63  }
0x83: {  	_ =	swait.ge [sflag:s19], $0x4000  }
0x84: {  	[sflag:s19] =	ssyncset.done $0x0  }
0x85: {  	[sflag:s19] =	ssyncadd.s32 $0xFFFFC000  }
0x86: {  	[spmem:s2] =	stream.indirect.scatter.add.f32 [tilespmem:s17], [sflag:$0x3], $0x80, s23, s16, $0xb8;
	[tilespmem:$0x1E400] =	vst v63  }
0x87: {  	_ =	swait.ge [sflag:s20], $0x4000  }
0x88: {  	[sflag:s20] =	ssyncset.done $0x0  }
0x89: {  	[sflag:s20] =	ssyncadd.s32 $0xFFFFC000  }
0x8a: {  	[spmem:s2] =	stream.indirect.scatter.add.f32 [tilespmem:s18], [sflag:$0x4], $0x80, s24, s16, $0xb8;
	[tilespmem:$0x1E400] =	vst v63  }
0x8b: {  	_ =	swait.ge [sflag:s21], $0x4000  }
0x8c: {  	[sflag:s21] =	ssyncset.done $0x0  }
0x8d: {  	[sflag:s21] =	ssyncadd.s32 $0xFFFFC000  }
0x8e: {  	_ =	swait.ge [sflag:s22], $0x4000  }
0x8f: {  	s25 =	sadd.s32 $0x1, s25;
	[sflag:s22] =	ssyncset.done $0x0  }
0x90: {  	p0 =	sne.s32 s25, s12;
	[sflag:s22] =	ssyncadd.s32 $0xFFFFC000  }
.Ltmp2:
0x91: {  	[bflag:$0x0] =	sbarrier.arrive $0xFFFF;
	(pc) =	sbr.rel @p0 .LBB2_1-.Ltmp2, $4  }
0x92: {  	[hbm:s11], [sflag:s6] =	dma.local [spmem:s13], $0x2780  }
0x93: {  	_ =	swait.ge [sflag:s14], $0x2780  }
0x94: {  	[sflag:s14] =	ssyncset.done $0x0  }
0x95: {  	[sflag:s14] =	ssyncadd.s32 $0xFFFFD880  }
0x96: {  	_ =	sfence.sel $0x180000  }
0x97: {  	[bflag:$0x0] =	sbarrier.arrive $0xFFFF  }
0x98: {  	p0 =	sne.s32 s3, $0x0;
	_ =	strace $0x9000004A  }
0x99: {  	s0 =	sadd.s32 @!p0 $0x100000, s0;
	[bflag:$0x2] =	sbarrier.arrive $0xFFFF  }
0x9a: {  	[sflag:s0] =	ssyncadd.tile.s32 @!p0 $0x1;
	_ =	shalt  }
.Lfunc_end2:
_tile_overlayer_lowered:
.L_overlay_start_2:
0x9b: {  	(tag) =	ssettag $0x2  }
0x9c: {  	s0 =	rddreg [dreg:$0x0];
	s2 =	stileid.u32  }
0x9d: {  	s1 =	rddreg [dreg:$0x1];
	p0 =	sne.s32 s2, $0x0  }
0x9e: {  	s3 =	rddreg [dreg:$0x2];
	[bflag:$0x3] =	sbarrier.arrive $0xFFFF;
	s2 =	simm.s32 @!p0 $0x1C05  }
0x9f: {  	[timem:s3], [sflag:s2] =	dma.local @!p0 [hbm:s0], s1  }
0xa0: {  	s0 =	simm.s32 @!p0 $0x5  }
0xa1: {  	_ =	swait.ge @!p0 [sflag:s0], s1  }
0xa2: {  	s1 =	ssub.s32 @!p0 $0x0, s1;
	[sflag:s0] =	ssyncset.done @!p0 $0x0  }
0xa3: {  	[sflag:s0] =	ssyncadd.s32 @!p0 s1  }
0xa4: {  	[bflag:$0x3] =	sbarrier.arrive $0xFFFF  }
0xa5: {  	_ =	shalt  }

// kernel: kernel.17.cloned.1.call-start
scs
__scs_entry_jumppad:
0x0: {  	(pc) =	sbr.rel $0x88, $3  }
0x1: {  	(tag) =	ssettag $0x0;
	lr =	simm.s32 $0x1  }
0x2: {  	[smem:$0x3F95] =	sst lr;
	_ =	strace $0xD0000000  }
0x3: {  	_ = 	snop  }
0x4: {  	_ = 	snop  }
0x5: {  	_ = 	snop  }
0x6: {  	_ = 	snop  }
0x7: {  	_ = 	snop  }
__scs_overlays_trampoline_lowered:
0x8: {  	[smem:$0x3FA4] =	sst s0  }
0x9: {  	[smem:$0x3FA5] =	sst s1  }
0xa: {  	[smem:$0x3FA6] =	sst s2  }
0xb: {  	[smem:$0x3FA7] =	sst s3  }
0xc: {  	[smem:$0x3FA8] =	sst s4  }
0xd: {  	[smem:$0x3FA9] =	sst s5  }
0xe: {  	[smem:$0x3FAA] =	sst s6  }
0xf: {  	[smem:$0x3FAB] =	sst s7  }
0x10: {  	[smem:$0x3FAC] =	sst s8  }
0x11: {  	[smem:$0x3FAD] =	sst s9;
	s0 =	simm.s32 @!p0 $0x0  }
0x12: {  	s1 =	sld [smem:$0x3F93];
	s0 =	simm.s32 @p0 $0x1  }
0x13: {  	[smem:$0x3FAE] =	sst s0;
	s0 =	simm.s32 @!p1 $0x0  }
0x14: {  	s2 =	sld [smem:$0x3F92];
	s0 =	simm.s32 @p1 $0x1  }
0x15: {  	[smem:$0x3FAF] =	sst s0;
	s0 =	simm.s32 @!p2 $0x0  }
0x16: {  	s3 =	sld [smem:$0x3FDB];
	s0 =	simm.s32 @p2 $0x1  }
0x17: {  	s4 =	simm.s32 $0x1BF5;
	[smem:$0x3FB1] =	sst s0  }
0x18: {  	s0 =	sld [smem:$0x3F94];
	_ =	swait.ge [sflag:s4], $0x0  }
0x19: {  	s7 =	sld [smem:$0x3F95]  }
0x1a: {  	s8 =	sadd.s32 $0xFFFFE003, lr  }
0x1b: {  	s9 =	sadd.s32 $0xFFFFFEF7, lr;
	s5 =	simm.s32 $0xFFFFFFFF;
	p2 =	slt.u32 s8, $0xFFFFF086  }
0x1c: {  	p1 =	slt.u32 s9, $0xF7A;
	s5 =	simm.s32 @!p2 $0x0  }
0x1d: {  	s5 =	simm.s32 @p1 $0x1;
	p0 =	seq.s32 s7, s2  }
0x1e: {  	s7 =	smul.u32 @!p0 $0xF7A, s2;
	p2 =	seq.s32 @!p0 s5, $0x0  }
0x1f: {  	s9 =	smul.u32 $0xF7A, s1;
	s8 =	simm.s32 @!p0 $0x1BF5;
	p2 =	por !p2, p0  }
0x20: {  	[sflag:s8] =	ssyncset.s32 @!p0 $0xFFFFF086;
	s6 =	sadd.s32 @!p0 s3, s7;
	s7 =	simm.s32 @!p0 $0x108  }
0x21: {  	s3 =	sadd.s32 s3, s9;
	s6 =	sadd.s32 @!p0 $0x88, s6;
	s7 =	simm.s32 @p2 $0x1082  }
0x22: {  	[simem:s7], [sflag:s8] =	dma.local @!p0 [hbm:s6], $0xF7A  }
0x23: {  	s9 =	sor.u32 $0xD0000000, s2;
	s6 =	simm.s32 $0x108;
	_ =	swait.ge @!p0 [sflag:s8], $0x0  }
0x24: {  	s3 =	sadd.s32 $0x88, s3;
	s6 =	simm.s32 @!p1 $0x1082;
	[sflag:s4] =	ssyncset.s32 $0xFFFFF086  }
0x25: {  	[simem:s6], [sflag:s4] =	dma.local [hbm:s3], $0xF7A  }
0x26: {  	[smem:$0x3F95] =	sst s1;
	(tag) =	ssettag s2;
	_ =	strace s9  }
0x27: {  	s1 =	sld [smem:$0x3FA5]  }
0x28: {  	s2 =	sld [smem:$0x3FA6]  }
0x29: {  	s4 =	sld [smem:$0x3FA8]  }
0x2a: {  	p0 =	seq.s32 s5, $0x0;
	s5 =	sld [smem:$0x3FA9]  }
0x2b: {  	s6 =	sld [smem:$0x3FAA]  }
0x2c: {  	s7 =	sld [smem:$0x3FAB]  }
0x2d: {  	s3 =	simm.s32 $0x108;
	s8 =	sld [smem:$0x3FAC]  }
0x2e: {  	s3 =	simm.s32 @!p0 $0x1082;
	s9 =	sld [smem:$0x3FAD]  }
0x2f: {  	lr =	sadd.s32 s0, s3;
	s0 =	sld [smem:$0x3FA4]  }
0x30: {  	s3 =	sld [smem:$0x3FA7]  }
0x31: {  	[smem:$0x3FB0] =	sst s10  }
0x32: {  	s10 =	sld [smem:$0x3FAE];
	_ =	sdelay $0x3  }
0x33: {  	p0 =	seq.s32 s10, $0x1;
	s10 =	sld [smem:$0x3FB0];
	_ =	sdelay $0x3  }
0x34: {  	[smem:$0x3FB0] =	sst s10  }
0x35: {  	s10 =	sld [smem:$0x3FAF];
	_ =	sdelay $0x3  }
0x36: {  	p1 =	seq.s32 s10, $0x1;
	s10 =	sld [smem:$0x3FB0];
	_ =	sdelay $0x3  }
0x37: {  	[smem:$0x3FB0] =	sst s10  }
0x38: {  	s10 =	sld [smem:$0x3FB1]  }
0x39: {  	_ = 	snop;
	(pc) =	sbr.ind lr, $3  }
0x3a: {  	_ = 	snop  }
0x3b: {  	_ = 	snop  }
0x3c: {  	p2 =	seq.s32 s10, $0x1;
	s10 =	sld [smem:$0x3FB0]  }
0x3d: {  	_ =	shalt  }
0x3e: {  	_ =	shalt  }
0x3f: {  	_ =	shalt  }
0x40: {  	_ =	shalt  }
0x41: {  	_ =	shalt  }
0x42: {  	_ =	shalt  }
0x43: {  	_ =	shalt  }
0x44: {  	_ =	shalt  }
0x45: {  	_ =	shalt  }
0x46: {  	_ =	shalt  }
0x47: {  	_ =	shalt  }
0x48: {  	_ =	shalt  }
0x49: {  	_ =	shalt  }
0x4a: {  	_ =	shalt  }
0x4b: {  	_ =	shalt  }
0x4c: {  	_ =	shalt  }
0x4d: {  	_ =	shalt  }
0x4e: {  	_ =	shalt  }
0x4f: {  	_ =	shalt  }
0x50: {  	_ =	shalt  }
0x51: {  	_ =	shalt  }
0x52: {  	_ =	shalt  }
0x53: {  	_ =	shalt  }
0x54: {  	_ =	shalt  }
0x55: {  	_ =	shalt  }
0x56: {  	_ =	shalt  }
0x57: {  	_ =	shalt  }
0x58: {  	_ =	shalt  }
0x59: {  	_ =	shalt  }
0x5a: {  	_ =	shalt  }
0x5b: {  	_ =	shalt  }
0x5c: {  	_ =	shalt  }
0x5d: {  	_ =	shalt  }
0x5e: {  	_ =	shalt  }
0x5f: {  	_ =	shalt  }
0x60: {  	_ =	shalt  }
0x61: {  	_ =	shalt  }
0x62: {  	_ =	shalt  }
0x63: {  	_ =	shalt  }
0x64: {  	_ =	shalt  }
0x65: {  	_ =	shalt  }
0x66: {  	_ =	shalt  }
0x67: {  	_ =	shalt  }
0x68: {  	_ =	shalt  }
0x69: {  	_ =	shalt  }
0x6a: {  	_ =	shalt  }
0x6b: {  	_ =	shalt  }
0x6c: {  	_ =	shalt  }
0x6d: {  	_ =	shalt  }
0x6e: {  	_ =	shalt  }
0x6f: {  	_ =	shalt  }
0x70: {  	_ =	shalt  }
0x71: {  	_ =	shalt  }
0x72: {  	_ =	shalt  }
0x73: {  	_ =	shalt  }
0x74: {  	_ =	shalt  }
0x75: {  	_ =	shalt  }
0x76: {  	_ =	shalt  }
0x77: {  	_ =	shalt  }
0x78: {  	_ =	shalt  }
0x79: {  	_ =	shalt  }
0x7a: {  	_ =	shalt  }
0x7b: {  	_ =	shalt  }
0x7c: {  	_ =	shalt  }
0x7d: {  	_ =	shalt  }
0x7e: {  	_ =	shalt  }
0x7f: {  	_ =	shalt  }
0x80: {  	_ =	shalt  }
0x81: {  	_ =	shalt  }
0x82: {  	_ =	shalt  }
0x83: {  	_ =	shalt  }
0x84: {  	_ =	shalt  }
0x85: {  	_ =	shalt  }
0x86: {  	_ =	shalt  }
0x87: {  	_ =	shalt  }
.Lfunc_end0:
.L_simem_size_0:
called_computation.2_lowered:
.L_overlay_start_0:
0x88: {  	s2 =	sld [smem:$0x3FD9]  }
0x89: {  	s3 =	sld [smem:$0x3FFE];
	_ =	sdelay $0x1  }
0x8a: {  	s1 =	srdreg.scid  }
0x8b: {  	s0 =	sand.u32 $0x1, s1  }
0x8c: {  	s17 =	sshll.u32 s0, $0xA;
	s2 =	sadd.s32 s3, s2  }
0x8d: {  	s2 =	sadd.s32 s2, s17  }
0x8e: {  	[smem:$0x3FBC] =	sst s2  }
0x8f: {  	_ = 	snop  }
0x90: {  	s2 =	sld [smem:$0x3FD0];
	(tm) =	ssettm $0x1  }
0x91: {  	s18 =	sld [smem:$0x3FFB];
	_ =	sdelay $0x3  }
0x92: {  	_ =	strace s18  }
0x93: {  	s3 =	sld [smem:$0x3FFC];
	_ =	sdelay $0x3  }
0x94: {  	_ =	strace s3  }
0x95: {  	s3 =	sld [smem:$0x3FFD];
	_ =	sdelay $0x3  }
0x96: {  	_ =	strace s3  }
0x97: {  	_ =	strace $0x8FFFFFFF  }
0x98: {  	s19 =	sld [smem:$0x3FDB];
	_ =	sdelay $0x1  }
0x99: {  	s4 =	simm.s32 $_scs_section_size  }
0x9a: {  	s5 =	simm.s32 $_size__tile_overlayer_lowered;
	s6 =	simm.s32 $_tile_overlayer_lowered  }
0x9b: {  	s22 =	simm.s32 $0x1BFF;
	s21 =	sshll.u32 s6, $0x1;
	s3 =	sadd.s32 s4, s19  }
0x9c: {  	s7 =	simm.s32 $0x0;
	s20 =	sshll.u32 s5, $0x1;
	s5 =	sadd.s32 s21, s3  }
0x9d: {  	[timem:s7], [sflag:s22] =	dma.local [hbm:s5], s20  }
0x9e: {  	_ =	swait.ge [sflag:s22], s20  }
0x9f: {  	s4 =	ssub.s32 $0x0, s20;
	[sflag:s22] =	ssyncset.done $0x0  }
0xa0: {  	[sflag:s22] =	ssyncadd.s32 s4;
	_ =	sdelay $0x1  }
0xa1: {  	s23 =	simm.s32 $0x1B8B  }
0xa2: {  	_ =	swait.ge [sflag:s23], $0x1  }
0xa3: {  	[sflag:s23] =	ssyncset.done $0x0  }
0xa4: {  	s25 =	simm.s32 $0x1B8E;
	s24 =	sld [smem:$0x3FFE];
	[sflag:s23] =	ssyncadd.s32 $0xFFFFFFFF  }
0xa5: {  	s26 =	simm.s32 $execute0_lowered;
	[smem:$0x3FD2] =	sst s25  }
0xa6: {  	s5 =	sshll.u32 s26, $0x1;
	_ =	strace $0x8000004C;
	[dreg:$0x1] =	wrdreg $0xFFFFFFFF  }
0xa7: {  	s28 =	simm.s32 $_size_execute0_lowered;
	s3 =	sadd.s32 s3, s5;
	[dreg:$0x0] =	wrdreg $0x0  }
0xa8: {  	s5 =	sshll.u32 s28, $0x1;
	[dreg:$0x2] =	wrdreg s3  }
0xa9: {  	[dreg:$0x3] =	wrdreg s5  }
0xaa: {  	[dreg:$0x4] =	wrdreg $0xC0  }
0xab: {  	_ =	task [dreg:s7], $0x5FFFF  }
0xac: {  	[dreg:$0x1] =	wrdreg $0xFFFFFFFF  }
0xad: {  	[dreg:$0x0] =	wrdreg $0x60  }
0xae: {  	[dreg:$0x2] =	wrdreg s2  }
0xaf: {  	[dreg:$0x3] =	wrdreg s24  }
0xb0: {  	[dreg:$0x4] =	wrdreg $0xA8000  }
0xb1: {  	[dreg:$0x5] =	wrdreg $0x9  }
0xb2: {  	_ =	task.clear_ibuf [dreg:s7], $0x6FFFF;
	_ =	strace $0x9000004C  }
0xb3: {  	s29 =	simm.s32 $0x9;
	_ =	strace $0x8000004E  }
0xb4: {  	_ =	swait.ge [sflag:s29], $0x1  }
0xb5: {  	[sflag:s29] =	ssyncadd.s32 $0xFFFFFFFF  }
0xb6: {  	_ =	strace $0x9000004E  }
0xb7: {  	_ =	sfence  }
0xb8: {  	s30 =	sld [smem:$0x0];
	_ =	sdelay $0x2  }
0xb9: {  	s31 =	sshll.u32 s1, $0xD;
	s1 =	sshrl.u32 s1, $0x2  }
0xba: {  	s3 =	sand.u32 $0x4000, s31;
	s1 =	sadd.s32 s1, s30  }
0xbb: {  	s0 =	sor.u32 s3, s0;
	s1 =	sshll.u32 s1, $0x11  }
0xbc: {  	s0 =	sor.u32 s1, s0  }
0xbd: {  	s0 =	sadd.s32 $0x8F2B, s0  }
0xbe: {  	[sflag:s0] =	ssyncadd.remote.s32 $0x1  }
0xbf: {  	_ =	sfence.sel $0xFFFF  }
0xc0: {  	[dreg:$0x0] =	wrdreg $0xFFFFFFFF;
	(pc) =	sbr.abs _section_cstart, $3  }
0xc1: {  	[dreg:$0x1] =	wrdreg $0xFFFFFFFF  }
0xc2: {  	_ =	task.clear_ibuf [dreg:s7], $0x2FFFF;
	_ =	strace $0x9FFFFFFF  }
0xc3: {  	(tm) =	ssettm $0x7FFFFFFF  }
tec
execute0_lowered:
.L_overlay_start_1:
0x0: {  	(tag) =	ssettag $0x1  }
0x1: {  	s1 =	rddreg [dreg:$0x0]  }
0x2: {  	s6 =	rddreg [dreg:$0x1]  }
0x3: {  	s2 =	rddreg [dreg:$0x2]  }
0x4: {  	s3 =	srdreg.scid;
	s0 =	rddreg [dreg:$0x3];
	s4 =	simm.s32 $0x0  }
0x5: {  	s16 =	simm.s32 $0x80;
	s17 =	simm.s32 $0x2800;
	s18 =	simm.s32 $0x6800  }
0x6: {  	s19 =	simm.s32 $0x1;
	s20 =	simm.s32 $0x2;
	s21 =	simm.s32 $0x3  }
0x7: {  	s22 =	simm.s32 $0x4;
	s23 =	simm.s32 $0x2700;
	s24 =	simm.s32 $0x2780  }
0x8: {  	s7 =	sand.u32 $0x1, s3;
	s3 =	stileid.u32;
	[smem:$0x7FF] =	sst s4  }
0x9: {  	s9 =	sadd.s32 $0x4800, s6;
	s10 =	sadd.s32 $0xE800, s6;
	s5 =	smul.u32 $0x13C000, s7  }
0xa: {  	s8 =	smul.u32 $0x13C00, s3;
	_ =	strace $0x8000004D;
	s11 =	sshll.u32 s3, $0x1  }
0xb: {  	s12 =	ssub.s32 $0x2, s7;
	s25 =	smul.u32 $0x4F000, s3;
	s31 =	sshll.u32 s3, $0x6  }
0xc: {  	s7 =	sor.u32 s7, s11;
	s26 =	sshrl.u32 s12, $0x1;
	s8 =	sadd.s32 s8, s5  }
0xd: {  	s5 =	sadd.s32 $0x3FA00, s6;
	s28 =	smul.u32 $0x2800, s7;
	s12 =	ssub.s32 s12, s26  }
0xe: {  	s29 =	sshrl.u32 s25, $0x2;
	s30 =	smul.u32 $0x500, s7;
	s25 =	simm.s32 $0x0  }
0xf: {  	s8 =	sshrl.u32 s8, $0x3;
	s14 =	sadd.s32 s29, s2;
	s12 =	smax.u32 s12, $0x1  }
0x10: {  	s13 =	sadd.s32 s8, s6;
	s8 =	sshrl.u32 s28, $0x3;
	s6 =	sor.u32 $0x1C05, s31  }
0x11: {  	s7 =	sadd.s32 s9, s30;
	s15 =	sadd.s32 $0x280, s8;
	s8 =	sadd.s32 s10, s30  }
0x12: {  	s11 =	sadd.s32 $0x42200, s13;
	s13 =	sshrl.u32 s14, $0x3;
	s14 =	simm.s32 $0x5  }
0x13: {  	s9 =	sadd.s32 s9, s15;
	s10 =	sadd.s32 s10, s15;
	s15 =	simm.s32 $0x1400  }
.LBB2_1:
0x14: {  	[spmem:s13], [sflag:s6] =	dma.local [hbm:s5], $0x2780  }
0x15: {  	_ =	swait.ge [sflag:s14], $0x2780  }
0x16: {  	[sflag:s14] =	ssyncset.done $0x0  }
0x17: {  	[sflag:s14] =	ssyncadd.s32 $0xFFFFD880  }
0x18: {  	[bflag:$0x0] =	sbarrier.arrive $0xFFFF  }
0x19: {  	[tilespmem:s4], [sflag:$0x5] =	stream.linear.gather [hbm4b:s7+s4], $0x1400, $0x38;
	[tilespmem:$0x1E400] =	vst v63  }
0x1a: {  	_ =	swait.ge [sflag:s14], $0x1400  }
0x1b: {  	[sflag:s14] =	ssyncset.done $0x0  }
0x1c: {  	[sflag:s14] =	ssyncadd.s32 $0xFFFFEC00  }
0x1d: {  	[tilespmem:s15], [sflag:$0x5] =	stream.linear.gather [hbm4b:s8+s4], $0x1400, $0x38;
	[tilespmem:$0x1E400] =	vst v63  }
0x1e: {  	_ =	swait.ge [sflag:s14], $0x1400  }
0x1f: {  	[sflag:s14] =	ssyncset.done $0x0  }
0x20: {  	[sflag:s14] =	ssyncadd.s32 $0xFFFFEC00  }
0x21: {  	[tilespmem:s17], [sflag:$0x1] =	stream.indirect.gather [hbm4b:s1+s16], $0x80, s4, s16, $0xb8;
	[tilespmem:$0x1E400] =	vst v63  }
0x22: {  	_ = 	snop  }
0x23: {  	[tilespmem:s18], [sflag:$0x2] =	stream.indirect.gather [hbm4b:s1+s16], $0x80, s16, s16, $0xb8;
	[tilespmem:$0x1E400] =	vst v63  }
0x24: {  	_ =	swait.ge [sflag:s19], $0x4000  }
0x25: {  	[sflag:s19] =	ssyncset.done $0x0  }
0x26: {  	s26 =	simm.s32 $0x1400;
	[sflag:s19] =	ssyncadd.s32 $0xFFFFC000  }
0x27: {  	[spmem:s2] =	stream.indirect.scatter.add.f32 [tilespmem:s17], [sflag:$0x3], $0x80, s26, s16, $0xb8;
	[tilespmem:$0x1E400] =	vst v63  }
0x28: {  	_ =	swait.ge [sflag:s20], $0x4000  }
0x29: {  	[sflag:s20] =	ssyncset.done $0x0  }
0x2a: {  	[sflag:s20] =	ssyncadd.s32 $0xFFFFC000  }
0x2b: {  	_ =	swait.ge [sflag:s21], $0x4000  }
0x2c: {  	[sflag:s21] =	ssyncset.done $0x0  }
0x2d: {  	s30 =	simm.s32 $0x100;
	[sflag:s21] =	ssyncadd.s32 $0xFFFFC000  }
0x2e: {  	[tilespmem:s17], [sflag:$0x1] =	stream.indirect.gather [hbm4b:s1+s16], $0x80, s30, s16, $0xb8;
	[tilespmem:$0x1E400] =	vst v63  }
0x2f: {  	s31 =	simm.s32 $0x1480  }
0x30: {  	[spmem:s2] =	stream.indirect.scatter.add.f32 [tilespmem:s18], [sflag:$0x4], $0x80, s31, s16, $0xb8;
	[tilespmem:$0x1E400] =	vst v63  }
0x31: {  	_ =	swait.ge [sflag:s22], $0x4000  }
0x32: {  	[sflag:s22] =	ssyncset.done $0x0  }
0x33: {  	s28 =	simm.s32 $0x180;
	s26 =	simm.s32 $0x400;
	[sflag:s22] =	ssyncadd.s32 $0xFFFFC000  }
.LBB2_2:
0x34: {  	[tilespmem:s18], [sflag:$0x2] =	stream.indirect.gather [hbm4b:s1+s16], $0x80, s28, s16, $0xb8;
	[tilespmem:$0x1E400] =	vst v63  }
0x35: {  	s28 =	smov.u32 s26  }
0x36: {  	p0 =	sne.s32 s26, $0x4800;
	s26 =	sadd.s32 $0x400, s26;
	_ =	swait.ge [sflag:s19], $0x4000  }
0x37: {  	s28 =	sshra.s32 s28, $0x2;
	[sflag:s19] =	ssyncset.done $0x0  }
0x38: {  	s29 =	sadd.s32 $0x1400, s28;
	[sflag:s19] =	ssyncadd.s32 $0xFFFFC000  }
0x39: {  	[spmem:s2] =	stream.indirect.scatter.add.f32 [tilespmem:s17], [sflag:$0x3], $0x80, s29, s16, $0xb8;
	[tilespmem:$0x1E400] =	vst v63  }
0x3a: {  	_ =	swait.ge [sflag:s20], $0x4000  }
0x3b: {  	[sflag:s20] =	ssyncset.done $0x0  }
0x3c: {  	[sflag:s20] =	ssyncadd.s32 $0xFFFFC000  }
0x3d: {  	_ =	swait.ge [sflag:s21], $0x4000  }
0x3e: {  	[sflag:s21] =	ssyncset.done $0x0  }
0x3f: {  	s29 =	sadd.s32 $0x100, s28;
	[sflag:s21] =	ssyncadd.s32 $0xFFFFC000  }
0x40: {  	[tilespmem:s17], [sflag:$0x1] =	stream.indirect.gather [hbm4b:s1+s16], $0x80, s29, s16, $0xb8;
	[tilespmem:$0x1E400] =	vst v63  }
.Ltmp0:
0x41: {  	s29 =	sadd.s32 $0x1480, s28;
	(pc) =	sbr.rel @p0 .LBB2_2-.Ltmp0, $4  }
0x42: {  	[spmem:s2] =	stream.indirect.scatter.add.f32 [tilespmem:s18], [sflag:$0x4], $0x80, s29, s16, $0xb8;
	[tilespmem:$0x1E400] =	vst v63  }
0x43: {  	_ =	swait.ge [sflag:s22], $0x4000  }
0x44: {  	[sflag:s22] =	ssyncset.done $0x0  }
0x45: {  	s28 =	sadd.s32 $0x180, s28;
	[sflag:s22] =	ssyncadd.s32 $0xFFFFC000  }
0x46: {  	[tilespmem:s18], [sflag:$0x2] =	stream.indirect.gather [hbm4b:s1+s16], $0x80, s28, s16, $0xb8;
	[tilespmem:$0x1E400] =	vst v63  }
0x47: {  	_ =	swait.ge [sflag:s19], $0x4000  }
0x48: {  	[sflag:s19] =	ssyncset.done $0x0  }
0x49: {  	[sflag:s19] =	ssyncadd.s32 $0xFFFFC000  }
0x4a: {  	[spmem:s2] =	stream.indirect.scatter.add.f32 [tilespmem:s17], [sflag:$0x3], $0x80, s23, s16, $0xb8;
	[tilespmem:$0x1E400] =	vst v63  }
0x4b: {  	_ =	swait.ge [sflag:s20], $0x4000  }
0x4c: {  	[sflag:s20] =	ssyncset.done $0x0  }
0x4d: {  	[sflag:s20] =	ssyncadd.s32 $0xFFFFC000  }
0x4e: {  	[spmem:s2] =	stream.indirect.scatter.add.f32 [tilespmem:s18], [sflag:$0x4], $0x80, s24, s16, $0xb8;
	[tilespmem:$0x1E400] =	vst v63  }
0x4f: {  	_ =	swait.ge [sflag:s21], $0x4000  }
0x50: {  	[sflag:s21] =	ssyncset.done $0x0  }
0x51: {  	[sflag:s21] =	ssyncadd.s32 $0xFFFFC000  }
0x52: {  	_ =	swait.ge [sflag:s22], $0x4000  }
0x53: {  	[sflag:s22] =	ssyncset.done $0x0  }
0x54: {  	s26 =	simm.s32 $0x0;
	[sflag:s22] =	ssyncadd.s32 $0xFFFFC000  }
0x55: {  	[tilespmem:s26], [sflag:$0x5] =	stream.linear.gather [hbm4b:s9+s26], $0x1400, $0x38;
	[tilespmem:$0x1E400] =	vst v63  }
0x56: {  	_ =	swait.ge [sflag:s14], $0x1400  }
0x57: {  	[sflag:s14] =	ssyncset.done $0x0  }
0x58: {  	[sflag:s14] =	ssyncadd.s32 $0xFFFFEC00  }
0x59: {  	[tilespmem:s15], [sflag:$0x5] =	stream.linear.gather [hbm4b:s10+s26], $0x1400, $0x38;
	[tilespmem:$0x1E400] =	vst v63  }
0x5a: {  	_ =	swait.ge [sflag:s14], $0x1400  }
0x5b: {  	[sflag:s14] =	ssyncset.done $0x0  }
0x5c: {  	[sflag:s14] =	ssyncadd.s32 $0xFFFFEC00  }
0x5d: {  	[tilespmem:s17], [sflag:$0x1] =	stream.indirect.gather [hbm4b:s1+s16], $0x80, s26, s16, $0xb8;
	[tilespmem:$0x1E400] =	vst v63  }
0x5e: {  	_ = 	snop  }
0x5f: {  	[tilespmem:s18], [sflag:$0x2] =	stream.indirect.gather [hbm4b:s1+s16], $0x80, s16, s16, $0xb8;
	[tilespmem:$0x1E400] =	vst v63  }
0x60: {  	_ =	swait.ge [sflag:s19], $0x4000  }
0x61: {  	[sflag:s19] =	ssyncset.done $0x0  }
0x62: {  	s29 =	simm.s32 $0x1400;
	[sflag:s19] =	ssyncadd.s32 $0xFFFFC000  }
0x63: {  	[spmem:s2] =	stream.indirect.scatter.add.f32 [tilespmem:s17], [sflag:$0x3], $0x80, s29, s16, $0xb8;
	[tilespmem:$0x1E400] =	vst v63  }
0x64: {  	_ =	swait.ge [sflag:s20], $0x4000  }
0x65: {  	[sflag:s20] =	ssyncset.done $0x0  }
0x66: {  	[sflag:s20] =	ssyncadd.s32 $0xFFFFC000  }
0x67: {  	_ =	swait.ge [sflag:s21], $0x4000  }
0x68: {  	[sflag:s21] =	ssyncset.done $0x0  }
0x69: {  	s30 =	simm.s32 $0x100;
	[sflag:s21] =	ssyncadd.s32 $0xFFFFC000  }
0x6a: {  	[tilespmem:s17], [sflag:$0x1] =	stream.indirect.gather [hbm4b:s1+s16], $0x80, s30, s16, $0xb8;
	[tilespmem:$0x1E400] =	vst v63  }
0x6b: {  	s31 =	simm.s32 $0x1480  }
0x6c: {  	[spmem:s2] =	stream.indirect.scatter.add.f32 [tilespmem:s18], [sflag:$0x4], $0x80, s31, s16, $0xb8;
	[tilespmem:$0x1E400] =	vst v63  }
0x6d: {  	_ =	swait.ge [sflag:s22], $0x4000  }
0x6e: {  	[sflag:s22] =	ssyncset.done $0x0  }
0x6f: {  	s28 =	simm.s32 $0x180;
	s26 =	simm.s32 $0x400;
	[sflag:s22] =	ssyncadd.s32 $0xFFFFC000  }
.LBB2_4:
0x70: {  	[tilespmem:s18], [sflag:$0x2] =	stream.indirect.gather [hbm4b:s1+s16], $0x80, s28, s16, $0xb8;
	[tilespmem:$0x1E400] =	vst v63  }
0x71: {  	s28 =	smov.u32 s26  }
0x72: {  	p0 =	sne.s32 s26, $0x4800;
	s26 =	sadd.s32 $0x400, s26;
	_ =	swait.ge [sflag:s19], $0x4000  }
0x73: {  	s28 =	sshra.s32 s28, $0x2;
	[sflag:s19] =	ssyncset.done $0x0  }
0x74: {  	s29 =	sadd.s32 $0x1400, s28;
	[sflag:s19] =	ssyncadd.s32 $0xFFFFC000  }
0x75: {  	[spmem:s2] =	stream.indirect.scatter.add.f32 [tilespmem:s17], [sflag:$0x3], $0x80, s29, s16, $0xb8;
	[tilespmem:$0x1E400] =	vst v63  }
0x76: {  	_ =	swait.ge [sflag:s20], $0x4000  }
0x77: {  	[sflag:s20] =	ssyncset.done $0x0  }
0x78: {  	[sflag:s20] =	ssyncadd.s32 $0xFFFFC000  }
0x79: {  	_ =	swait.ge [sflag:s21], $0x4000  }
0x7a: {  	[sflag:s21] =	ssyncset.done $0x0  }
0x7b: {  	s29 =	sadd.s32 $0x100, s28;
	[sflag:s21] =	ssyncadd.s32 $0xFFFFC000  }
0x7c: {  	[tilespmem:s17], [sflag:$0x1] =	stream.indirect.gather [hbm4b:s1+s16], $0x80, s29, s16, $0xb8;
	[tilespmem:$0x1E400] =	vst v63  }
.Ltmp1:
0x7d: {  	s29 =	sadd.s32 $0x1480, s28;
	(pc) =	sbr.rel @p0 .LBB2_4-.Ltmp1, $4  }
0x7e: {  	[spmem:s2] =	stream.indirect.scatter.add.f32 [tilespmem:s18], [sflag:$0x4], $0x80, s29, s16, $0xb8;
	[tilespmem:$0x1E400] =	vst v63  }
0x7f: {  	_ =	swait.ge [sflag:s22], $0x4000  }
0x80: {  	[sflag:s22] =	ssyncset.done $0x0  }
0x81: {  	s28 =	sadd.s32 $0x180, s28;
	[sflag:s22] =	ssyncadd.s32 $0xFFFFC000  }
0x82: {  	[tilespmem:s18], [sflag:$0x2] =	stream.indirect.gather [hbm4b:s1+s16], $0x80, s28, s16, $0xb8;
	[tilespmem:$0x1E400] =	vst v63  }
0x83: {  	_ =	swait.ge [sflag:s19], $0x4000  }
0x84: {  	[sflag:s19] =	ssyncset.done $0x0  }
0x85: {  	[sflag:s19] =	ssyncadd.s32 $0xFFFFC000  }
0x86: {  	[spmem:s2] =	stream.indirect.scatter.add.f32 [tilespmem:s17], [sflag:$0x3], $0x80, s23, s16, $0xb8;
	[tilespmem:$0x1E400] =	vst v63  }
0x87: {  	_ =	swait.ge [sflag:s20], $0x4000  }
0x88: {  	[sflag:s20] =	ssyncset.done $0x0  }
0x89: {  	[sflag:s20] =	ssyncadd.s32 $0xFFFFC000  }
0x8a: {  	[spmem:s2] =	stream.indirect.scatter.add.f32 [tilespmem:s18], [sflag:$0x4], $0x80, s24, s16, $0xb8;
	[tilespmem:$0x1E400] =	vst v63  }
0x8b: {  	_ =	swait.ge [sflag:s21], $0x4000  }
0x8c: {  	[sflag:s21] =	ssyncset.done $0x0  }
0x8d: {  	[sflag:s21] =	ssyncadd.s32 $0xFFFFC000  }
0x8e: {  	_ =	swait.ge [sflag:s22], $0x4000  }
0x8f: {  	s25 =	sadd.s32 $0x1, s25;
	[sflag:s22] =	ssyncset.done $0x0  }
0x90: {  	p0 =	sne.s32 s25, s12;
	[sflag:s22] =	ssyncadd.s32 $0xFFFFC000  }
.Ltmp2:
0x91: {  	[bflag:$0x0] =	sbarrier.arrive $0xFFFF;
	(pc) =	sbr.rel @p0 .LBB2_1-.Ltmp2, $4  }
0x92: {  	[hbm:s11], [sflag:s6] =	dma.local [spmem:s13], $0x2780  }
0x93: {  	_ =	swait.ge [sflag:s14], $0x2780  }
0x94: {  	[sflag:s14] =	ssyncset.done $0x0  }
0x95: {  	[sflag:s14] =	ssyncadd.s32 $0xFFFFD880  }
0x96: {  	_ =	sfence.sel $0x180000  }
0x97: {  	[bflag:$0x0] =	sbarrier.arrive $0xFFFF  }
0x98: {  	p0 =	sne.s32 s3, $0x0;
	_ =	strace $0x9000004D  }
0x99: {  	s0 =	sadd.s32 @!p0 $0x100000, s0;
	[bflag:$0x2] =	sbarrier.arrive $0xFFFF  }
0x9a: {  	[sflag:s0] =	ssyncadd.tile.s32 @!p0 $0x1;
	_ =	shalt  }
.Lfunc_end2:
_tile_overlayer_lowered:
.L_overlay_start_2:
0x9b: {  	(tag) =	ssettag $0x2  }
0x9c: {  	s0 =	rddreg [dreg:$0x0];
	s2 =	stileid.u32  }
0x9d: {  	s1 =	rddreg [dreg:$0x1];
	p0 =	sne.s32 s2, $0x0  }
0x9e: {  	s3 =	rddreg [dreg:$0x2];
	[bflag:$0x3] =	sbarrier.arrive $0xFFFF;
	s2 =	simm.s32 @!p0 $0x1C05  }
0x9f: {  	[timem:s3], [sflag:s2] =	dma.local @!p0 [hbm:s0], s1  }
0xa0: {  	s0 =	simm.s32 @!p0 $0x5  }
0xa1: {  	_ =	swait.ge @!p0 [sflag:s0], s1  }
0xa2: {  	s1 =	ssub.s32 @!p0 $0x0, s1;
	[sflag:s0] =	ssyncset.done @!p0 $0x0  }
0xa3: {  	[sflag:s0] =	ssyncadd.s32 @!p0 s1  }
0xa4: {  	[bflag:$0x3] =	sbarrier.arrive $0xFFFF  }
0xa5: {  	_ =	shalt  }

</sc_bundles>
